<compile_context>
chip_gen: v7x
topology: tpu7x:2x2x1
jax: 0.10.2.dev20260603
libtpu: 0.0.44.dev20260713+nightly
codegen_flags: <defaults>
</compile_context>

<pallas_src>
import functools

import jax
import jax.numpy as jnp
from jax import lax
from jax.experimental import pallas as pl
from jax.experimental.pallas import tpu as pltpu
from jax.experimental.pallas import tpu_sc as plsc

SEQ = 16384
TOK = 20
D = 64
DP = 128
B = SEQ * TOK

_info = plsc.get_sparse_core_info()
NC, NS = _info.num_cores, _info.num_subcores
NW = NC * NS
SPW = SEQ // NW
CHUNK = 128
NCHUNK = B // NW // CHUNK
NBUF = 6

_mesh = plsc.VectorSubcoreMesh(core_axis_name="c", subcore_axis_name="s")

_scratch = (
    [pltpu.VMEM((SPW, TOK), jnp.int32)]
    + [pltpu.VMEM((CHUNK,), jnp.int32) for _ in range(NBUF)]
    + [pltpu.VMEM((CHUNK, DP), jnp.float32) for _ in range(NBUF)]
    + [pltpu.SemaphoreType.DMA for _ in range(2 * NBUF)]
)


@functools.partial(
    pl.kernel,
    mesh=_mesh,
    out_type=jax.ShapeDtypeStruct((B, DP), jnp.float32),
    scratch_types=_scratch,
    compiler_params=pltpu.CompilerParams(
        use_tc_tiling_on_sc=False, needs_layout_passes=False
    ),
)
def _gather(tids_hbm, table_hbm, out_hbm, ids_v, *rest):
    idx = rest[:NBUF]
    rows = rest[NBUF : 2 * NBUF]
    sem_g = rest[2 * NBUF : 3 * NBUF]
    sem_w = rest[3 * NBUF :]

    wid = lax.axis_index("s") * NC + lax.axis_index("c")
    ws = wid * SPW
    pltpu.sync_copy(tids_hbm.at[pl.ds(ws, SPW), :], ids_v)

    iota = lax.iota(jnp.int32, 16)

    def chunk_ts(j):
        csub = j // TOK
        t = j - csub * TOK
        return t, csub

    def extract_idx(j, b):
        t, csub = chunk_ts(j)
        col = jnp.full((16,), t, jnp.int32)
        for k in range(8):
            v = plsc.load_gather(ids_v, [csub * CHUNK + k * 16 + iota, col])
            idx[b][pl.ds(k * 16, 16)] = v

    def fire_gather(b):
        pltpu.async_copy(table_hbm.at[idx[b]], rows[b], sem_g[b])

    def wait_gather(b):
        pltpu.make_async_copy(table_hbm.at[idx[b]], rows[b], sem_g[b]).wait()

    def out_slice(j):
        t, csub = chunk_ts(j)
        return out_hbm.at[pl.ds(t * SEQ + ws + csub * CHUNK, CHUNK)]

    def fire_out(j, b):
        pltpu.async_copy(rows[b], out_slice(j), sem_w[b])

    def wait_out(j, b):
        pltpu.make_async_copy(rows[b], out_slice(j), sem_w[b]).wait()

    for b in range(NBUF):
        extract_idx(b, b)
        fire_gather(b)

    def outer(o, carry):
        for b in range(NBUF):
            j = o * NBUF + b
            wait_gather(b)
            fire_out(j, b)
            wait_out(j, b)
            extract_idx(j + NBUF, b)
            fire_gather(b)
        return carry

    lax.fori_loop(0, (NCHUNK - NBUF) // NBUF, outer, 0)

    for b in range(NBUF):
        j = NCHUNK - NBUF + b
        wait_gather(b)
        fire_out(j, b)
        wait_out(j, b)


def kernel(token_ids, weight):
    wp = jnp.pad(weight, ((0, 0), (0, DP - D)))
    out2d = _gather(token_ids.astype(jnp.int32), wp)[:, :D]
    return out2d.reshape(TOK, SEQ, D).transpose(1, 0, 2)

# --- scband reference (transcript-rebuilt; emitter-appended) ---
"""Pipeline reference for scband-embedding-77799037599992 (READ-ONLY COPY).

The authoritative reference and input builder live on the scoring server;
editing this copy changes nothing except your own understanding.
"""

import jax, jax.numpy as jnp
import numpy as np

NUM_EMBEDDINGS = 1000000
EMBEDDING_DIM = 64


def setup_inputs(seed: int = 0) -> dict:
    key = jax.random.key(seed)
    k1, k2 = jax.random.split(key)
    token_ids = jax.random.randint(k1, (16384, 20), 0, NUM_EMBEDDINGS, dtype=jnp.int64 if jax.config.jax_enable_x64 else jnp.int32)
    # trunc_normal_(mean=0, std=1, a=-3, b=3)
    weight = jax.random.truncated_normal(k2, -3.0, 3.0, (NUM_EMBEDDINGS, EMBEDDING_DIM), dtype=jnp.float32)
    return {"token_ids": token_ids, "weight": weight}


def reference(token_ids, weight):
    # Embedding lookup: weight[token_ids]
    return jnp.take(weight, token_ids, axis=0)

if __name__ == "__main__":
    import jax
    _d = setup_inputs()
    print(jax.jit(kernel)(*tuple(_d.values())))

</pallas_src>

<mosaic_0001>
#map = affine_map<(d0, d1) -> (0, 0)>
module attributes {stable_mosaic.version = 14 : i64} {
  func.func @_gather(%arg0: i32, %arg1: i32, %arg2: memref<16384x20xi32, #tpu.memory_space<hbm>>, %arg3: memref<1000000x128xf32, #tpu.memory_space<hbm>>, %arg4: memref<327680x128xf32, #tpu.memory_space<hbm>>, %arg5: memref<512x20xi32, #tpu.memory_space<vmem>>, %arg6: memref<128xi32, #tpu.memory_space<vmem>>, %arg7: memref<128xi32, #tpu.memory_space<vmem>>, %arg8: memref<128xi32, #tpu.memory_space<vmem>>, %arg9: memref<128xi32, #tpu.memory_space<vmem>>, %arg10: memref<128xi32, #tpu.memory_space<vmem>>, %arg11: memref<128xi32, #tpu.memory_space<vmem>>, %arg12: memref<128x128xf32, #tpu.memory_space<vmem>>, %arg13: memref<128x128xf32, #tpu.memory_space<vmem>>, %arg14: memref<128x128xf32, #tpu.memory_space<vmem>>, %arg15: memref<128x128xf32, #tpu.memory_space<vmem>>, %arg16: memref<128x128xf32, #tpu.memory_space<vmem>>, %arg17: memref<128x128xf32, #tpu.memory_space<vmem>>, %arg18: memref<!tpu.dma_semaphore, #tpu.memory_space<semaphore_mem>>, %arg19: memref<!tpu.dma_semaphore, #tpu.memory_space<semaphore_mem>>, %arg20: memref<!tpu.dma_semaphore, #tpu.memory_space<semaphore_mem>>, %arg21: memref<!tpu.dma_semaphore, #tpu.memory_space<semaphore_mem>>, %arg22: memref<!tpu.dma_semaphore, #tpu.memory_space<semaphore_mem>>, %arg23: memref<!tpu.dma_semaphore, #tpu.memory_space<semaphore_mem>>, %arg24: memref<!tpu.dma_semaphore, #tpu.memory_space<semaphore_mem>>, %arg25: memref<!tpu.dma_semaphore, #tpu.memory_space<semaphore_mem>>, %arg26: memref<!tpu.dma_semaphore, #tpu.memory_space<semaphore_mem>>, %arg27: memref<!tpu.dma_semaphore, #tpu.memory_space<semaphore_mem>>, %arg28: memref<!tpu.dma_semaphore, #tpu.memory_space<semaphore_mem>>, %arg29: memref<!tpu.dma_semaphore, #tpu.memory_space<semaphore_mem>>) attributes {dimension_semantics = [#tpu.dimension_semantics<core_parallel>, #tpu.dimension_semantics<subcore_parallel>], iteration_bounds = array<i64: 2, 16>, scalar_prefetch = 0 : i64, scratch_operands = 25 : i64, tpu.core_type = #tpu.core_type<sc_vector_subcore>, window_params = [{transform_indices = #map}, {transform_indices = #map}, {transform_indices = #map}]} {
    %mul3A = arith.constant 2 : i32
    %mul3A_0 = arith.muli %arg1, %mul3A : i32
    %add3A = arith.addi %mul3A_0, %arg0 : i32
    %mul3A_1 = arith.constant 512 : i32
    %mul3A_2 = arith.muli %add3A, %mul3A_1 : i32
    "tpu.region"() ({
      %run_scoped3A = tpu.sem_alloc : memref<!tpu.dma_semaphore, #tpu.memory_space<semaphore_mem>>
      %dma_start3A_435 = arith.constant 0 : i32
      %dma_start3A_436 = tpu.memref_slice %arg2[%mul3A_2, %dma_start3A_435] : memref<16384x20xi32, #tpu.memory_space<hbm>> -> memref<512x20xi32, #tpu.memory_space<hbm>>
      %dma_start3A_437 = arith.constant 0 : i32
      %dma_start3A_438 = tpu.memref_slice %arg2[%mul3A_2, %dma_start3A_437] : memref<16384x20xi32, #tpu.memory_space<hbm>> -> memref<512x20xi32, #tpu.memory_space<hbm>>
      tpu.enqueue_dma source(%dma_start3A_438 : memref<512x20xi32, #tpu.memory_space<hbm>>) target(%arg5 : memref<512x20xi32, #tpu.memory_space<vmem>>) target_semaphore(%run_scoped3A : memref<!tpu.dma_semaphore, #tpu.memory_space<semaphore_mem>>)
      %dma_wait3A_439 = arith.constant 0 : i32
      %dma_wait3A_440 = tpu.memref_slice %arg2[%mul3A_2, %dma_wait3A_439] : memref<16384x20xi32, #tpu.memory_space<hbm>> -> memref<512x20xi32, #tpu.memory_space<hbm>>
      %dma_wait3A_441 = arith.constant 0 : i32
      %dma_wait3A_442 = tpu.memref_slice %arg2[%mul3A_2, %dma_wait3A_441] : memref<16384x20xi32, #tpu.memory_space<hbm>> -> memref<512x20xi32, #tpu.memory_space<hbm>>
      tpu.wait_dma2 semaphore(%run_scoped3A : memref<!tpu.dma_semaphore, #tpu.memory_space<semaphore_mem>>) src(%dma_wait3A_442 : memref<512x20xi32, #tpu.memory_space<hbm>>) dst(%arg5 : memref<512x20xi32, #tpu.memory_space<vmem>>)
      tpu.yield
    }) : () -> ()
    %iota3A = tpu.iota {dimensions = array<i32: 0>} : vector<16xi32>
    %broadcast_in_dim3A = arith.constant 0 : i32
    %broadcast_in_dim3A_3 = vector.broadcast %broadcast_in_dim3A : i32 to vector<16xi32>
    %add3A_4 = arith.constant 0 : i32
    %add3A_5 = vector.broadcast %add3A_4 : i32 to vector<16xi32>
    %add3A_6 = arith.addi %add3A_5, %iota3A : vector<16xi32>
    %gather3A = tpu.vector_load_idx %arg5[%add3A_6, %broadcast_in_dim3A_3] : memref<512x20xi32, #tpu.memory_space<vmem>>[vector<16xi32>, vector<16xi32>], vector<16xi32>,
    %swap3A = arith.constant 0 : index
    %swap3A_7 = tpu.vector_load %arg6[%swap3A] {strides = array<i32>} : memref<128xi32, #tpu.memory_space<vmem>>, vector<16xi32>,
    tpu.vector_store %arg6[%swap3A], %gather3A {strides = array<i32>} : memref<128xi32, #tpu.memory_space<vmem>>, vector<16xi32>,
    %add3A_8 = arith.constant 16 : i32
    %add3A_9 = vector.broadcast %add3A_8 : i32 to vector<16xi32>
    %add3A_10 = arith.addi %add3A_9, %iota3A : vector<16xi32>
    %gather3A_11 = tpu.vector_load_idx %arg5[%add3A_10, %broadcast_in_dim3A_3] : memref<512x20xi32, #tpu.memory_space<vmem>>[vector<16xi32>, vector<16xi32>], vector<16xi32>,
    %swap3A_12 = arith.constant 16 : index
    %swap3A_13 = tpu.vector_load %arg6[%swap3A_12] {strides = array<i32>} : memref<128xi32, #tpu.memory_space<vmem>>, vector<16xi32>,
    tpu.vector_store %arg6[%swap3A_12], %gather3A_11 {strides = array<i32>} : memref<128xi32, #tpu.memory_space<vmem>>, vector<16xi32>,
    %add3A_14 = arith.constant 32 : i32
    %add3A_15 = vector.broadcast %add3A_14 : i32 to vector<16xi32>
    %add3A_16 = arith.addi %add3A_15, %iota3A : vector<16xi32>
    %gather3A_17 = tpu.vector_load_idx %arg5[%add3A_16, %broadcast_in_dim3A_3] : memref<512x20xi32, #tpu.memory_space<vmem>>[vector<16xi32>, vector<16xi32>], vector<16xi32>,
    %swap3A_18 = arith.constant 32 : index
    %swap3A_19 = tpu.vector_load %arg6[%swap3A_18] {strides = array<i32>} : memref<128xi32, #tpu.memory_space<vmem>>, vector<16xi32>,
    tpu.vector_store %arg6[%swap3A_18], %gather3A_17 {strides = array<i32>} : memref<128xi32, #tpu.memory_space<vmem>>, vector<16xi32>,
    %add3A_20 = arith.constant 48 : i32
    %add3A_21 = vector.broadcast %add3A_20 : i32 to vector<16xi32>
    %add3A_22 = arith.addi %add3A_21, %iota3A : vector<16xi32>
    %gather3A_23 = tpu.vector_load_idx %arg5[%add3A_22, %broadcast_in_dim3A_3] : memref<512x20xi32, #tpu.memory_space<vmem>>[vector<16xi32>, vector<16xi32>], vector<16xi32>,
    %swap3A_24 = arith.constant 48 : index
    %swap3A_25 = tpu.vector_load %arg6[%swap3A_24] {strides = array<i32>} : memref<128xi32, #tpu.memory_space<vmem>>, vector<16xi32>,
    tpu.vector_store %arg6[%swap3A_24], %gather3A_23 {strides = array<i32>} : memref<128xi32, #tpu.memory_space<vmem>>, vector<16xi32>,
    %add3A_26 = arith.constant 64 : i32
    %add3A_27 = vector.broadcast %add3A_26 : i32 to vector<16xi32>
    %add3A_28 = arith.addi %add3A_27, %iota3A : vector<16xi32>
    %gather3A_29 = tpu.vector_load_idx %arg5[%add3A_28, %broadcast_in_dim3A_3] : memref<512x20xi32, #tpu.memory_space<vmem>>[vector<16xi32>, vector<16xi32>], vector<16xi32>,
    %swap3A_30 = arith.constant 64 : index
    %swap3A_31 = tpu.vector_load %arg6[%swap3A_30] {strides = array<i32>} : memref<128xi32, #tpu.memory_space<vmem>>, vector<16xi32>,
    tpu.vector_store %arg6[%swap3A_30], %gather3A_29 {strides = array<i32>} : memref<128xi32, #tpu.memory_space<vmem>>, vector<16xi32>,
    %add3A_32 = arith.constant 80 : i32
    %add3A_33 = vector.broadcast %add3A_32 : i32 to vector<16xi32>
    %add3A_34 = arith.addi %add3A_33, %iota3A : vector<16xi32>
    %gather3A_35 = tpu.vector_load_idx %arg5[%add3A_34, %broadcast_in_dim3A_3] : memref<512x20xi32, #tpu.memory_space<vmem>>[vector<16xi32>, vector<16xi32>], vector<16xi32>,
    %swap3A_36 = arith.constant 80 : index
    %swap3A_37 = tpu.vector_load %arg6[%swap3A_36] {strides = array<i32>} : memref<128xi32, #tpu.memory_space<vmem>>, vector<16xi32>,
    tpu.vector_store %arg6[%swap3A_36], %gather3A_35 {strides = array<i32>} : memref<128xi32, #tpu.memory_space<vmem>>, vector<16xi32>,
    %add3A_38 = arith.constant 96 : i32
    %add3A_39 = vector.broadcast %add3A_38 : i32 to vector<16xi32>
    %add3A_40 = arith.addi %add3A_39, %iota3A : vector<16xi32>
    %gather3A_41 = tpu.vector_load_idx %arg5[%add3A_40, %broadcast_in_dim3A_3] : memref<512x20xi32, #tpu.memory_space<vmem>>[vector<16xi32>, vector<16xi32>], vector<16xi32>,
    %swap3A_42 = arith.constant 96 : index
    %swap3A_43 = tpu.vector_load %arg6[%swap3A_42] {strides = array<i32>} : memref<128xi32, #tpu.memory_space<vmem>>, vector<16xi32>,
    tpu.vector_store %arg6[%swap3A_42], %gather3A_41 {strides = array<i32>} : memref<128xi32, #tpu.memory_space<vmem>>, vector<16xi32>,
    %add3A_44 = arith.constant 112 : i32
    %add3A_45 = vector.broadcast %add3A_44 : i32 to vector<16xi32>
    %add3A_46 = arith.addi %add3A_45, %iota3A : vector<16xi32>
    %gather3A_47 = tpu.vector_load_idx %arg5[%add3A_46, %broadcast_in_dim3A_3] : memref<512x20xi32, #tpu.memory_space<vmem>>[vector<16xi32>, vector<16xi32>], vector<16xi32>,
    %swap3A_48 = arith.constant 112 : index
    %swap3A_49 = tpu.vector_load %arg6[%swap3A_48] {strides = array<i32>} : memref<128xi32, #tpu.memory_space<vmem>>, vector<16xi32>,
    tpu.vector_store %arg6[%swap3A_48], %gather3A_47 {strides = array<i32>} : memref<128xi32, #tpu.memory_space<vmem>>, vector<16xi32>,
    %dma_start3A = arith.constant 0 : i32
    %dma_start3A_50 = arith.constant 0 : i32
    %dma_start3A_51 = tpu.memref_slice %arg3[%dma_start3A, %dma_start3A_50] : memref<1000000x128xf32, #tpu.memory_space<hbm>> -> memref<1000000x128xf32, #tpu.memory_space<hbm>>
    tpu.enqueue_indirect_dma source(%dma_start3A_51 : memref<1000000x128xf32, #tpu.memory_space<hbm>>) target(%arg12 : memref<128x128xf32, #tpu.memory_space<vmem>>) offsets(%arg6 : memref<128xi32, #tpu.memory_space<vmem>>) semaphore(%arg18 : memref<!tpu.dma_semaphore, #tpu.memory_space<semaphore_mem>>)
    %broadcast_in_dim3A_52 = arith.constant 1 : i32
    %broadcast_in_dim3A_53 = vector.broadcast %broadcast_in_dim3A_52 : i32 to vector<16xi32>
    %add3A_54 = arith.constant 0 : i32
    %add3A_55 = vector.broadcast %add3A_54 : i32 to vector<16xi32>
    %add3A_56 = arith.addi %add3A_55, %iota3A : vector<16xi32>
    %gather3A_57 = tpu.vector_load_idx %arg5[%add3A_56, %broadcast_in_dim3A_53] : memref<512x20xi32, #tpu.memory_space<vmem>>[vector<16xi32>, vector<16xi32>], vector<16xi32>,
    %swap3A_58 = arith.constant 0 : index
    %swap3A_59 = tpu.vector_load %arg7[%swap3A_58] {strides = array<i32>} : memref<128xi32, #tpu.memory_space<vmem>>, vector<16xi32>,
    tpu.vector_store %arg7[%swap3A_58], %gather3A_57 {strides = array<i32>} : memref<128xi32, #tpu.memory_space<vmem>>, vector<16xi32>,
    %add3A_60 = arith.constant 16 : i32
    %add3A_61 = vector.broadcast %add3A_60 : i32 to vector<16xi32>
    %add3A_62 = arith.addi %add3A_61, %iota3A : vector<16xi32>
    %gather3A_63 = tpu.vector_load_idx %arg5[%add3A_62, %broadcast_in_dim3A_53] : memref<512x20xi32, #tpu.memory_space<vmem>>[vector<16xi32>, vector<16xi32>], vector<16xi32>,
    %swap3A_64 = arith.constant 16 : index
    %swap3A_65 = tpu.vector_load %arg7[%swap3A_64] {strides = array<i32>} : memref<128xi32, #tpu.memory_space<vmem>>, vector<16xi32>,
    tpu.vector_store %arg7[%swap3A_64], %gather3A_63 {strides = array<i32>} : memref<128xi32, #tpu.memory_space<vmem>>, vector<16xi32>,
    %add3A_66 = arith.constant 32 : i32
    %add3A_67 = vector.broadcast %add3A_66 : i32 to vector<16xi32>
    %add3A_68 = arith.addi %add3A_67, %iota3A : vector<16xi32>
    %gather3A_69 = tpu.vector_load_idx %arg5[%add3A_68, %broadcast_in_dim3A_53] : memref<512x20xi32, #tpu.memory_space<vmem>>[vector<16xi32>, vector<16xi32>], vector<16xi32>,
    %swap3A_70 = arith.constant 32 : index
    %swap3A_71 = tpu.vector_load %arg7[%swap3A_70] {strides = array<i32>} : memref<128xi32, #tpu.memory_space<vmem>>, vector<16xi32>,
    tpu.vector_store %arg7[%swap3A_70], %gather3A_69 {strides = array<i32>} : memref<128xi32, #tpu.memory_space<vmem>>, vector<16xi32>,
    %add3A_72 = arith.constant 48 : i32
    %add3A_73 = vector.broadcast %add3A_72 : i32 to vector<16xi32>
    %add3A_74 = arith.addi %add3A_73, %iota3A : vector<16xi32>
    %gather3A_75 = tpu.vector_load_idx %arg5[%add3A_74, %broadcast_in_dim3A_53] : memref<512x20xi32, #tpu.memory_space<vmem>>[vector<16xi32>, vector<16xi32>], vector<16xi32>,
    %swap3A_76 = arith.constant 48 : index
    %swap3A_77 = tpu.vector_load %arg7[%swap3A_76] {strides = array<i32>} : memref<128xi32, #tpu.memory_space<vmem>>, vector<16xi32>,
    tpu.vector_store %arg7[%swap3A_76], %gather3A_75 {strides = array<i32>} : memref<128xi32, #tpu.memory_space<vmem>>, vector<16xi32>,
    %add3A_78 = arith.constant 64 : i32
    %add3A_79 = vector.broadcast %add3A_78 : i32 to vector<16xi32>
    %add3A_80 = arith.addi %add3A_79, %iota3A : vector<16xi32>
    %gather3A_81 = tpu.vector_load_idx %arg5[%add3A_80, %broadcast_in_dim3A_53] : memref<512x20xi32, #tpu.memory_space<vmem>>[vector<16xi32>, vector<16xi32>], vector<16xi32>,
    %swap3A_82 = arith.constant 64 : index
    %swap3A_83 = tpu.vector_load %arg7[%swap3A_82] {strides = array<i32>} : memref<128xi32, #tpu.memory_space<vmem>>, vector<16xi32>,
    tpu.vector_store %arg7[%swap3A_82], %gather3A_81 {strides = array<i32>} : memref<128xi32, #tpu.memory_space<vmem>>, vector<16xi32>,
    %add3A_84 = arith.constant 80 : i32
    %add3A_85 = vector.broadcast %add3A_84 : i32 to vector<16xi32>
    %add3A_86 = arith.addi %add3A_85, %iota3A : vector<16xi32>
    %gather3A_87 = tpu.vector_load_idx %arg5[%add3A_86, %broadcast_in_dim3A_53] : memref<512x20xi32, #tpu.memory_space<vmem>>[vector<16xi32>, vector<16xi32>], vector<16xi32>,
    %swap3A_88 = arith.constant 80 : index
    %swap3A_89 = tpu.vector_load %arg7[%swap3A_88] {strides = array<i32>} : memref<128xi32, #tpu.memory_space<vmem>>, vector<16xi32>,
    tpu.vector_store %arg7[%swap3A_88], %gather3A_87 {strides = array<i32>} : memref<128xi32, #tpu.memory_space<vmem>>, vector<16xi32>,
    %add3A_90 = arith.constant 96 : i32
    %add3A_91 = vector.broadcast %add3A_90 : i32 to vector<16xi32>
    %add3A_92 = arith.addi %add3A_91, %iota3A : vector<16xi32>
    %gather3A_93 = tpu.vector_load_idx %arg5[%add3A_92, %broadcast_in_dim3A_53] : memref<512x20xi32, #tpu.memory_space<vmem>>[vector<16xi32>, vector<16xi32>], vector<16xi32>,
    %swap3A_94 = arith.constant 96 : index
    %swap3A_95 = tpu.vector_load %arg7[%swap3A_94] {strides = array<i32>} : memref<128xi32, #tpu.memory_space<vmem>>, vector<16xi32>,
    tpu.vector_store %arg7[%swap3A_94], %gather3A_93 {strides = array<i32>} : memref<128xi32, #tpu.memory_space<vmem>>, vector<16xi32>,
    %add3A_96 = arith.constant 112 : i32
    %add3A_97 = vector.broadcast %add3A_96 : i32 to vector<16xi32>
    %add3A_98 = arith.addi %add3A_97, %iota3A : vector<16xi32>
    %gather3A_99 = tpu.vector_load_idx %arg5[%add3A_98, %broadcast_in_dim3A_53] : memref<512x20xi32, #tpu.memory_space<vmem>>[vector<16xi32>, vector<16xi32>], vector<16xi32>,
    %swap3A_100 = arith.constant 112 : index
    %swap3A_101 = tpu.vector_load %arg7[%swap3A_100] {strides = array<i32>} : memref<128xi32, #tpu.memory_space<vmem>>, vector<16xi32>,
    tpu.vector_store %arg7[%swap3A_100], %gather3A_99 {strides = array<i32>} : memref<128xi32, #tpu.memory_space<vmem>>, vector<16xi32>,
    %dma_start3A_102 = arith.constant 0 : i32
    %dma_start3A_103 = arith.constant 0 : i32
    %dma_start3A_104 = tpu.memref_slice %arg3[%dma_start3A_102, %dma_start3A_103] : memref<1000000x128xf32, #tpu.memory_space<hbm>> -> memref<1000000x128xf32, #tpu.memory_space<hbm>>
    tpu.enqueue_indirect_dma source(%dma_start3A_104 : memref<1000000x128xf32, #tpu.memory_space<hbm>>) target(%arg13 : memref<128x128xf32, #tpu.memory_space<vmem>>) offsets(%arg7 : memref<128xi32, #tpu.memory_space<vmem>>) semaphore(%arg19 : memref<!tpu.dma_semaphore, #tpu.memory_space<semaphore_mem>>)
    %broadcast_in_dim3A_105 = arith.constant 2 : i32
    %broadcast_in_dim3A_106 = vector.broadcast %broadcast_in_dim3A_105 : i32 to vector<16xi32>
    %add3A_107 = arith.constant 0 : i32
    %add3A_108 = vector.broadcast %add3A_107 : i32 to vector<16xi32>
    %add3A_109 = arith.addi %add3A_108, %iota3A : vector<16xi32>
    %gather3A_110 = tpu.vector_load_idx %arg5[%add3A_109, %broadcast_in_dim3A_106] : memref<512x20xi32, #tpu.memory_space<vmem>>[vector<16xi32>, vector<16xi32>], vector<16xi32>,
    %swap3A_111 = arith.constant 0 : index
    %swap3A_112 = tpu.vector_load %arg8[%swap3A_111] {strides = array<i32>} : memref<128xi32, #tpu.memory_space<vmem>>, vector<16xi32>,
    tpu.vector_store %arg8[%swap3A_111], %gather3A_110 {strides = array<i32>} : memref<128xi32, #tpu.memory_space<vmem>>, vector<16xi32>,
    %add3A_113 = arith.constant 16 : i32
    %add3A_114 = vector.broadcast %add3A_113 : i32 to vector<16xi32>
    %add3A_115 = arith.addi %add3A_114, %iota3A : vector<16xi32>
    %gather3A_116 = tpu.vector_load_idx %arg5[%add3A_115, %broadcast_in_dim3A_106] : memref<512x20xi32, #tpu.memory_space<vmem>>[vector<16xi32>, vector<16xi32>], vector<16xi32>,
    %swap3A_117 = arith.constant 16 : index
    %swap3A_118 = tpu.vector_load %arg8[%swap3A_117] {strides = array<i32>} : memref<128xi32, #tpu.memory_space<vmem>>, vector<16xi32>,
    tpu.vector_store %arg8[%swap3A_117], %gather3A_116 {strides = array<i32>} : memref<128xi32, #tpu.memory_space<vmem>>, vector<16xi32>,
    %add3A_119 = arith.constant 32 : i32
    %add3A_120 = vector.broadcast %add3A_119 : i32 to vector<16xi32>
    %add3A_121 = arith.addi %add3A_120, %iota3A : vector<16xi32>
    %gather3A_122 = tpu.vector_load_idx %arg5[%add3A_121, %broadcast_in_dim3A_106] : memref<512x20xi32, #tpu.memory_space<vmem>>[vector<16xi32>, vector<16xi32>], vector<16xi32>,
    %swap3A_123 = arith.constant 32 : index
    %swap3A_124 = tpu.vector_load %arg8[%swap3A_123] {strides = array<i32>} : memref<128xi32, #tpu.memory_space<vmem>>, vector<16xi32>,
    tpu.vector_store %arg8[%swap3A_123], %gather3A_122 {strides = array<i32>} : memref<128xi32, #tpu.memory_space<vmem>>, vector<16xi32>,
    %add3A_125 = arith.constant 48 : i32
    %add3A_126 = vector.broadcast %add3A_125 : i32 to vector<16xi32>
    %add3A_127 = arith.addi %add3A_126, %iota3A : vector<16xi32>
    %gather3A_128 = tpu.vector_load_idx %arg5[%add3A_127, %broadcast_in_dim3A_106] : memref<512x20xi32, #tpu.memory_space<vmem>>[vector<16xi32>, vector<16xi32>], vector<16xi32>,
    %swap3A_129 = arith.constant 48 : index
    %swap3A_130 = tpu.vector_load %arg8[%swap3A_129] {strides = array<i32>} : memref<128xi32, #tpu.memory_space<vmem>>, vector<16xi32>,
    tpu.vector_store %arg8[%swap3A_129], %gather3A_128 {strides = array<i32>} : memref<128xi32, #tpu.memory_space<vmem>>, vector<16xi32>,
    %add3A_131 = arith.constant 64 : i32
    %add3A_132 = vector.broadcast %add3A_131 : i32 to vector<16xi32>
    %add3A_133 = arith.addi %add3A_132, %iota3A : vector<16xi32>
    %gather3A_134 = tpu.vector_load_idx %arg5[%add3A_133, %broadcast_in_dim3A_106] : memref<512x20xi32, #tpu.memory_space<vmem>>[vector<16xi32>, vector<16xi32>], vector<16xi32>,
    %swap3A_135 = arith.constant 64 : index
    %swap3A_136 = tpu.vector_load %arg8[%swap3A_135] {strides = array<i32>} : memref<128xi32, #tpu.memory_space<vmem>>, vector<16xi32>,
    tpu.vector_store %arg8[%swap3A_135], %gather3A_134 {strides = array<i32>} : memref<128xi32, #tpu.memory_space<vmem>>, vector<16xi32>,
    %add3A_137 = arith.constant 80 : i32
    %add3A_138 = vector.broadcast %add3A_137 : i32 to vector<16xi32>
    %add3A_139 = arith.addi %add3A_138, %iota3A : vector<16xi32>
    %gather3A_140 = tpu.vector_load_idx %arg5[%add3A_139, %broadcast_in_dim3A_106] : memref<512x20xi32, #tpu.memory_space<vmem>>[vector<16xi32>, vector<16xi32>], vector<16xi32>,
    %swap3A_141 = arith.constant 80 : index
    %swap3A_142 = tpu.vector_load %arg8[%swap3A_141] {strides = array<i32>} : memref<128xi32, #tpu.memory_space<vmem>>, vector<16xi32>,
    tpu.vector_store %arg8[%swap3A_141], %gather3A_140 {strides = array<i32>} : memref<128xi32, #tpu.memory_space<vmem>>, vector<16xi32>,
    %add3A_143 = arith.constant 96 : i32
    %add3A_144 = vector.broadcast %add3A_143 : i32 to vector<16xi32>
    %add3A_145 = arith.addi %add3A_144, %iota3A : vector<16xi32>
    %gather3A_146 = tpu.vector_load_idx %arg5[%add3A_145, %broadcast_in_dim3A_106] : memref<512x20xi32, #tpu.memory_space<vmem>>[vector<16xi32>, vector<16xi32>], vector<16xi32>,
    %swap3A_147 = arith.constant 96 : index
    %swap3A_148 = tpu.vector_load %arg8[%swap3A_147] {strides = array<i32>} : memref<128xi32, #tpu.memory_space<vmem>>, vector<16xi32>,
    tpu.vector_store %arg8[%swap3A_147], %gather3A_146 {strides = array<i32>} : memref<128xi32, #tpu.memory_space<vmem>>, vector<16xi32>,
    %add3A_149 = arith.constant 112 : i32
    %add3A_150 = vector.broadcast %add3A_149 : i32 to vector<16xi32>
    %add3A_151 = arith.addi %add3A_150, %iota3A : vector<16xi32>
    %gather3A_152 = tpu.vector_load_idx %arg5[%add3A_151, %broadcast_in_dim3A_106] : memref<512x20xi32, #tpu.memory_space<vmem>>[vector<16xi32>, vector<16xi32>], vector<16xi32>,
    %swap3A_153 = arith.constant 112 : index
    %swap3A_154 = tpu.vector_load %arg8[%swap3A_153] {strides = array<i32>} : memref<128xi32, #tpu.memory_space<vmem>>, vector<16xi32>,
    tpu.vector_store %arg8[%swap3A_153], %gather3A_152 {strides = array<i32>} : memref<128xi32, #tpu.memory_space<vmem>>, vector<16xi32>,
    %dma_start3A_155 = arith.constant 0 : i32
    %dma_start3A_156 = arith.constant 0 : i32
    %dma_start3A_157 = tpu.memref_slice %arg3[%dma_start3A_155, %dma_start3A_156] : memref<1000000x128xf32, #tpu.memory_space<hbm>> -> memref<1000000x128xf32, #tpu.memory_space<hbm>>
    tpu.enqueue_indirect_dma source(%dma_start3A_157 : memref<1000000x128xf32, #tpu.memory_space<hbm>>) target(%arg14 : memref<128x128xf32, #tpu.memory_space<vmem>>) offsets(%arg8 : memref<128xi32, #tpu.memory_space<vmem>>) semaphore(%arg20 : memref<!tpu.dma_semaphore, #tpu.memory_space<semaphore_mem>>)
    %broadcast_in_dim3A_158 = arith.constant 3 : i32
    %broadcast_in_dim3A_159 = vector.broadcast %broadcast_in_dim3A_158 : i32 to vector<16xi32>
    %add3A_160 = arith.constant 0 : i32
    %add3A_161 = vector.broadcast %add3A_160 : i32 to vector<16xi32>
    %add3A_162 = arith.addi %add3A_161, %iota3A : vector<16xi32>
    %gather3A_163 = tpu.vector_load_idx %arg5[%add3A_162, %broadcast_in_dim3A_159] : memref<512x20xi32, #tpu.memory_space<vmem>>[vector<16xi32>, vector<16xi32>], vector<16xi32>,
    %swap3A_164 = arith.constant 0 : index
    %swap3A_165 = tpu.vector_load %arg9[%swap3A_164] {strides = array<i32>} : memref<128xi32, #tpu.memory_space<vmem>>, vector<16xi32>,
    tpu.vector_store %arg9[%swap3A_164], %gather3A_163 {strides = array<i32>} : memref<128xi32, #tpu.memory_space<vmem>>, vector<16xi32>,
    %add3A_166 = arith.constant 16 : i32
    %add3A_167 = vector.broadcast %add3A_166 : i32 to vector<16xi32>
    %add3A_168 = arith.addi %add3A_167, %iota3A : vector<16xi32>
    %gather3A_169 = tpu.vector_load_idx %arg5[%add3A_168, %broadcast_in_dim3A_159] : memref<512x20xi32, #tpu.memory_space<vmem>>[vector<16xi32>, vector<16xi32>], vector<16xi32>,
    %swap3A_170 = arith.constant 16 : index
    %swap3A_171 = tpu.vector_load %arg9[%swap3A_170] {strides = array<i32>} : memref<128xi32, #tpu.memory_space<vmem>>, vector<16xi32>,
    tpu.vector_store %arg9[%swap3A_170], %gather3A_169 {strides = array<i32>} : memref<128xi32, #tpu.memory_space<vmem>>, vector<16xi32>,
    %add3A_172 = arith.constant 32 : i32
    %add3A_173 = vector.broadcast %add3A_172 : i32 to vector<16xi32>
    %add3A_174 = arith.addi %add3A_173, %iota3A : vector<16xi32>
    %gather3A_175 = tpu.vector_load_idx %arg5[%add3A_174, %broadcast_in_dim3A_159] : memref<512x20xi32, #tpu.memory_space<vmem>>[vector<16xi32>, vector<16xi32>], vector<16xi32>,
    %swap3A_176 = arith.constant 32 : index
    %swap3A_177 = tpu.vector_load %arg9[%swap3A_176] {strides = array<i32>} : memref<128xi32, #tpu.memory_space<vmem>>, vector<16xi32>,
    tpu.vector_store %arg9[%swap3A_176], %gather3A_175 {strides = array<i32>} : memref<128xi32, #tpu.memory_space<vmem>>, vector<16xi32>,
    %add3A_178 = arith.constant 48 : i32
    %add3A_179 = vector.broadcast %add3A_178 : i32 to vector<16xi32>
    %add3A_180 = arith.addi %add3A_179, %iota3A : vector<16xi32>
    %gather3A_181 = tpu.vector_load_idx %arg5[%add3A_180, %broadcast_in_dim3A_159] : memref<512x20xi32, #tpu.memory_space<vmem>>[vector<16xi32>, vector<16xi32>], vector<16xi32>,
    %swap3A_182 = arith.constant 48 : index
    %swap3A_183 = tpu.vector_load %arg9[%swap3A_182] {strides = array<i32>} : memref<128xi32, #tpu.memory_space<vmem>>, vector<16xi32>,
    tpu.vector_store %arg9[%swap3A_182], %gather3A_181 {strides = array<i32>} : memref<128xi32, #tpu.memory_space<vmem>>, vector<16xi32>,
    %add3A_184 = arith.constant 64 : i32
    %add3A_185 = vector.broadcast %add3A_184 : i32 to vector<16xi32>
    %add3A_186 = arith.addi %add3A_185, %iota3A : vector<16xi32>
    %gather3A_187 = tpu.vector_load_idx %arg5[%add3A_186, %broadcast_in_dim3A_159] : memref<512x20xi32, #tpu.memory_space<vmem>>[vector<16xi32>, vector<16xi32>], vector<16xi32>,
    %swap3A_188 = arith.constant 64 : index
    %swap3A_189 = tpu.vector_load %arg9[%swap3A_188] {strides = array<i32>} : memref<128xi32, #tpu.memory_space<vmem>>, vector<16xi32>,
    tpu.vector_store %arg9[%swap3A_188], %gather3A_187 {strides = array<i32>} : memref<128xi32, #tpu.memory_space<vmem>>, vector<16xi32>,
    %add3A_190 = arith.constant 80 : i32
    %add3A_191 = vector.broadcast %add3A_190 : i32 to vector<16xi32>
    %add3A_192 = arith.addi %add3A_191, %iota3A : vector<16xi32>
    %gather3A_193 = tpu.vector_load_idx %arg5[%add3A_192, %broadcast_in_dim3A_159] : memref<512x20xi32, #tpu.memory_space<vmem>>[vector<16xi32>, vector<16xi32>], vector<16xi32>,
    %swap3A_194 = arith.constant 80 : index
    %swap3A_195 = tpu.vector_load %arg9[%swap3A_194] {strides = array<i32>} : memref<128xi32, #tpu.memory_space<vmem>>, vector<16xi32>,
    tpu.vector_store %arg9[%swap3A_194], %gather3A_193 {strides = array<i32>} : memref<128xi32, #tpu.memory_space<vmem>>, vector<16xi32>,
    %add3A_196 = arith.constant 96 : i32
    %add3A_197 = vector.broadcast %add3A_196 : i32 to vector<16xi32>
    %add3A_198 = arith.addi %add3A_197, %iota3A : vector<16xi32>
    %gather3A_199 = tpu.vector_load_idx %arg5[%add3A_198, %broadcast_in_dim3A_159] : memref<512x20xi32, #tpu.memory_space<vmem>>[vector<16xi32>, vector<16xi32>], vector<16xi32>,
    %swap3A_200 = arith.constant 96 : index
    %swap3A_201 = tpu.vector_load %arg9[%swap3A_200] {strides = array<i32>} : memref<128xi32, #tpu.memory_space<vmem>>, vector<16xi32>,
    tpu.vector_store %arg9[%swap3A_200], %gather3A_199 {strides = array<i32>} : memref<128xi32, #tpu.memory_space<vmem>>, vector<16xi32>,
    %add3A_202 = arith.constant 112 : i32
    %add3A_203 = vector.broadcast %add3A_202 : i32 to vector<16xi32>
    %add3A_204 = arith.addi %add3A_203, %iota3A : vector<16xi32>
    %gather3A_205 = tpu.vector_load_idx %arg5[%add3A_204, %broadcast_in_dim3A_159] : memref<512x20xi32, #tpu.memory_space<vmem>>[vector<16xi32>, vector<16xi32>], vector<16xi32>,
    %swap3A_206 = arith.constant 112 : index
    %swap3A_207 = tpu.vector_load %arg9[%swap3A_206] {strides = array<i32>} : memref<128xi32, #tpu.memory_space<vmem>>, vector<16xi32>,
    tpu.vector_store %arg9[%swap3A_206], %gather3A_205 {strides = array<i32>} : memref<128xi32, #tpu.memory_space<vmem>>, vector<16xi32>,
    %dma_start3A_208 = arith.constant 0 : i32
    %dma_start3A_209 = arith.constant 0 : i32
    %dma_start3A_210 = tpu.memref_slice %arg3[%dma_start3A_208, %dma_start3A_209] : memref<1000000x128xf32, #tpu.memory_space<hbm>> -> memref<1000000x128xf32, #tpu.memory_space<hbm>>
    tpu.enqueue_indirect_dma source(%dma_start3A_210 : memref<1000000x128xf32, #tpu.memory_space<hbm>>) target(%arg15 : memref<128x128xf32, #tpu.memory_space<vmem>>) offsets(%arg9 : memref<128xi32, #tpu.memory_space<vmem>>) semaphore(%arg21 : memref<!tpu.dma_semaphore, #tpu.memory_space<semaphore_mem>>)
    %broadcast_in_dim3A_211 = arith.constant 4 : i32
    %broadcast_in_dim3A_212 = vector.broadcast %broadcast_in_dim3A_211 : i32 to vector<16xi32>
    %add3A_213 = arith.constant 0 : i32
    %add3A_214 = vector.broadcast %add3A_213 : i32 to vector<16xi32>
    %add3A_215 = arith.addi %add3A_214, %iota3A : vector<16xi32>
    %gather3A_216 = tpu.vector_load_idx %arg5[%add3A_215, %broadcast_in_dim3A_212] : memref<512x20xi32, #tpu.memory_space<vmem>>[vector<16xi32>, vector<16xi32>], vector<16xi32>,
    %swap3A_217 = arith.constant 0 : index
    %swap3A_218 = tpu.vector_load %arg10[%swap3A_217] {strides = array<i32>} : memref<128xi32, #tpu.memory_space<vmem>>, vector<16xi32>,
    tpu.vector_store %arg10[%swap3A_217], %gather3A_216 {strides = array<i32>} : memref<128xi32, #tpu.memory_space<vmem>>, vector<16xi32>,
    %add3A_219 = arith.constant 16 : i32
    %add3A_220 = vector.broadcast %add3A_219 : i32 to vector<16xi32>
    %add3A_221 = arith.addi %add3A_220, %iota3A : vector<16xi32>
    %gather3A_222 = tpu.vector_load_idx %arg5[%add3A_221, %broadcast_in_dim3A_212] : memref<512x20xi32, #tpu.memory_space<vmem>>[vector<16xi32>, vector<16xi32>], vector<16xi32>,
    %swap3A_223 = arith.constant 16 : index
    %swap3A_224 = tpu.vector_load %arg10[%swap3A_223] {strides = array<i32>} : memref<128xi32, #tpu.memory_space<vmem>>, vector<16xi32>,
    tpu.vector_store %arg10[%swap3A_223], %gather3A_222 {strides = array<i32>} : memref<128xi32, #tpu.memory_space<vmem>>, vector<16xi32>,
    %add3A_225 = arith.constant 32 : i32
    %add3A_226 = vector.broadcast %add3A_225 : i32 to vector<16xi32>
    %add3A_227 = arith.addi %add3A_226, %iota3A : vector<16xi32>
    %gather3A_228 = tpu.vector_load_idx %arg5[%add3A_227, %broadcast_in_dim3A_212] : memref<512x20xi32, #tpu.memory_space<vmem>>[vector<16xi32>, vector<16xi32>], vector<16xi32>,
    %swap3A_229 = arith.constant 32 : index
    %swap3A_230 = tpu.vector_load %arg10[%swap3A_229] {strides = array<i32>} : memref<128xi32, #tpu.memory_space<vmem>>, vector<16xi32>,
    tpu.vector_store %arg10[%swap3A_229], %gather3A_228 {strides = array<i32>} : memref<128xi32, #tpu.memory_space<vmem>>, vector<16xi32>,
    %add3A_231 = arith.constant 48 : i32
    %add3A_232 = vector.broadcast %add3A_231 : i32 to vector<16xi32>
    %add3A_233 = arith.addi %add3A_232, %iota3A : vector<16xi32>
    %gather3A_234 = tpu.vector_load_idx %arg5[%add3A_233, %broadcast_in_dim3A_212] : memref<512x20xi32, #tpu.memory_space<vmem>>[vector<16xi32>, vector<16xi32>], vector<16xi32>,
    %swap3A_235 = arith.constant 48 : index
    %swap3A_236 = tpu.vector_load %arg10[%swap3A_235] {strides = array<i32>} : memref<128xi32, #tpu.memory_space<vmem>>, vector<16xi32>,
    tpu.vector_store %arg10[%swap3A_235], %gather3A_234 {strides = array<i32>} : memref<128xi32, #tpu.memory_space<vmem>>, vector<16xi32>,
    %add3A_237 = arith.constant 64 : i32
    %add3A_238 = vector.broadcast %add3A_237 : i32 to vector<16xi32>
    %add3A_239 = arith.addi %add3A_238, %iota3A : vector<16xi32>
    %gather3A_240 = tpu.vector_load_idx %arg5[%add3A_239, %broadcast_in_dim3A_212] : memref<512x20xi32, #tpu.memory_space<vmem>>[vector<16xi32>, vector<16xi32>], vector<16xi32>,
    %swap3A_241 = arith.constant 64 : index
    %swap3A_242 = tpu.vector_load %arg10[%swap3A_241] {strides = array<i32>} : memref<128xi32, #tpu.memory_space<vmem>>, vector<16xi32>,
    tpu.vector_store %arg10[%swap3A_241], %gather3A_240 {strides = array<i32>} : memref<128xi32, #tpu.memory_space<vmem>>, vector<16xi32>,
    %add3A_243 = arith.constant 80 : i32
    %add3A_244 = vector.broadcast %add3A_243 : i32 to vector<16xi32>
    %add3A_245 = arith.addi %add3A_244, %iota3A : vector<16xi32>
    %gather3A_246 = tpu.vector_load_idx %arg5[%add3A_245, %broadcast_in_dim3A_212] : memref<512x20xi32, #tpu.memory_space<vmem>>[vector<16xi32>, vector<16xi32>], vector<16xi32>,
    %swap3A_247 = arith.constant 80 : index
    %swap3A_248 = tpu.vector_load %arg10[%swap3A_247] {strides = array<i32>} : memref<128xi32, #tpu.memory_space<vmem>>, vector<16xi32>,
    tpu.vector_store %arg10[%swap3A_247], %gather3A_246 {strides = array<i32>} : memref<128xi32, #tpu.memory_space<vmem>>, vector<16xi32>,
    %add3A_249 = arith.constant 96 : i32
    %add3A_250 = vector.broadcast %add3A_249 : i32 to vector<16xi32>
    %add3A_251 = arith.addi %add3A_250, %iota3A : vector<16xi32>
    %gather3A_252 = tpu.vector_load_idx %arg5[%add3A_251, %broadcast_in_dim3A_212] : memref<512x20xi32, #tpu.memory_space<vmem>>[vector<16xi32>, vector<16xi32>], vector<16xi32>,
    %swap3A_253 = arith.constant 96 : index
    %swap3A_254 = tpu.vector_load %arg10[%swap3A_253] {strides = array<i32>} : memref<128xi32, #tpu.memory_space<vmem>>, vector<16xi32>,
    tpu.vector_store %arg10[%swap3A_253], %gather3A_252 {strides = array<i32>} : memref<128xi32, #tpu.memory_space<vmem>>, vector<16xi32>,
    %add3A_255 = arith.constant 112 : i32
    %add3A_256 = vector.broadcast %add3A_255 : i32 to vector<16xi32>
    %add3A_257 = arith.addi %add3A_256, %iota3A : vector<16xi32>
    %gather3A_258 = tpu.vector_load_idx %arg5[%add3A_257, %broadcast_in_dim3A_212] : memref<512x20xi32, #tpu.memory_space<vmem>>[vector<16xi32>, vector<16xi32>], vector<16xi32>,
    %swap3A_259 = arith.constant 112 : index
    %swap3A_260 = tpu.vector_load %arg10[%swap3A_259] {strides = array<i32>} : memref<128xi32, #tpu.memory_space<vmem>>, vector<16xi32>,
    tpu.vector_store %arg10[%swap3A_259], %gather3A_258 {strides = array<i32>} : memref<128xi32, #tpu.memory_space<vmem>>, vector<16xi32>,
    %dma_start3A_261 = arith.constant 0 : i32
    %dma_start3A_262 = arith.constant 0 : i32
    %dma_start3A_263 = tpu.memref_slice %arg3[%dma_start3A_261, %dma_start3A_262] : memref<1000000x128xf32, #tpu.memory_space<hbm>> -> memref<1000000x128xf32, #tpu.memory_space<hbm>>
    tpu.enqueue_indirect_dma source(%dma_start3A_263 : memref<1000000x128xf32, #tpu.memory_space<hbm>>) target(%arg16 : memref<128x128xf32, #tpu.memory_space<vmem>>) offsets(%arg10 : memref<128xi32, #tpu.memory_space<vmem>>) semaphore(%arg22 : memref<!tpu.dma_semaphore, #tpu.memory_space<semaphore_mem>>)
    %broadcast_in_dim3A_264 = arith.constant 5 : i32
    %broadcast_in_dim3A_265 = vector.broadcast %broadcast_in_dim3A_264 : i32 to vector<16xi32>
    %add3A_266 = arith.constant 0 : i32
    %add3A_267 = vector.broadcast %add3A_266 : i32 to vector<16xi32>
    %add3A_268 = arith.addi %add3A_267, %iota3A : vector<16xi32>
    %gather3A_269 = tpu.vector_load_idx %arg5[%add3A_268, %broadcast_in_dim3A_265] : memref<512x20xi32, #tpu.memory_space<vmem>>[vector<16xi32>, vector<16xi32>], vector<16xi32>,
    %swap3A_270 = arith.constant 0 : index
    %swap3A_271 = tpu.vector_load %arg11[%swap3A_270] {strides = array<i32>} : memref<128xi32, #tpu.memory_space<vmem>>, vector<16xi32>,
    tpu.vector_store %arg11[%swap3A_270], %gather3A_269 {strides = array<i32>} : memref<128xi32, #tpu.memory_space<vmem>>, vector<16xi32>,
    %add3A_272 = arith.constant 16 : i32
    %add3A_273 = vector.broadcast %add3A_272 : i32 to vector<16xi32>
    %add3A_274 = arith.addi %add3A_273, %iota3A : vector<16xi32>
    %gather3A_275 = tpu.vector_load_idx %arg5[%add3A_274, %broadcast_in_dim3A_265] : memref<512x20xi32, #tpu.memory_space<vmem>>[vector<16xi32>, vector<16xi32>], vector<16xi32>,
    %swap3A_276 = arith.constant 16 : index
    %swap3A_277 = tpu.vector_load %arg11[%swap3A_276] {strides = array<i32>} : memref<128xi32, #tpu.memory_space<vmem>>, vector<16xi32>,
    tpu.vector_store %arg11[%swap3A_276], %gather3A_275 {strides = array<i32>} : memref<128xi32, #tpu.memory_space<vmem>>, vector<16xi32>,
    %add3A_278 = arith.constant 32 : i32
    %add3A_279 = vector.broadcast %add3A_278 : i32 to vector<16xi32>
    %add3A_280 = arith.addi %add3A_279, %iota3A : vector<16xi32>
    %gather3A_281 = tpu.vector_load_idx %arg5[%add3A_280, %broadcast_in_dim3A_265] : memref<512x20xi32, #tpu.memory_space<vmem>>[vector<16xi32>, vector<16xi32>], vector<16xi32>,
    %swap3A_282 = arith.constant 32 : index
    %swap3A_283 = tpu.vector_load %arg11[%swap3A_282] {strides = array<i32>} : memref<128xi32, #tpu.memory_space<vmem>>, vector<16xi32>,
    tpu.vector_store %arg11[%swap3A_282], %gather3A_281 {strides = array<i32>} : memref<128xi32, #tpu.memory_space<vmem>>, vector<16xi32>,
    %add3A_284 = arith.constant 48 : i32
    %add3A_285 = vector.broadcast %add3A_284 : i32 to vector<16xi32>
    %add3A_286 = arith.addi %add3A_285, %iota3A : vector<16xi32>
    %gather3A_287 = tpu.vector_load_idx %arg5[%add3A_286, %broadcast_in_dim3A_265] : memref<512x20xi32, #tpu.memory_space<vmem>>[vector<16xi32>, vector<16xi32>], vector<16xi32>,
    %swap3A_288 = arith.constant 48 : index
    %swap3A_289 = tpu.vector_load %arg11[%swap3A_288] {strides = array<i32>} : memref<128xi32, #tpu.memory_space<vmem>>, vector<16xi32>,
    tpu.vector_store %arg11[%swap3A_288], %gather3A_287 {strides = array<i32>} : memref<128xi32, #tpu.memory_space<vmem>>, vector<16xi32>,
    %add3A_290 = arith.constant 64 : i32
    %add3A_291 = vector.broadcast %add3A_290 : i32 to vector<16xi32>
    %add3A_292 = arith.addi %add3A_291, %iota3A : vector<16xi32>
    %gather3A_293 = tpu.vector_load_idx %arg5[%add3A_292, %broadcast_in_dim3A_265] : memref<512x20xi32, #tpu.memory_space<vmem>>[vector<16xi32>, vector<16xi32>], vector<16xi32>,
    %swap3A_294 = arith.constant 64 : index
    %swap3A_295 = tpu.vector_load %arg11[%swap3A_294] {strides = array<i32>} : memref<128xi32, #tpu.memory_space<vmem>>, vector<16xi32>,
    tpu.vector_store %arg11[%swap3A_294], %gather3A_293 {strides = array<i32>} : memref<128xi32, #tpu.memory_space<vmem>>, vector<16xi32>,
    %add3A_296 = arith.constant 80 : i32
    %add3A_297 = vector.broadcast %add3A_296 : i32 to vector<16xi32>
    %add3A_298 = arith.addi %add3A_297, %iota3A : vector<16xi32>
    %gather3A_299 = tpu.vector_load_idx %arg5[%add3A_298, %broadcast_in_dim3A_265] : memref<512x20xi32, #tpu.memory_space<vmem>>[vector<16xi32>, vector<16xi32>], vector<16xi32>,
    %swap3A_300 = arith.constant 80 : index
    %swap3A_301 = tpu.vector_load %arg11[%swap3A_300] {strides = array<i32>} : memref<128xi32, #tpu.memory_space<vmem>>, vector<16xi32>,
    tpu.vector_store %arg11[%swap3A_300], %gather3A_299 {strides = array<i32>} : memref<128xi32, #tpu.memory_space<vmem>>, vector<16xi32>,
    %add3A_302 = arith.constant 96 : i32
    %add3A_303 = vector.broadcast %add3A_302 : i32 to vector<16xi32>
    %add3A_304 = arith.addi %add3A_303, %iota3A : vector<16xi32>
    %gather3A_305 = tpu.vector_load_idx %arg5[%add3A_304, %broadcast_in_dim3A_265] : memref<512x20xi32, #tpu.memory_space<vmem>>[vector<16xi32>, vector<16xi32>], vector<16xi32>,
    %swap3A_306 = arith.constant 96 : index
    %swap3A_307 = tpu.vector_load %arg11[%swap3A_306] {strides = array<i32>} : memref<128xi32, #tpu.memory_space<vmem>>, vector<16xi32>,
    tpu.vector_store %arg11[%swap3A_306], %gather3A_305 {strides = array<i32>} : memref<128xi32, #tpu.memory_space<vmem>>, vector<16xi32>,
    %add3A_308 = arith.constant 112 : i32
    %add3A_309 = vector.broadcast %add3A_308 : i32 to vector<16xi32>
    %add3A_310 = arith.addi %add3A_309, %iota3A : vector<16xi32>
    %gather3A_311 = tpu.vector_load_idx %arg5[%add3A_310, %broadcast_in_dim3A_265] : memref<512x20xi32, #tpu.memory_space<vmem>>[vector<16xi32>, vector<16xi32>], vector<16xi32>,
    %swap3A_312 = arith.constant 112 : index
    %swap3A_313 = tpu.vector_load %arg11[%swap3A_312] {strides = array<i32>} : memref<128xi32, #tpu.memory_space<vmem>>, vector<16xi32>,
    tpu.vector_store %arg11[%swap3A_312], %gather3A_311 {strides = array<i32>} : memref<128xi32, #tpu.memory_space<vmem>>, vector<16xi32>,
    %dma_start3A_314 = arith.constant 0 : i32
    %dma_start3A_315 = arith.constant 0 : i32
    %dma_start3A_316 = tpu.memref_slice %arg3[%dma_start3A_314, %dma_start3A_315] : memref<1000000x128xf32, #tpu.memory_space<hbm>> -> memref<1000000x128xf32, #tpu.memory_space<hbm>>
    tpu.enqueue_indirect_dma source(%dma_start3A_316 : memref<1000000x128xf32, #tpu.memory_space<hbm>>) target(%arg17 : memref<128x128xf32, #tpu.memory_space<vmem>>) offsets(%arg11 : memref<128xi32, #tpu.memory_space<vmem>>) semaphore(%arg23 : memref<!tpu.dma_semaphore, #tpu.memory_space<semaphore_mem>>)
    %scan3A = arith.constant 0 : i32
    %scan3A_317 = arith.constant 0 : i32
    %scan3A_318 = arith.constant 12 : i32
    %scan3A_319 = arith.addi %scan3A_317, %scan3A_318 : i32
    %scan3A_320 = arith.constant 1 : i32
    scf.for %scan3A_435 = %scan3A_317 to %scan3A_319 step %scan3A_320  : i32 {
      %mul3A_436 = arith.constant 6 : i32
      %mul3A_437 = arith.muli %scan3A_435, %mul3A_436 : i32
      %add3A_438 = arith.constant 0 : i32
      %add3A_439 = arith.addi %mul3A_437, %add3A_438 : i32
      %dma_wait3A_440 = arith.constant 0 : i32
      %dma_wait3A_441 = arith.constant 0 : i32
      %dma_wait3A_442 = tpu.memref_slice %arg3[%dma_wait3A_440, %dma_wait3A_441] : memref<1000000x128xf32, #tpu.memory_space<hbm>> -> memref<1000000x128xf32, #tpu.memory_space<hbm>>
      tpu.wait_indirect_dma semaphore(%arg18 : memref<!tpu.dma_semaphore, #tpu.memory_space<semaphore_mem>>) src(%dma_wait3A_442 : memref<1000000x128xf32, #tpu.memory_space<hbm>>) dst(%arg12 : memref<128x128xf32, #tpu.memory_space<vmem>>)
      %jit3A = arith.constant 20 : i32
      %div3A = arith.divsi %add3A_439, %jit3A : i32
      %sign3A = arith.constant 0 : i32
      %sign3A_443 = arith.cmpi sgt, %add3A_439, %sign3A : i32
      %sign3A_444 = arith.extui %sign3A_443 : i1 to i32
      %sign3A_445 = arith.constant 0 : i32
      %sign3A_446 = arith.cmpi slt, %add3A_439, %sign3A_445 : i32
      %sign3A_447 = arith.extui %sign3A_446 : i1 to i32
      %sign3A_448 = arith.subi %sign3A_444, %sign3A_447 : i32
      %sign3A_449 = arith.constant 0 : i32
      %sign3A_450 = arith.cmpi sgt, %jit3A, %sign3A_449 : i32
      %sign3A_451 = arith.extui %sign3A_450 : i1 to i32
      %sign3A_452 = arith.constant 0 : i32
      %sign3A_453 = arith.cmpi slt, %jit3A, %sign3A_452 : i32
      %sign3A_454 = arith.extui %sign3A_453 : i1 to i32
      %sign3A_455 = arith.subi %sign3A_451, %sign3A_454 : i32
      %ne3A = arith.cmpi ne, %sign3A_448, %sign3A_455 : i32
      %rem3A = arith.remsi %add3A_439, %jit3A : i32
      %ne3A_456 = arith.constant 0 : i32
      %ne3A_457 = arith.cmpi ne, %rem3A, %ne3A_456 : i32
      %and3A = arith.andi %ne3A, %ne3A_457 : i1
      %sub3A = arith.constant 1 : i32
      %sub3A_458 = arith.subi %div3A, %sub3A : i32
      %select_n3A = arith.select %and3A, %sub3A_458, %div3A : i32
      %mul3A_459 = arith.constant 20 : i32
      %mul3A_460 = arith.muli %select_n3A, %mul3A_459 : i32
      %sub3A_461 = arith.subi %add3A_439, %mul3A_460 : i32
      %mul3A_462 = arith.constant 16384 : i32
      %mul3A_463 = arith.muli %sub3A_461, %mul3A_462 : i32
      %add3A_464 = arith.addi %mul3A_463, %mul3A_2 : i32
      %mul3A_465 = arith.constant 128 : i32
      %mul3A_466 = arith.muli %select_n3A, %mul3A_465 : i32
      %add3A_467 = arith.addi %add3A_464, %mul3A_466 : i32
      %dma_start3A_468 = arith.constant 0 : i32
      %dma_start3A_469 = tpu.memref_slice %arg4[%add3A_467, %dma_start3A_468] : memref<327680x128xf32, #tpu.memory_space<hbm>> -> memref<128x128xf32, #tpu.memory_space<hbm>>
      %dma_start3A_470 = arith.constant 0 : i32
      %dma_start3A_471 = tpu.memref_slice %arg4[%add3A_467, %dma_start3A_470] : memref<327680x128xf32, #tpu.memory_space<hbm>> -> memref<128x128xf32, #tpu.memory_space<hbm>>
      tpu.enqueue_dma source(%arg12 : memref<128x128xf32, #tpu.memory_space<vmem>>) target(%dma_start3A_471 : memref<128x128xf32, #tpu.memory_space<hbm>>) target_semaphore(%arg24 : memref<!tpu.dma_semaphore, #tpu.memory_space<semaphore_mem>>)
      %jit3A_472 = arith.constant 20 : i32
      %div3A_473 = arith.divsi %add3A_439, %jit3A_472 : i32
      %sign3A_474 = arith.constant 0 : i32
      %sign3A_475 = arith.cmpi sgt, %add3A_439, %sign3A_474 : i32
      %sign3A_476 = arith.extui %sign3A_475 : i1 to i32
      %sign3A_477 = arith.constant 0 : i32
      %sign3A_478 = arith.cmpi slt, %add3A_439, %sign3A_477 : i32
      %sign3A_479 = arith.extui %sign3A_478 : i1 to i32
      %sign3A_480 = arith.subi %sign3A_476, %sign3A_479 : i32
      %sign3A_481 = arith.constant 0 : i32
      %sign3A_482 = arith.cmpi sgt, %jit3A_472, %sign3A_481 : i32
      %sign3A_483 = arith.extui %sign3A_482 : i1 to i32
      %sign3A_484 = arith.constant 0 : i32
      %sign3A_485 = arith.cmpi slt, %jit3A_472, %sign3A_484 : i32
      %sign3A_486 = arith.extui %sign3A_485 : i1 to i32
      %sign3A_487 = arith.subi %sign3A_483, %sign3A_486 : i32
      %ne3A_488 = arith.cmpi ne, %sign3A_480, %sign3A_487 : i32
      %rem3A_489 = arith.remsi %add3A_439, %jit3A_472 : i32
      %ne3A_490 = arith.constant 0 : i32
      %ne3A_491 = arith.cmpi ne, %rem3A_489, %ne3A_490 : i32
      %and3A_492 = arith.andi %ne3A_488, %ne3A_491 : i1
      %sub3A_493 = arith.constant 1 : i32
      %sub3A_494 = arith.subi %div3A_473, %sub3A_493 : i32
      %select_n3A_495 = arith.select %and3A_492, %sub3A_494, %div3A_473 : i32
      %mul3A_496 = arith.constant 20 : i32
      %mul3A_497 = arith.muli %select_n3A_495, %mul3A_496 : i32
      %sub3A_498 = arith.subi %add3A_439, %mul3A_497 : i32
      %mul3A_499 = arith.constant 16384 : i32
      %mul3A_500 = arith.muli %sub3A_498, %mul3A_499 : i32
      %add3A_501 = arith.addi %mul3A_500, %mul3A_2 : i32
      %mul3A_502 = arith.constant 128 : i32
      %mul3A_503 = arith.muli %select_n3A_495, %mul3A_502 : i32
      %add3A_504 = arith.addi %add3A_501, %mul3A_503 : i32
      %dma_wait3A_505 = arith.constant 0 : i32
      %dma_wait3A_506 = tpu.memref_slice %arg4[%add3A_504, %dma_wait3A_505] : memref<327680x128xf32, #tpu.memory_space<hbm>> -> memref<128x128xf32, #tpu.memory_space<hbm>>
      %dma_wait3A_507 = arith.constant 0 : i32
      %dma_wait3A_508 = tpu.memref_slice %arg4[%add3A_504, %dma_wait3A_507] : memref<327680x128xf32, #tpu.memory_space<hbm>> -> memref<128x128xf32, #tpu.memory_space<hbm>>
      tpu.wait_dma2 semaphore(%arg24 : memref<!tpu.dma_semaphore, #tpu.memory_space<semaphore_mem>>) src(%arg12 : memref<128x128xf32, #tpu.memory_space<vmem>>) dst(%dma_wait3A_508 : memref<128x128xf32, #tpu.memory_space<hbm>>)
      %add3A_509 = arith.constant 6 : i32
      %add3A_510 = arith.addi %add3A_439, %add3A_509 : i32
      %jit3A_511 = arith.constant 20 : i32
      %div3A_512 = arith.divsi %add3A_510, %jit3A_511 : i32
      %sign3A_513 = arith.constant 0 : i32
      %sign3A_514 = arith.cmpi sgt, %add3A_510, %sign3A_513 : i32
      %sign3A_515 = arith.extui %sign3A_514 : i1 to i32
      %sign3A_516 = arith.constant 0 : i32
      %sign3A_517 = arith.cmpi slt, %add3A_510, %sign3A_516 : i32
      %sign3A_518 = arith.extui %sign3A_517 : i1 to i32
      %sign3A_519 = arith.subi %sign3A_515, %sign3A_518 : i32
      %sign3A_520 = arith.constant 0 : i32
      %sign3A_521 = arith.cmpi sgt, %jit3A_511, %sign3A_520 : i32
      %sign3A_522 = arith.extui %sign3A_521 : i1 to i32
      %sign3A_523 = arith.constant 0 : i32
      %sign3A_524 = arith.cmpi slt, %jit3A_511, %sign3A_523 : i32
      %sign3A_525 = arith.extui %sign3A_524 : i1 to i32
      %sign3A_526 = arith.subi %sign3A_522, %sign3A_525 : i32
      %ne3A_527 = arith.cmpi ne, %sign3A_519, %sign3A_526 : i32
      %rem3A_528 = arith.remsi %add3A_510, %jit3A_511 : i32
      %ne3A_529 = arith.constant 0 : i32
      %ne3A_530 = arith.cmpi ne, %rem3A_528, %ne3A_529 : i32
      %and3A_531 = arith.andi %ne3A_527, %ne3A_530 : i1
      %sub3A_532 = arith.constant 1 : i32
      %sub3A_533 = arith.subi %div3A_512, %sub3A_532 : i32
      %select_n3A_534 = arith.select %and3A_531, %sub3A_533, %div3A_512 : i32
      %mul3A_535 = arith.constant 20 : i32
      %mul3A_536 = arith.muli %select_n3A_534, %mul3A_535 : i32
      %sub3A_537 = arith.subi %add3A_510, %mul3A_536 : i32
      %broadcast_in_dim3A_538 = vector.broadcast %sub3A_537 : i32 to vector<16xi32>
      %mul3A_539 = arith.constant 128 : i32
      %mul3A_540 = arith.muli %select_n3A_534, %mul3A_539 : i32
      %add3A_541 = arith.constant 0 : i32
      %add3A_542 = arith.addi %mul3A_540, %add3A_541 : i32
      %add3A_543 = vector.broadcast %add3A_542 : i32 to vector<16xi32>
      %add3A_544 = arith.addi %add3A_543, %iota3A : vector<16xi32>
      %gather3A_545 = tpu.vector_load_idx %arg5[%add3A_544, %broadcast_in_dim3A_538] : memref<512x20xi32, #tpu.memory_space<vmem>>[vector<16xi32>, vector<16xi32>], vector<16xi32>,
      %swap3A_546 = arith.constant 0 : index
      %swap3A_547 = tpu.vector_load %arg6[%swap3A_546] {strides = array<i32>} : memref<128xi32, #tpu.memory_space<vmem>>, vector<16xi32>,
      tpu.vector_store %arg6[%swap3A_546], %gather3A_545 {strides = array<i32>} : memref<128xi32, #tpu.memory_space<vmem>>, vector<16xi32>,
      %mul3A_548 = arith.constant 128 : i32
      %mul3A_549 = arith.muli %select_n3A_534, %mul3A_548 : i32
      %add3A_550 = arith.constant 16 : i32
      %add3A_551 = arith.addi %mul3A_549, %add3A_550 : i32
      %add3A_552 = vector.broadcast %add3A_551 : i32 to vector<16xi32>
      %add3A_553 = arith.addi %add3A_552, %iota3A : vector<16xi32>
      %gather3A_554 = tpu.vector_load_idx %arg5[%add3A_553, %broadcast_in_dim3A_538] : memref<512x20xi32, #tpu.memory_space<vmem>>[vector<16xi32>, vector<16xi32>], vector<16xi32>,
      %swap3A_555 = arith.constant 16 : index
      %swap3A_556 = tpu.vector_load %arg6[%swap3A_555] {strides = array<i32>} : memref<128xi32, #tpu.memory_space<vmem>>, vector<16xi32>,
      tpu.vector_store %arg6[%swap3A_555], %gather3A_554 {strides = array<i32>} : memref<128xi32, #tpu.memory_space<vmem>>, vector<16xi32>,
      %mul3A_557 = arith.constant 128 : i32
      %mul3A_558 = arith.muli %select_n3A_534, %mul3A_557 : i32
      %add3A_559 = arith.constant 32 : i32
      %add3A_560 = arith.addi %mul3A_558, %add3A_559 : i32
      %add3A_561 = vector.broadcast %add3A_560 : i32 to vector<16xi32>
      %add3A_562 = arith.addi %add3A_561, %iota3A : vector<16xi32>
      %gather3A_563 = tpu.vector_load_idx %arg5[%add3A_562, %broadcast_in_dim3A_538] : memref<512x20xi32, #tpu.memory_space<vmem>>[vector<16xi32>, vector<16xi32>], vector<16xi32>,
      %swap3A_564 = arith.constant 32 : index
      %swap3A_565 = tpu.vector_load %arg6[%swap3A_564] {strides = array<i32>} : memref<128xi32, #tpu.memory_space<vmem>>, vector<16xi32>,
      tpu.vector_store %arg6[%swap3A_564], %gather3A_563 {strides = array<i32>} : memref<128xi32, #tpu.memory_space<vmem>>, vector<16xi32>,
      %mul3A_566 = arith.constant 128 : i32
      %mul3A_567 = arith.muli %select_n3A_534, %mul3A_566 : i32
      %add3A_568 = arith.constant 48 : i32
      %add3A_569 = arith.addi %mul3A_567, %add3A_568 : i32
      %add3A_570 = vector.broadcast %add3A_569 : i32 to vector<16xi32>
      %add3A_571 = arith.addi %add3A_570, %iota3A : vector<16xi32>
      %gather3A_572 = tpu.vector_load_idx %arg5[%add3A_571, %broadcast_in_dim3A_538] : memref<512x20xi32, #tpu.memory_space<vmem>>[vector<16xi32>, vector<16xi32>], vector<16xi32>,
      %swap3A_573 = arith.constant 48 : index
      %swap3A_574 = tpu.vector_load %arg6[%swap3A_573] {strides = array<i32>} : memref<128xi32, #tpu.memory_space<vmem>>, vector<16xi32>,
      tpu.vector_store %arg6[%swap3A_573], %gather3A_572 {strides = array<i32>} : memref<128xi32, #tpu.memory_space<vmem>>, vector<16xi32>,
      %mul3A_575 = arith.constant 128 : i32
      %mul3A_576 = arith.muli %select_n3A_534, %mul3A_575 : i32
      %add3A_577 = arith.constant 64 : i32
      %add3A_578 = arith.addi %mul3A_576, %add3A_577 : i32
      %add3A_579 = vector.broadcast %add3A_578 : i32 to vector<16xi32>
      %add3A_580 = arith.addi %add3A_579, %iota3A : vector<16xi32>
      %gather3A_581 = tpu.vector_load_idx %arg5[%add3A_580, %broadcast_in_dim3A_538] : memref<512x20xi32, #tpu.memory_space<vmem>>[vector<16xi32>, vector<16xi32>], vector<16xi32>,
      %swap3A_582 = arith.constant 64 : index
      %swap3A_583 = tpu.vector_load %arg6[%swap3A_582] {strides = array<i32>} : memref<128xi32, #tpu.memory_space<vmem>>, vector<16xi32>,
      tpu.vector_store %arg6[%swap3A_582], %gather3A_581 {strides = array<i32>} : memref<128xi32, #tpu.memory_space<vmem>>, vector<16xi32>,
      %mul3A_584 = arith.constant 128 : i32
      %mul3A_585 = arith.muli %select_n3A_534, %mul3A_584 : i32
      %add3A_586 = arith.constant 80 : i32
      %add3A_587 = arith.addi %mul3A_585, %add3A_586 : i32
      %add3A_588 = vector.broadcast %add3A_587 : i32 to vector<16xi32>
      %add3A_589 = arith.addi %add3A_588, %iota3A : vector<16xi32>
      %gather3A_590 = tpu.vector_load_idx %arg5[%add3A_589, %broadcast_in_dim3A_538] : memref<512x20xi32, #tpu.memory_space<vmem>>[vector<16xi32>, vector<16xi32>], vector<16xi32>,
      %swap3A_591 = arith.constant 80 : index
      %swap3A_592 = tpu.vector_load %arg6[%swap3A_591] {strides = array<i32>} : memref<128xi32, #tpu.memory_space<vmem>>, vector<16xi32>,
      tpu.vector_store %arg6[%swap3A_591], %gather3A_590 {strides = array<i32>} : memref<128xi32, #tpu.memory_space<vmem>>, vector<16xi32>,
      %mul3A_593 = arith.constant 128 : i32
      %mul3A_594 = arith.muli %select_n3A_534, %mul3A_593 : i32
      %add3A_595 = arith.constant 96 : i32
      %add3A_596 = arith.addi %mul3A_594, %add3A_595 : i32
      %add3A_597 = vector.broadcast %add3A_596 : i32 to vector<16xi32>
      %add3A_598 = arith.addi %add3A_597, %iota3A : vector<16xi32>
      %gather3A_599 = tpu.vector_load_idx %arg5[%add3A_598, %broadcast_in_dim3A_538] : memref<512x20xi32, #tpu.memory_space<vmem>>[vector<16xi32>, vector<16xi32>], vector<16xi32>,
      %swap3A_600 = arith.constant 96 : index
      %swap3A_601 = tpu.vector_load %arg6[%swap3A_600] {strides = array<i32>} : memref<128xi32, #tpu.memory_space<vmem>>, vector<16xi32>,
      tpu.vector_store %arg6[%swap3A_600], %gather3A_599 {strides = array<i32>} : memref<128xi32, #tpu.memory_space<vmem>>, vector<16xi32>,
      %mul3A_602 = arith.constant 128 : i32
      %mul3A_603 = arith.muli %select_n3A_534, %mul3A_602 : i32
      %add3A_604 = arith.constant 112 : i32
      %add3A_605 = arith.addi %mul3A_603, %add3A_604 : i32
      %add3A_606 = vector.broadcast %add3A_605 : i32 to vector<16xi32>
      %add3A_607 = arith.addi %add3A_606, %iota3A : vector<16xi32>
      %gather3A_608 = tpu.vector_load_idx %arg5[%add3A_607, %broadcast_in_dim3A_538] : memref<512x20xi32, #tpu.memory_space<vmem>>[vector<16xi32>, vector<16xi32>], vector<16xi32>,
      %swap3A_609 = arith.constant 112 : index
      %swap3A_610 = tpu.vector_load %arg6[%swap3A_609] {strides = array<i32>} : memref<128xi32, #tpu.memory_space<vmem>>, vector<16xi32>,
      tpu.vector_store %arg6[%swap3A_609], %gather3A_608 {strides = array<i32>} : memref<128xi32, #tpu.memory_space<vmem>>, vector<16xi32>,
      %dma_start3A_611 = arith.constant 0 : i32
      %dma_start3A_612 = arith.constant 0 : i32
      %dma_start3A_613 = tpu.memref_slice %arg3[%dma_start3A_611, %dma_start3A_612] : memref<1000000x128xf32, #tpu.memory_space<hbm>> -> memref<1000000x128xf32, #tpu.memory_space<hbm>>
      tpu.enqueue_indirect_dma source(%dma_start3A_613 : memref<1000000x128xf32, #tpu.memory_space<hbm>>) target(%arg12 : memref<128x128xf32, #tpu.memory_space<vmem>>) offsets(%arg6 : memref<128xi32, #tpu.memory_space<vmem>>) semaphore(%arg18 : memref<!tpu.dma_semaphore, #tpu.memory_space<semaphore_mem>>)
      %mul3A_614 = arith.constant 6 : i32
      %mul3A_615 = arith.muli %scan3A_435, %mul3A_614 : i32
      %add3A_616 = arith.constant 1 : i32
      %add3A_617 = arith.addi %mul3A_615, %add3A_616 : i32
      %dma_wait3A_618 = arith.constant 0 : i32
      %dma_wait3A_619 = arith.constant 0 : i32
      %dma_wait3A_620 = tpu.memref_slice %arg3[%dma_wait3A_618, %dma_wait3A_619] : memref<1000000x128xf32, #tpu.memory_space<hbm>> -> memref<1000000x128xf32, #tpu.memory_space<hbm>>
      tpu.wait_indirect_dma semaphore(%arg19 : memref<!tpu.dma_semaphore, #tpu.memory_space<semaphore_mem>>) src(%dma_wait3A_620 : memref<1000000x128xf32, #tpu.memory_space<hbm>>) dst(%arg13 : memref<128x128xf32, #tpu.memory_space<vmem>>)
      %jit3A_621 = arith.constant 20 : i32
      %div3A_622 = arith.divsi %add3A_617, %jit3A_621 : i32
      %sign3A_623 = arith.constant 0 : i32
      %sign3A_624 = arith.cmpi sgt, %add3A_617, %sign3A_623 : i32
      %sign3A_625 = arith.extui %sign3A_624 : i1 to i32
      %sign3A_626 = arith.constant 0 : i32
      %sign3A_627 = arith.cmpi slt, %add3A_617, %sign3A_626 : i32
      %sign3A_628 = arith.extui %sign3A_627 : i1 to i32
      %sign3A_629 = arith.subi %sign3A_625, %sign3A_628 : i32
      %sign3A_630 = arith.constant 0 : i32
      %sign3A_631 = arith.cmpi sgt, %jit3A_621, %sign3A_630 : i32
      %sign3A_632 = arith.extui %sign3A_631 : i1 to i32
      %sign3A_633 = arith.constant 0 : i32
      %sign3A_634 = arith.cmpi slt, %jit3A_621, %sign3A_633 : i32
      %sign3A_635 = arith.extui %sign3A_634 : i1 to i32
      %sign3A_636 = arith.subi %sign3A_632, %sign3A_635 : i32
      %ne3A_637 = arith.cmpi ne, %sign3A_629, %sign3A_636 : i32
      %rem3A_638 = arith.remsi %add3A_617, %jit3A_621 : i32
      %ne3A_639 = arith.constant 0 : i32
      %ne3A_640 = arith.cmpi ne, %rem3A_638, %ne3A_639 : i32
      %and3A_641 = arith.andi %ne3A_637, %ne3A_640 : i1
      %sub3A_642 = arith.constant 1 : i32
      %sub3A_643 = arith.subi %div3A_622, %sub3A_642 : i32
      %select_n3A_644 = arith.select %and3A_641, %sub3A_643, %div3A_622 : i32
      %mul3A_645 = arith.constant 20 : i32
      %mul3A_646 = arith.muli %select_n3A_644, %mul3A_645 : i32
      %sub3A_647 = arith.subi %add3A_617, %mul3A_646 : i32
      %mul3A_648 = arith.constant 16384 : i32
      %mul3A_649 = arith.muli %sub3A_647, %mul3A_648 : i32
      %add3A_650 = arith.addi %mul3A_649, %mul3A_2 : i32
      %mul3A_651 = arith.constant 128 : i32
      %mul3A_652 = arith.muli %select_n3A_644, %mul3A_651 : i32
      %add3A_653 = arith.addi %add3A_650, %mul3A_652 : i32
      %dma_start3A_654 = arith.constant 0 : i32
      %dma_start3A_655 = tpu.memref_slice %arg4[%add3A_653, %dma_start3A_654] : memref<327680x128xf32, #tpu.memory_space<hbm>> -> memref<128x128xf32, #tpu.memory_space<hbm>>
      %dma_start3A_656 = arith.constant 0 : i32
      %dma_start3A_657 = tpu.memref_slice %arg4[%add3A_653, %dma_start3A_656] : memref<327680x128xf32, #tpu.memory_space<hbm>> -> memref<128x128xf32, #tpu.memory_space<hbm>>
      tpu.enqueue_dma source(%arg13 : memref<128x128xf32, #tpu.memory_space<vmem>>) target(%dma_start3A_657 : memref<128x128xf32, #tpu.memory_space<hbm>>) target_semaphore(%arg25 : memref<!tpu.dma_semaphore, #tpu.memory_space<semaphore_mem>>)
      %jit3A_658 = arith.constant 20 : i32
      %div3A_659 = arith.divsi %add3A_617, %jit3A_658 : i32
      %sign3A_660 = arith.constant 0 : i32
      %sign3A_661 = arith.cmpi sgt, %add3A_617, %sign3A_660 : i32
      %sign3A_662 = arith.extui %sign3A_661 : i1 to i32
      %sign3A_663 = arith.constant 0 : i32
      %sign3A_664 = arith.cmpi slt, %add3A_617, %sign3A_663 : i32
      %sign3A_665 = arith.extui %sign3A_664 : i1 to i32
      %sign3A_666 = arith.subi %sign3A_662, %sign3A_665 : i32
      %sign3A_667 = arith.constant 0 : i32
      %sign3A_668 = arith.cmpi sgt, %jit3A_658, %sign3A_667 : i32
      %sign3A_669 = arith.extui %sign3A_668 : i1 to i32
      %sign3A_670 = arith.constant 0 : i32
      %sign3A_671 = arith.cmpi slt, %jit3A_658, %sign3A_670 : i32
      %sign3A_672 = arith.extui %sign3A_671 : i1 to i32
      %sign3A_673 = arith.subi %sign3A_669, %sign3A_672 : i32
      %ne3A_674 = arith.cmpi ne, %sign3A_666, %sign3A_673 : i32
      %rem3A_675 = arith.remsi %add3A_617, %jit3A_658 : i32
      %ne3A_676 = arith.constant 0 : i32
      %ne3A_677 = arith.cmpi ne, %rem3A_675, %ne3A_676 : i32
      %and3A_678 = arith.andi %ne3A_674, %ne3A_677 : i1
      %sub3A_679 = arith.constant 1 : i32
      %sub3A_680 = arith.subi %div3A_659, %sub3A_679 : i32
      %select_n3A_681 = arith.select %and3A_678, %sub3A_680, %div3A_659 : i32
      %mul3A_682 = arith.constant 20 : i32
      %mul3A_683 = arith.muli %select_n3A_681, %mul3A_682 : i32
      %sub3A_684 = arith.subi %add3A_617, %mul3A_683 : i32
      %mul3A_685 = arith.constant 16384 : i32
      %mul3A_686 = arith.muli %sub3A_684, %mul3A_685 : i32
      %add3A_687 = arith.addi %mul3A_686, %mul3A_2 : i32
      %mul3A_688 = arith.constant 128 : i32
      %mul3A_689 = arith.muli %select_n3A_681, %mul3A_688 : i32
      %add3A_690 = arith.addi %add3A_687, %mul3A_689 : i32
      %dma_wait3A_691 = arith.constant 0 : i32
      %dma_wait3A_692 = tpu.memref_slice %arg4[%add3A_690, %dma_wait3A_691] : memref<327680x128xf32, #tpu.memory_space<hbm>> -> memref<128x128xf32, #tpu.memory_space<hbm>>
      %dma_wait3A_693 = arith.constant 0 : i32
      %dma_wait3A_694 = tpu.memref_slice %arg4[%add3A_690, %dma_wait3A_693] : memref<327680x128xf32, #tpu.memory_space<hbm>> -> memref<128x128xf32, #tpu.memory_space<hbm>>
      tpu.wait_dma2 semaphore(%arg25 : memref<!tpu.dma_semaphore, #tpu.memory_space<semaphore_mem>>) src(%arg13 : memref<128x128xf32, #tpu.memory_space<vmem>>) dst(%dma_wait3A_694 : memref<128x128xf32, #tpu.memory_space<hbm>>)
      %add3A_695 = arith.constant 6 : i32
      %add3A_696 = arith.addi %add3A_617, %add3A_695 : i32
      %jit3A_697 = arith.constant 20 : i32
      %div3A_698 = arith.divsi %add3A_696, %jit3A_697 : i32
      %sign3A_699 = arith.constant 0 : i32
      %sign3A_700 = arith.cmpi sgt, %add3A_696, %sign3A_699 : i32
      %sign3A_701 = arith.extui %sign3A_700 : i1 to i32
      %sign3A_702 = arith.constant 0 : i32
      %sign3A_703 = arith.cmpi slt, %add3A_696, %sign3A_702 : i32
      %sign3A_704 = arith.extui %sign3A_703 : i1 to i32
      %sign3A_705 = arith.subi %sign3A_701, %sign3A_704 : i32
      %sign3A_706 = arith.constant 0 : i32
      %sign3A_707 = arith.cmpi sgt, %jit3A_697, %sign3A_706 : i32
      %sign3A_708 = arith.extui %sign3A_707 : i1 to i32
      %sign3A_709 = arith.constant 0 : i32
      %sign3A_710 = arith.cmpi slt, %jit3A_697, %sign3A_709 : i32
      %sign3A_711 = arith.extui %sign3A_710 : i1 to i32
      %sign3A_712 = arith.subi %sign3A_708, %sign3A_711 : i32
      %ne3A_713 = arith.cmpi ne, %sign3A_705, %sign3A_712 : i32
      %rem3A_714 = arith.remsi %add3A_696, %jit3A_697 : i32
      %ne3A_715 = arith.constant 0 : i32
      %ne3A_716 = arith.cmpi ne, %rem3A_714, %ne3A_715 : i32
      %and3A_717 = arith.andi %ne3A_713, %ne3A_716 : i1
      %sub3A_718 = arith.constant 1 : i32
      %sub3A_719 = arith.subi %div3A_698, %sub3A_718 : i32
      %select_n3A_720 = arith.select %and3A_717, %sub3A_719, %div3A_698 : i32
      %mul3A_721 = arith.constant 20 : i32
      %mul3A_722 = arith.muli %select_n3A_720, %mul3A_721 : i32
      %sub3A_723 = arith.subi %add3A_696, %mul3A_722 : i32
      %broadcast_in_dim3A_724 = vector.broadcast %sub3A_723 : i32 to vector<16xi32>
      %mul3A_725 = arith.constant 128 : i32
      %mul3A_726 = arith.muli %select_n3A_720, %mul3A_725 : i32
      %add3A_727 = arith.constant 0 : i32
      %add3A_728 = arith.addi %mul3A_726, %add3A_727 : i32
      %add3A_729 = vector.broadcast %add3A_728 : i32 to vector<16xi32>
      %add3A_730 = arith.addi %add3A_729, %iota3A : vector<16xi32>
      %gather3A_731 = tpu.vector_load_idx %arg5[%add3A_730, %broadcast_in_dim3A_724] : memref<512x20xi32, #tpu.memory_space<vmem>>[vector<16xi32>, vector<16xi32>], vector<16xi32>,
      %swap3A_732 = arith.constant 0 : index
      %swap3A_733 = tpu.vector_load %arg7[%swap3A_732] {strides = array<i32>} : memref<128xi32, #tpu.memory_space<vmem>>, vector<16xi32>,
      tpu.vector_store %arg7[%swap3A_732], %gather3A_731 {strides = array<i32>} : memref<128xi32, #tpu.memory_space<vmem>>, vector<16xi32>,
      %mul3A_734 = arith.constant 128 : i32
      %mul3A_735 = arith.muli %select_n3A_720, %mul3A_734 : i32
      %add3A_736 = arith.constant 16 : i32
      %add3A_737 = arith.addi %mul3A_735, %add3A_736 : i32
      %add3A_738 = vector.broadcast %add3A_737 : i32 to vector<16xi32>
      %add3A_739 = arith.addi %add3A_738, %iota3A : vector<16xi32>
      %gather3A_740 = tpu.vector_load_idx %arg5[%add3A_739, %broadcast_in_dim3A_724] : memref<512x20xi32, #tpu.memory_space<vmem>>[vector<16xi32>, vector<16xi32>], vector<16xi32>,
      %swap3A_741 = arith.constant 16 : index
      %swap3A_742 = tpu.vector_load %arg7[%swap3A_741] {strides = array<i32>} : memref<128xi32, #tpu.memory_space<vmem>>, vector<16xi32>,
      tpu.vector_store %arg7[%swap3A_741], %gather3A_740 {strides = array<i32>} : memref<128xi32, #tpu.memory_space<vmem>>, vector<16xi32>,
      %mul3A_743 = arith.constant 128 : i32
      %mul3A_744 = arith.muli %select_n3A_720, %mul3A_743 : i32
      %add3A_745 = arith.constant 32 : i32
      %add3A_746 = arith.addi %mul3A_744, %add3A_745 : i32
      %add3A_747 = vector.broadcast %add3A_746 : i32 to vector<16xi32>
      %add3A_748 = arith.addi %add3A_747, %iota3A : vector<16xi32>
      %gather3A_749 = tpu.vector_load_idx %arg5[%add3A_748, %broadcast_in_dim3A_724] : memref<512x20xi32, #tpu.memory_space<vmem>>[vector<16xi32>, vector<16xi32>], vector<16xi32>,
      %swap3A_750 = arith.constant 32 : index
      %swap3A_751 = tpu.vector_load %arg7[%swap3A_750] {strides = array<i32>} : memref<128xi32, #tpu.memory_space<vmem>>, vector<16xi32>,
      tpu.vector_store %arg7[%swap3A_750], %gather3A_749 {strides = array<i32>} : memref<128xi32, #tpu.memory_space<vmem>>, vector<16xi32>,
      %mul3A_752 = arith.constant 128 : i32
      %mul3A_753 = arith.muli %select_n3A_720, %mul3A_752 : i32
      %add3A_754 = arith.constant 48 : i32
      %add3A_755 = arith.addi %mul3A_753, %add3A_754 : i32
      %add3A_756 = vector.broadcast %add3A_755 : i32 to vector<16xi32>
      %add3A_757 = arith.addi %add3A_756, %iota3A : vector<16xi32>
      %gather3A_758 = tpu.vector_load_idx %arg5[%add3A_757, %broadcast_in_dim3A_724] : memref<512x20xi32, #tpu.memory_space<vmem>>[vector<16xi32>, vector<16xi32>], vector<16xi32>,
      %swap3A_759 = arith.constant 48 : index
      %swap3A_760 = tpu.vector_load %arg7[%swap3A_759] {strides = array<i32>} : memref<128xi32, #tpu.memory_space<vmem>>, vector<16xi32>,
      tpu.vector_store %arg7[%swap3A_759], %gather3A_758 {strides = array<i32>} : memref<128xi32, #tpu.memory_space<vmem>>, vector<16xi32>,
      %mul3A_761 = arith.constant 128 : i32
      %mul3A_762 = arith.muli %select_n3A_720, %mul3A_761 : i32
      %add3A_763 = arith.constant 64 : i32
      %add3A_764 = arith.addi %mul3A_762, %add3A_763 : i32
      %add3A_765 = vector.broadcast %add3A_764 : i32 to vector<16xi32>
      %add3A_766 = arith.addi %add3A_765, %iota3A : vector<16xi32>
      %gather3A_767 = tpu.vector_load_idx %arg5[%add3A_766, %broadcast_in_dim3A_724] : memref<512x20xi32, #tpu.memory_space<vmem>>[vector<16xi32>, vector<16xi32>], vector<16xi32>,
      %swap3A_768 = arith.constant 64 : index
      %swap3A_769 = tpu.vector_load %arg7[%swap3A_768] {strides = array<i32>} : memref<128xi32, #tpu.memory_space<vmem>>, vector<16xi32>,
      tpu.vector_store %arg7[%swap3A_768], %gather3A_767 {strides = array<i32>} : memref<128xi32, #tpu.memory_space<vmem>>, vector<16xi32>,
      %mul3A_770 = arith.constant 128 : i32
      %mul3A_771 = arith.muli %select_n3A_720, %mul3A_770 : i32
      %add3A_772 = arith.constant 80 : i32
      %add3A_773 = arith.addi %mul3A_771, %add3A_772 : i32
      %add3A_774 = vector.broadcast %add3A_773 : i32 to vector<16xi32>
      %add3A_775 = arith.addi %add3A_774, %iota3A : vector<16xi32>
      %gather3A_776 = tpu.vector_load_idx %arg5[%add3A_775, %broadcast_in_dim3A_724] : memref<512x20xi32, #tpu.memory_space<vmem>>[vector<16xi32>, vector<16xi32>], vector<16xi32>,
      %swap3A_777 = arith.constant 80 : index
      %swap3A_778 = tpu.vector_load %arg7[%swap3A_777] {strides = array<i32>} : memref<128xi32, #tpu.memory_space<vmem>>, vector<16xi32>,
      tpu.vector_store %arg7[%swap3A_777], %gather3A_776 {strides = array<i32>} : memref<128xi32, #tpu.memory_space<vmem>>, vector<16xi32>,
      %mul3A_779 = arith.constant 128 : i32
      %mul3A_780 = arith.muli %select_n3A_720, %mul3A_779 : i32
      %add3A_781 = arith.constant 96 : i32
      %add3A_782 = arith.addi %mul3A_780, %add3A_781 : i32
      %add3A_783 = vector.broadcast %add3A_782 : i32 to vector<16xi32>
      %add3A_784 = arith.addi %add3A_783, %iota3A : vector<16xi32>
      %gather3A_785 = tpu.vector_load_idx %arg5[%add3A_784, %broadcast_in_dim3A_724] : memref<512x20xi32, #tpu.memory_space<vmem>>[vector<16xi32>, vector<16xi32>], vector<16xi32>,
      %swap3A_786 = arith.constant 96 : index
      %swap3A_787 = tpu.vector_load %arg7[%swap3A_786] {strides = array<i32>} : memref<128xi32, #tpu.memory_space<vmem>>, vector<16xi32>,
      tpu.vector_store %arg7[%swap3A_786], %gather3A_785 {strides = array<i32>} : memref<128xi32, #tpu.memory_space<vmem>>, vector<16xi32>,
      %mul3A_788 = arith.constant 128 : i32
      %mul3A_789 = arith.muli %select_n3A_720, %mul3A_788 : i32
      %add3A_790 = arith.constant 112 : i32
      %add3A_791 = arith.addi %mul3A_789, %add3A_790 : i32
      %add3A_792 = vector.broadcast %add3A_791 : i32 to vector<16xi32>
      %add3A_793 = arith.addi %add3A_792, %iota3A : vector<16xi32>
      %gather3A_794 = tpu.vector_load_idx %arg5[%add3A_793, %broadcast_in_dim3A_724] : memref<512x20xi32, #tpu.memory_space<vmem>>[vector<16xi32>, vector<16xi32>], vector<16xi32>,
      %swap3A_795 = arith.constant 112 : index
      %swap3A_796 = tpu.vector_load %arg7[%swap3A_795] {strides = array<i32>} : memref<128xi32, #tpu.memory_space<vmem>>, vector<16xi32>,
      tpu.vector_store %arg7[%swap3A_795], %gather3A_794 {strides = array<i32>} : memref<128xi32, #tpu.memory_space<vmem>>, vector<16xi32>,
      %dma_start3A_797 = arith.constant 0 : i32
      %dma_start3A_798 = arith.constant 0 : i32
      %dma_start3A_799 = tpu.memref_slice %arg3[%dma_start3A_797, %dma_start3A_798] : memref<1000000x128xf32, #tpu.memory_space<hbm>> -> memref<1000000x128xf32, #tpu.memory_space<hbm>>
      tpu.enqueue_indirect_dma source(%dma_start3A_799 : memref<1000000x128xf32, #tpu.memory_space<hbm>>) target(%arg13 : memref<128x128xf32, #tpu.memory_space<vmem>>) offsets(%arg7 : memref<128xi32, #tpu.memory_space<vmem>>) semaphore(%arg19 : memref<!tpu.dma_semaphore, #tpu.memory_space<semaphore_mem>>)
      %mul3A_800 = arith.constant 6 : i32
      %mul3A_801 = arith.muli %scan3A_435, %mul3A_800 : i32
      %add3A_802 = arith.constant 2 : i32
      %add3A_803 = arith.addi %mul3A_801, %add3A_802 : i32
      %dma_wait3A_804 = arith.constant 0 : i32
      %dma_wait3A_805 = arith.constant 0 : i32
      %dma_wait3A_806 = tpu.memref_slice %arg3[%dma_wait3A_804, %dma_wait3A_805] : memref<1000000x128xf32, #tpu.memory_space<hbm>> -> memref<1000000x128xf32, #tpu.memory_space<hbm>>
      tpu.wait_indirect_dma semaphore(%arg20 : memref<!tpu.dma_semaphore, #tpu.memory_space<semaphore_mem>>) src(%dma_wait3A_806 : memref<1000000x128xf32, #tpu.memory_space<hbm>>) dst(%arg14 : memref<128x128xf32, #tpu.memory_space<vmem>>)
      %jit3A_807 = arith.constant 20 : i32
      %div3A_808 = arith.divsi %add3A_803, %jit3A_807 : i32
      %sign3A_809 = arith.constant 0 : i32
      %sign3A_810 = arith.cmpi sgt, %add3A_803, %sign3A_809 : i32
      %sign3A_811 = arith.extui %sign3A_810 : i1 to i32
      %sign3A_812 = arith.constant 0 : i32
      %sign3A_813 = arith.cmpi slt, %add3A_803, %sign3A_812 : i32
      %sign3A_814 = arith.extui %sign3A_813 : i1 to i32
      %sign3A_815 = arith.subi %sign3A_811, %sign3A_814 : i32
      %sign3A_816 = arith.constant 0 : i32
      %sign3A_817 = arith.cmpi sgt, %jit3A_807, %sign3A_816 : i32
      %sign3A_818 = arith.extui %sign3A_817 : i1 to i32
      %sign3A_819 = arith.constant 0 : i32
      %sign3A_820 = arith.cmpi slt, %jit3A_807, %sign3A_819 : i32
      %sign3A_821 = arith.extui %sign3A_820 : i1 to i32
      %sign3A_822 = arith.subi %sign3A_818, %sign3A_821 : i32
      %ne3A_823 = arith.cmpi ne, %sign3A_815, %sign3A_822 : i32
      %rem3A_824 = arith.remsi %add3A_803, %jit3A_807 : i32
      %ne3A_825 = arith.constant 0 : i32
      %ne3A_826 = arith.cmpi ne, %rem3A_824, %ne3A_825 : i32
      %and3A_827 = arith.andi %ne3A_823, %ne3A_826 : i1
      %sub3A_828 = arith.constant 1 : i32
      %sub3A_829 = arith.subi %div3A_808, %sub3A_828 : i32
      %select_n3A_830 = arith.select %and3A_827, %sub3A_829, %div3A_808 : i32
      %mul3A_831 = arith.constant 20 : i32
      %mul3A_832 = arith.muli %select_n3A_830, %mul3A_831 : i32
      %sub3A_833 = arith.subi %add3A_803, %mul3A_832 : i32
      %mul3A_834 = arith.constant 16384 : i32
      %mul3A_835 = arith.muli %sub3A_833, %mul3A_834 : i32
      %add3A_836 = arith.addi %mul3A_835, %mul3A_2 : i32
      %mul3A_837 = arith.constant 128 : i32
      %mul3A_838 = arith.muli %select_n3A_830, %mul3A_837 : i32
      %add3A_839 = arith.addi %add3A_836, %mul3A_838 : i32
      %dma_start3A_840 = arith.constant 0 : i32
      %dma_start3A_841 = tpu.memref_slice %arg4[%add3A_839, %dma_start3A_840] : memref<327680x128xf32, #tpu.memory_space<hbm>> -> memref<128x128xf32, #tpu.memory_space<hbm>>
      %dma_start3A_842 = arith.constant 0 : i32
      %dma_start3A_843 = tpu.memref_slice %arg4[%add3A_839, %dma_start3A_842] : memref<327680x128xf32, #tpu.memory_space<hbm>> -> memref<128x128xf32, #tpu.memory_space<hbm>>
      tpu.enqueue_dma source(%arg14 : memref<128x128xf32, #tpu.memory_space<vmem>>) target(%dma_start3A_843 : memref<128x128xf32, #tpu.memory_space<hbm>>) target_semaphore(%arg26 : memref<!tpu.dma_semaphore, #tpu.memory_space<semaphore_mem>>)
      %jit3A_844 = arith.constant 20 : i32
      %div3A_845 = arith.divsi %add3A_803, %jit3A_844 : i32
      %sign3A_846 = arith.constant 0 : i32
      %sign3A_847 = arith.cmpi sgt, %add3A_803, %sign3A_846 : i32
      %sign3A_848 = arith.extui %sign3A_847 : i1 to i32
      %sign3A_849 = arith.constant 0 : i32
      %sign3A_850 = arith.cmpi slt, %add3A_803, %sign3A_849 : i32
      %sign3A_851 = arith.extui %sign3A_850 : i1 to i32
      %sign3A_852 = arith.subi %sign3A_848, %sign3A_851 : i32
      %sign3A_853 = arith.constant 0 : i32
      %sign3A_854 = arith.cmpi sgt, %jit3A_844, %sign3A_853 : i32
      %sign3A_855 = arith.extui %sign3A_854 : i1 to i32
      %sign3A_856 = arith.constant 0 : i32
      %sign3A_857 = arith.cmpi slt, %jit3A_844, %sign3A_856 : i32
      %sign3A_858 = arith.extui %sign3A_857 : i1 to i32
      %sign3A_859 = arith.subi %sign3A_855, %sign3A_858 : i32
      %ne3A_860 = arith.cmpi ne, %sign3A_852, %sign3A_859 : i32
      %rem3A_861 = arith.remsi %add3A_803, %jit3A_844 : i32
      %ne3A_862 = arith.constant 0 : i32
      %ne3A_863 = arith.cmpi ne, %rem3A_861, %ne3A_862 : i32
      %and3A_864 = arith.andi %ne3A_860, %ne3A_863 : i1
      %sub3A_865 = arith.constant 1 : i32
      %sub3A_866 = arith.subi %div3A_845, %sub3A_865 : i32
      %select_n3A_867 = arith.select %and3A_864, %sub3A_866, %div3A_845 : i32
      %mul3A_868 = arith.constant 20 : i32
      %mul3A_869 = arith.muli %select_n3A_867, %mul3A_868 : i32
      %sub3A_870 = arith.subi %add3A_803, %mul3A_869 : i32
      %mul3A_871 = arith.constant 16384 : i32
      %mul3A_872 = arith.muli %sub3A_870, %mul3A_871 : i32
      %add3A_873 = arith.addi %mul3A_872, %mul3A_2 : i32
      %mul3A_874 = arith.constant 128 : i32
      %mul3A_875 = arith.muli %select_n3A_867, %mul3A_874 : i32
      %add3A_876 = arith.addi %add3A_873, %mul3A_875 : i32
      %dma_wait3A_877 = arith.constant 0 : i32
      %dma_wait3A_878 = tpu.memref_slice %arg4[%add3A_876, %dma_wait3A_877] : memref<327680x128xf32, #tpu.memory_space<hbm>> -> memref<128x128xf32, #tpu.memory_space<hbm>>
      %dma_wait3A_879 = arith.constant 0 : i32
      %dma_wait3A_880 = tpu.memref_slice %arg4[%add3A_876, %dma_wait3A_879] : memref<327680x128xf32, #tpu.memory_space<hbm>> -> memref<128x128xf32, #tpu.memory_space<hbm>>
      tpu.wait_dma2 semaphore(%arg26 : memref<!tpu.dma_semaphore, #tpu.memory_space<semaphore_mem>>) src(%arg14 : memref<128x128xf32, #tpu.memory_space<vmem>>) dst(%dma_wait3A_880 : memref<128x128xf32, #tpu.memory_space<hbm>>)
      %add3A_881 = arith.constant 6 : i32
      %add3A_882 = arith.addi %add3A_803, %add3A_881 : i32
      %jit3A_883 = arith.constant 20 : i32
      %div3A_884 = arith.divsi %add3A_882, %jit3A_883 : i32
      %sign3A_885 = arith.constant 0 : i32
      %sign3A_886 = arith.cmpi sgt, %add3A_882, %sign3A_885 : i32
      %sign3A_887 = arith.extui %sign3A_886 : i1 to i32
      %sign3A_888 = arith.constant 0 : i32
      %sign3A_889 = arith.cmpi slt, %add3A_882, %sign3A_888 : i32
      %sign3A_890 = arith.extui %sign3A_889 : i1 to i32
      %sign3A_891 = arith.subi %sign3A_887, %sign3A_890 : i32
      %sign3A_892 = arith.constant 0 : i32
      %sign3A_893 = arith.cmpi sgt, %jit3A_883, %sign3A_892 : i32
      %sign3A_894 = arith.extui %sign3A_893 : i1 to i32
      %sign3A_895 = arith.constant 0 : i32
      %sign3A_896 = arith.cmpi slt, %jit3A_883, %sign3A_895 : i32
      %sign3A_897 = arith.extui %sign3A_896 : i1 to i32
      %sign3A_898 = arith.subi %sign3A_894, %sign3A_897 : i32
      %ne3A_899 = arith.cmpi ne, %sign3A_891, %sign3A_898 : i32
      %rem3A_900 = arith.remsi %add3A_882, %jit3A_883 : i32
      %ne3A_901 = arith.constant 0 : i32
      %ne3A_902 = arith.cmpi ne, %rem3A_900, %ne3A_901 : i32
      %and3A_903 = arith.andi %ne3A_899, %ne3A_902 : i1
      %sub3A_904 = arith.constant 1 : i32
      %sub3A_905 = arith.subi %div3A_884, %sub3A_904 : i32
      %select_n3A_906 = arith.select %and3A_903, %sub3A_905, %div3A_884 : i32
      %mul3A_907 = arith.constant 20 : i32
      %mul3A_908 = arith.muli %select_n3A_906, %mul3A_907 : i32
      %sub3A_909 = arith.subi %add3A_882, %mul3A_908 : i32
      %broadcast_in_dim3A_910 = vector.broadcast %sub3A_909 : i32 to vector<16xi32>
      %mul3A_911 = arith.constant 128 : i32
      %mul3A_912 = arith.muli %select_n3A_906, %mul3A_911 : i32
      %add3A_913 = arith.constant 0 : i32
      %add3A_914 = arith.addi %mul3A_912, %add3A_913 : i32
      %add3A_915 = vector.broadcast %add3A_914 : i32 to vector<16xi32>
      %add3A_916 = arith.addi %add3A_915, %iota3A : vector<16xi32>
      %gather3A_917 = tpu.vector_load_idx %arg5[%add3A_916, %broadcast_in_dim3A_910] : memref<512x20xi32, #tpu.memory_space<vmem>>[vector<16xi32>, vector<16xi32>], vector<16xi32>,
      %swap3A_918 = arith.constant 0 : index
      %swap3A_919 = tpu.vector_load %arg8[%swap3A_918] {strides = array<i32>} : memref<128xi32, #tpu.memory_space<vmem>>, vector<16xi32>,
      tpu.vector_store %arg8[%swap3A_918], %gather3A_917 {strides = array<i32>} : memref<128xi32, #tpu.memory_space<vmem>>, vector<16xi32>,
      %mul3A_920 = arith.constant 128 : i32
      %mul3A_921 = arith.muli %select_n3A_906, %mul3A_920 : i32
      %add3A_922 = arith.constant 16 : i32
      %add3A_923 = arith.addi %mul3A_921, %add3A_922 : i32
      %add3A_924 = vector.broadcast %add3A_923 : i32 to vector<16xi32>
      %add3A_925 = arith.addi %add3A_924, %iota3A : vector<16xi32>
      %gather3A_926 = tpu.vector_load_idx %arg5[%add3A_925, %broadcast_in_dim3A_910] : memref<512x20xi32, #tpu.memory_space<vmem>>[vector<16xi32>, vector<16xi32>], vector<16xi32>,
      %swap3A_927 = arith.constant 16 : index
      %swap3A_928 = tpu.vector_load %arg8[%swap3A_927] {strides = array<i32>} : memref<128xi32, #tpu.memory_space<vmem>>, vector<16xi32>,
      tpu.vector_store %arg8[%swap3A_927], %gather3A_926 {strides = array<i32>} : memref<128xi32, #tpu.memory_space<vmem>>, vector<16xi32>,
      %mul3A_929 = arith.constant 128 : i32
      %mul3A_930 = arith.muli %select_n3A_906, %mul3A_929 : i32
      %add3A_931 = arith.constant 32 : i32
      %add3A_932 = arith.addi %mul3A_930, %add3A_931 : i32
      %add3A_933 = vector.broadcast %add3A_932 : i32 to vector<16xi32>
      %add3A_934 = arith.addi %add3A_933, %iota3A : vector<16xi32>
      %gather3A_935 = tpu.vector_load_idx %arg5[%add3A_934, %broadcast_in_dim3A_910] : memref<512x20xi32, #tpu.memory_space<vmem>>[vector<16xi32>, vector<16xi32>], vector<16xi32>,
      %swap3A_936 = arith.constant 32 : index
      %swap3A_937 = tpu.vector_load %arg8[%swap3A_936] {strides = array<i32>} : memref<128xi32, #tpu.memory_space<vmem>>, vector<16xi32>,
      tpu.vector_store %arg8[%swap3A_936], %gather3A_935 {strides = array<i32>} : memref<128xi32, #tpu.memory_space<vmem>>, vector<16xi32>,
      %mul3A_938 = arith.constant 128 : i32
      %mul3A_939 = arith.muli %select_n3A_906, %mul3A_938 : i32
      %add3A_940 = arith.constant 48 : i32
      %add3A_941 = arith.addi %mul3A_939, %add3A_940 : i32
      %add3A_942 = vector.broadcast %add3A_941 : i32 to vector<16xi32>
      %add3A_943 = arith.addi %add3A_942, %iota3A : vector<16xi32>
      %gather3A_944 = tpu.vector_load_idx %arg5[%add3A_943, %broadcast_in_dim3A_910] : memref<512x20xi32, #tpu.memory_space<vmem>>[vector<16xi32>, vector<16xi32>], vector<16xi32>,
      %swap3A_945 = arith.constant 48 : index
      %swap3A_946 = tpu.vector_load %arg8[%swap3A_945] {strides = array<i32>} : memref<128xi32, #tpu.memory_space<vmem>>, vector<16xi32>,
      tpu.vector_store %arg8[%swap3A_945], %gather3A_944 {strides = array<i32>} : memref<128xi32, #tpu.memory_space<vmem>>, vector<16xi32>,
      %mul3A_947 = arith.constant 128 : i32
      %mul3A_948 = arith.muli %select_n3A_906, %mul3A_947 : i32
      %add3A_949 = arith.constant 64 : i32
      %add3A_950 = arith.addi %mul3A_948, %add3A_949 : i32
      %add3A_951 = vector.broadcast %add3A_950 : i32 to vector<16xi32>
      %add3A_952 = arith.addi %add3A_951, %iota3A : vector<16xi32>
      %gather3A_953 = tpu.vector_load_idx %arg5[%add3A_952, %broadcast_in_dim3A_910] : memref<512x20xi32, #tpu.memory_space<vmem>>[vector<16xi32>, vector<16xi32>], vector<16xi32>,
      %swap3A_954 = arith.constant 64 : index
      %swap3A_955 = tpu.vector_load %arg8[%swap3A_954] {strides = array<i32>} : memref<128xi32, #tpu.memory_space<vmem>>, vector<16xi32>,
      tpu.vector_store %arg8[%swap3A_954], %gather3A_953 {strides = array<i32>} : memref<128xi32, #tpu.memory_space<vmem>>, vector<16xi32>,
      %mul3A_956 = arith.constant 128 : i32
      %mul3A_957 = arith.muli %select_n3A_906, %mul3A_956 : i32
      %add3A_958 = arith.constant 80 : i32
      %add3A_959 = arith.addi %mul3A_957, %add3A_958 : i32
      %add3A_960 = vector.broadcast %add3A_959 : i32 to vector<16xi32>
      %add3A_961 = arith.addi %add3A_960, %iota3A : vector<16xi32>
      %gather3A_962 = tpu.vector_load_idx %arg5[%add3A_961, %broadcast_in_dim3A_910] : memref<512x20xi32, #tpu.memory_space<vmem>>[vector<16xi32>, vector<16xi32>], vector<16xi32>,
      %swap3A_963 = arith.constant 80 : index
      %swap3A_964 = tpu.vector_load %arg8[%swap3A_963] {strides = array<i32>} : memref<128xi32, #tpu.memory_space<vmem>>, vector<16xi32>,
      tpu.vector_store %arg8[%swap3A_963], %gather3A_962 {strides = array<i32>} : memref<128xi32, #tpu.memory_space<vmem>>, vector<16xi32>,
      %mul3A_965 = arith.constant 128 : i32
      %mul3A_966 = arith.muli %select_n3A_906, %mul3A_965 : i32
      %add3A_967 = arith.constant 96 : i32
      %add3A_968 = arith.addi %mul3A_966, %add3A_967 : i32
      %add3A_969 = vector.broadcast %add3A_968 : i32 to vector<16xi32>
      %add3A_970 = arith.addi %add3A_969, %iota3A : vector<16xi32>
      %gather3A_971 = tpu.vector_load_idx %arg5[%add3A_970, %broadcast_in_dim3A_910] : memref<512x20xi32, #tpu.memory_space<vmem>>[vector<16xi32>, vector<16xi32>], vector<16xi32>,
      %swap3A_972 = arith.constant 96 : index
      %swap3A_973 = tpu.vector_load %arg8[%swap3A_972] {strides = array<i32>} : memref<128xi32, #tpu.memory_space<vmem>>, vector<16xi32>,
      tpu.vector_store %arg8[%swap3A_972], %gather3A_971 {strides = array<i32>} : memref<128xi32, #tpu.memory_space<vmem>>, vector<16xi32>,
      %mul3A_974 = arith.constant 128 : i32
      %mul3A_975 = arith.muli %select_n3A_906, %mul3A_974 : i32
      %add3A_976 = arith.constant 112 : i32
      %add3A_977 = arith.addi %mul3A_975, %add3A_976 : i32
      %add3A_978 = vector.broadcast %add3A_977 : i32 to vector<16xi32>
      %add3A_979 = arith.addi %add3A_978, %iota3A : vector<16xi32>
      %gather3A_980 = tpu.vector_load_idx %arg5[%add3A_979, %broadcast_in_dim3A_910] : memref<512x20xi32, #tpu.memory_space<vmem>>[vector<16xi32>, vector<16xi32>], vector<16xi32>,
      %swap3A_981 = arith.constant 112 : index
      %swap3A_982 = tpu.vector_load %arg8[%swap3A_981] {strides = array<i32>} : memref<128xi32, #tpu.memory_space<vmem>>, vector<16xi32>,
      tpu.vector_store %arg8[%swap3A_981], %gather3A_980 {strides = array<i32>} : memref<128xi32, #tpu.memory_space<vmem>>, vector<16xi32>,
      %dma_start3A_983 = arith.constant 0 : i32
      %dma_start3A_984 = arith.constant 0 : i32
      %dma_start3A_985 = tpu.memref_slice %arg3[%dma_start3A_983, %dma_start3A_984] : memref<1000000x128xf32, #tpu.memory_space<hbm>> -> memref<1000000x128xf32, #tpu.memory_space<hbm>>
      tpu.enqueue_indirect_dma source(%dma_start3A_985 : memref<1000000x128xf32, #tpu.memory_space<hbm>>) target(%arg14 : memref<128x128xf32, #tpu.memory_space<vmem>>) offsets(%arg8 : memref<128xi32, #tpu.memory_space<vmem>>) semaphore(%arg20 : memref<!tpu.dma_semaphore, #tpu.memory_space<semaphore_mem>>)
      %mul3A_986 = arith.constant 6 : i32
      %mul3A_987 = arith.muli %scan3A_435, %mul3A_986 : i32
      %add3A_988 = arith.constant 3 : i32
      %add3A_989 = arith.addi %mul3A_987, %add3A_988 : i32
      %dma_wait3A_990 = arith.constant 0 : i32
      %dma_wait3A_991 = arith.constant 0 : i32
      %dma_wait3A_992 = tpu.memref_slice %arg3[%dma_wait3A_990, %dma_wait3A_991] : memref<1000000x128xf32, #tpu.memory_space<hbm>> -> memref<1000000x128xf32, #tpu.memory_space<hbm>>
      tpu.wait_indirect_dma semaphore(%arg21 : memref<!tpu.dma_semaphore, #tpu.memory_space<semaphore_mem>>) src(%dma_wait3A_992 : memref<1000000x128xf32, #tpu.memory_space<hbm>>) dst(%arg15 : memref<128x128xf32, #tpu.memory_space<vmem>>)
      %jit3A_993 = arith.constant 20 : i32
      %div3A_994 = arith.divsi %add3A_989, %jit3A_993 : i32
      %sign3A_995 = arith.constant 0 : i32
      %sign3A_996 = arith.cmpi sgt, %add3A_989, %sign3A_995 : i32
      %sign3A_997 = arith.extui %sign3A_996 : i1 to i32
      %sign3A_998 = arith.constant 0 : i32
      %sign3A_999 = arith.cmpi slt, %add3A_989, %sign3A_998 : i32
      %sign3A_1000 = arith.extui %sign3A_999 : i1 to i32
      %sign3A_1001 = arith.subi %sign3A_997, %sign3A_1000 : i32
      %sign3A_1002 = arith.constant 0 : i32
      %sign3A_1003 = arith.cmpi sgt, %jit3A_993, %sign3A_1002 : i32
      %sign3A_1004 = arith.extui %sign3A_1003 : i1 to i32
      %sign3A_1005 = arith.constant 0 : i32
      %sign3A_1006 = arith.cmpi slt, %jit3A_993, %sign3A_1005 : i32
      %sign3A_1007 = arith.extui %sign3A_1006 : i1 to i32
      %sign3A_1008 = arith.subi %sign3A_1004, %sign3A_1007 : i32
      %ne3A_1009 = arith.cmpi ne, %sign3A_1001, %sign3A_1008 : i32
      %rem3A_1010 = arith.remsi %add3A_989, %jit3A_993 : i32
      %ne3A_1011 = arith.constant 0 : i32
      %ne3A_1012 = arith.cmpi ne, %rem3A_1010, %ne3A_1011 : i32
      %and3A_1013 = arith.andi %ne3A_1009, %ne3A_1012 : i1
      %sub3A_1014 = arith.constant 1 : i32
      %sub3A_1015 = arith.subi %div3A_994, %sub3A_1014 : i32
      %select_n3A_1016 = arith.select %and3A_1013, %sub3A_1015, %div3A_994 : i32
      %mul3A_1017 = arith.constant 20 : i32
      %mul3A_1018 = arith.muli %select_n3A_1016, %mul3A_1017 : i32
      %sub3A_1019 = arith.subi %add3A_989, %mul3A_1018 : i32
      %mul3A_1020 = arith.constant 16384 : i32
      %mul3A_1021 = arith.muli %sub3A_1019, %mul3A_1020 : i32
      %add3A_1022 = arith.addi %mul3A_1021, %mul3A_2 : i32
      %mul3A_1023 = arith.constant 128 : i32
      %mul3A_1024 = arith.muli %select_n3A_1016, %mul3A_1023 : i32
      %add3A_1025 = arith.addi %add3A_1022, %mul3A_1024 : i32
      %dma_start3A_1026 = arith.constant 0 : i32
      %dma_start3A_1027 = tpu.memref_slice %arg4[%add3A_1025, %dma_start3A_1026] : memref<327680x128xf32, #tpu.memory_space<hbm>> -> memref<128x128xf32, #tpu.memory_space<hbm>>
      %dma_start3A_1028 = arith.constant 0 : i32
      %dma_start3A_1029 = tpu.memref_slice %arg4[%add3A_1025, %dma_start3A_1028] : memref<327680x128xf32, #tpu.memory_space<hbm>> -> memref<128x128xf32, #tpu.memory_space<hbm>>
      tpu.enqueue_dma source(%arg15 : memref<128x128xf32, #tpu.memory_space<vmem>>) target(%dma_start3A_1029 : memref<128x128xf32, #tpu.memory_space<hbm>>) target_semaphore(%arg27 : memref<!tpu.dma_semaphore, #tpu.memory_space<semaphore_mem>>)
      %jit3A_1030 = arith.constant 20 : i32
      %div3A_1031 = arith.divsi %add3A_989, %jit3A_1030 : i32
      %sign3A_1032 = arith.constant 0 : i32
      %sign3A_1033 = arith.cmpi sgt, %add3A_989, %sign3A_1032 : i32
      %sign3A_1034 = arith.extui %sign3A_1033 : i1 to i32
      %sign3A_1035 = arith.constant 0 : i32
      %sign3A_1036 = arith.cmpi slt, %add3A_989, %sign3A_1035 : i32
      %sign3A_1037 = arith.extui %sign3A_1036 : i1 to i32
      %sign3A_1038 = arith.subi %sign3A_1034, %sign3A_1037 : i32
      %sign3A_1039 = arith.constant 0 : i32
      %sign3A_1040 = arith.cmpi sgt, %jit3A_1030, %sign3A_1039 : i32
      %sign3A_1041 = arith.extui %sign3A_1040 : i1 to i32
      %sign3A_1042 = arith.constant 0 : i32
      %sign3A_1043 = arith.cmpi slt, %jit3A_1030, %sign3A_1042 : i32
      %sign3A_1044 = arith.extui %sign3A_1043 : i1 to i32
      %sign3A_1045 = arith.subi %sign3A_1041, %sign3A_1044 : i32
      %ne3A_1046 = arith.cmpi ne, %sign3A_1038, %sign3A_1045 : i32
      %rem3A_1047 = arith.remsi %add3A_989, %jit3A_1030 : i32
      %ne3A_1048 = arith.constant 0 : i32
      %ne3A_1049 = arith.cmpi ne, %rem3A_1047, %ne3A_1048 : i32
      %and3A_1050 = arith.andi %ne3A_1046, %ne3A_1049 : i1
      %sub3A_1051 = arith.constant 1 : i32
      %sub3A_1052 = arith.subi %div3A_1031, %sub3A_1051 : i32
      %select_n3A_1053 = arith.select %and3A_1050, %sub3A_1052, %div3A_1031 : i32
      %mul3A_1054 = arith.constant 20 : i32
      %mul3A_1055 = arith.muli %select_n3A_1053, %mul3A_1054 : i32
      %sub3A_1056 = arith.subi %add3A_989, %mul3A_1055 : i32
      %mul3A_1057 = arith.constant 16384 : i32
      %mul3A_1058 = arith.muli %sub3A_1056, %mul3A_1057 : i32
      %add3A_1059 = arith.addi %mul3A_1058, %mul3A_2 : i32
      %mul3A_1060 = arith.constant 128 : i32
      %mul3A_1061 = arith.muli %select_n3A_1053, %mul3A_1060 : i32
      %add3A_1062 = arith.addi %add3A_1059, %mul3A_1061 : i32
      %dma_wait3A_1063 = arith.constant 0 : i32
      %dma_wait3A_1064 = tpu.memref_slice %arg4[%add3A_1062, %dma_wait3A_1063] : memref<327680x128xf32, #tpu.memory_space<hbm>> -> memref<128x128xf32, #tpu.memory_space<hbm>>
      %dma_wait3A_1065 = arith.constant 0 : i32
      %dma_wait3A_1066 = tpu.memref_slice %arg4[%add3A_1062, %dma_wait3A_1065] : memref<327680x128xf32, #tpu.memory_space<hbm>> -> memref<128x128xf32, #tpu.memory_space<hbm>>
      tpu.wait_dma2 semaphore(%arg27 : memref<!tpu.dma_semaphore, #tpu.memory_space<semaphore_mem>>) src(%arg15 : memref<128x128xf32, #tpu.memory_space<vmem>>) dst(%dma_wait3A_1066 : memref<128x128xf32, #tpu.memory_space<hbm>>)
      %add3A_1067 = arith.constant 6 : i32
      %add3A_1068 = arith.addi %add3A_989, %add3A_1067 : i32
      %jit3A_1069 = arith.constant 20 : i32
      %div3A_1070 = arith.divsi %add3A_1068, %jit3A_1069 : i32
      %sign3A_1071 = arith.constant 0 : i32
      %sign3A_1072 = arith.cmpi sgt, %add3A_1068, %sign3A_1071 : i32
      %sign3A_1073 = arith.extui %sign3A_1072 : i1 to i32
      %sign3A_1074 = arith.constant 0 : i32
      %sign3A_1075 = arith.cmpi slt, %add3A_1068, %sign3A_1074 : i32
      %sign3A_1076 = arith.extui %sign3A_1075 : i1 to i32
      %sign3A_1077 = arith.subi %sign3A_1073, %sign3A_1076 : i32
      %sign3A_1078 = arith.constant 0 : i32
      %sign3A_1079 = arith.cmpi sgt, %jit3A_1069, %sign3A_1078 : i32
      %sign3A_1080 = arith.extui %sign3A_1079 : i1 to i32
      %sign3A_1081 = arith.constant 0 : i32
      %sign3A_1082 = arith.cmpi slt, %jit3A_1069, %sign3A_1081 : i32
      %sign3A_1083 = arith.extui %sign3A_1082 : i1 to i32
      %sign3A_1084 = arith.subi %sign3A_1080, %sign3A_1083 : i32
      %ne3A_1085 = arith.cmpi ne, %sign3A_1077, %sign3A_1084 : i32
      %rem3A_1086 = arith.remsi %add3A_1068, %jit3A_1069 : i32
      %ne3A_1087 = arith.constant 0 : i32
      %ne3A_1088 = arith.cmpi ne, %rem3A_1086, %ne3A_1087 : i32
      %and3A_1089 = arith.andi %ne3A_1085, %ne3A_1088 : i1
      %sub3A_1090 = arith.constant 1 : i32
      %sub3A_1091 = arith.subi %div3A_1070, %sub3A_1090 : i32
      %select_n3A_1092 = arith.select %and3A_1089, %sub3A_1091, %div3A_1070 : i32
      %mul3A_1093 = arith.constant 20 : i32
      %mul3A_1094 = arith.muli %select_n3A_1092, %mul3A_1093 : i32
      %sub3A_1095 = arith.subi %add3A_1068, %mul3A_1094 : i32
      %broadcast_in_dim3A_1096 = vector.broadcast %sub3A_1095 : i32 to vector<16xi32>
      %mul3A_1097 = arith.constant 128 : i32
      %mul3A_1098 = arith.muli %select_n3A_1092, %mul3A_1097 : i32
      %add3A_1099 = arith.constant 0 : i32
      %add3A_1100 = arith.addi %mul3A_1098, %add3A_1099 : i32
      %add3A_1101 = vector.broadcast %add3A_1100 : i32 to vector<16xi32>
      %add3A_1102 = arith.addi %add3A_1101, %iota3A : vector<16xi32>
      %gather3A_1103 = tpu.vector_load_idx %arg5[%add3A_1102, %broadcast_in_dim3A_1096] : memref<512x20xi32, #tpu.memory_space<vmem>>[vector<16xi32>, vector<16xi32>], vector<16xi32>,
      %swap3A_1104 = arith.constant 0 : index
      %swap3A_1105 = tpu.vector_load %arg9[%swap3A_1104] {strides = array<i32>} : memref<128xi32, #tpu.memory_space<vmem>>, vector<16xi32>,
      tpu.vector_store %arg9[%swap3A_1104], %gather3A_1103 {strides = array<i32>} : memref<128xi32, #tpu.memory_space<vmem>>, vector<16xi32>,
      %mul3A_1106 = arith.constant 128 : i32
      %mul3A_1107 = arith.muli %select_n3A_1092, %mul3A_1106 : i32
      %add3A_1108 = arith.constant 16 : i32
      %add3A_1109 = arith.addi %mul3A_1107, %add3A_1108 : i32
      %add3A_1110 = vector.broadcast %add3A_1109 : i32 to vector<16xi32>
      %add3A_1111 = arith.addi %add3A_1110, %iota3A : vector<16xi32>
      %gather3A_1112 = tpu.vector_load_idx %arg5[%add3A_1111, %broadcast_in_dim3A_1096] : memref<512x20xi32, #tpu.memory_space<vmem>>[vector<16xi32>, vector<16xi32>], vector<16xi32>,
      %swap3A_1113 = arith.constant 16 : index
      %swap3A_1114 = tpu.vector_load %arg9[%swap3A_1113] {strides = array<i32>} : memref<128xi32, #tpu.memory_space<vmem>>, vector<16xi32>,
      tpu.vector_store %arg9[%swap3A_1113], %gather3A_1112 {strides = array<i32>} : memref<128xi32, #tpu.memory_space<vmem>>, vector<16xi32>,
      %mul3A_1115 = arith.constant 128 : i32
      %mul3A_1116 = arith.muli %select_n3A_1092, %mul3A_1115 : i32
      %add3A_1117 = arith.constant 32 : i32
      %add3A_1118 = arith.addi %mul3A_1116, %add3A_1117 : i32
      %add3A_1119 = vector.broadcast %add3A_1118 : i32 to vector<16xi32>
      %add3A_1120 = arith.addi %add3A_1119, %iota3A : vector<16xi32>
      %gather3A_1121 = tpu.vector_load_idx %arg5[%add3A_1120, %broadcast_in_dim3A_1096] : memref<512x20xi32, #tpu.memory_space<vmem>>[vector<16xi32>, vector<16xi32>], vector<16xi32>,
      %swap3A_1122 = arith.constant 32 : index
      %swap3A_1123 = tpu.vector_load %arg9[%swap3A_1122] {strides = array<i32>} : memref<128xi32, #tpu.memory_space<vmem>>, vector<16xi32>,
      tpu.vector_store %arg9[%swap3A_1122], %gather3A_1121 {strides = array<i32>} : memref<128xi32, #tpu.memory_space<vmem>>, vector<16xi32>,
      %mul3A_1124 = arith.constant 128 : i32
      %mul3A_1125 = arith.muli %select_n3A_1092, %mul3A_1124 : i32
      %add3A_1126 = arith.constant 48 : i32
      %add3A_1127 = arith.addi %mul3A_1125, %add3A_1126 : i32
      %add3A_1128 = vector.broadcast %add3A_1127 : i32 to vector<16xi32>
      %add3A_1129 = arith.addi %add3A_1128, %iota3A : vector<16xi32>
      %gather3A_1130 = tpu.vector_load_idx %arg5[%add3A_1129, %broadcast_in_dim3A_1096] : memref<512x20xi32, #tpu.memory_space<vmem>>[vector<16xi32>, vector<16xi32>], vector<16xi32>,
      %swap3A_1131 = arith.constant 48 : index
      %swap3A_1132 = tpu.vector_load %arg9[%swap3A_1131] {strides = array<i32>} : memref<128xi32, #tpu.memory_space<vmem>>, vector<16xi32>,
      tpu.vector_store %arg9[%swap3A_1131], %gather3A_1130 {strides = array<i32>} : memref<128xi32, #tpu.memory_space<vmem>>, vector<16xi32>,
      %mul3A_1133 = arith.constant 128 : i32
      %mul3A_1134 = arith.muli %select_n3A_1092, %mul3A_1133 : i32
      %add3A_1135 = arith.constant 64 : i32
      %add3A_1136 = arith.addi %mul3A_1134, %add3A_1135 : i32
      %add3A_1137 = vector.broadcast %add3A_1136 : i32 to vector<16xi32>
      %add3A_1138 = arith.addi %add3A_1137, %iota3A : vector<16xi32>
      %gather3A_1139 = tpu.vector_load_idx %arg5[%add3A_1138, %broadcast_in_dim3A_1096] : memref<512x20xi32, #tpu.memory_space<vmem>>[vector<16xi32>, vector<16xi32>], vector<16xi32>,
      %swap3A_1140 = arith.constant 64 : index
      %swap3A_1141 = tpu.vector_load %arg9[%swap3A_1140] {strides = array<i32>} : memref<128xi32, #tpu.memory_space<vmem>>, vector<16xi32>,
      tpu.vector_store %arg9[%swap3A_1140], %gather3A_1139 {strides = array<i32>} : memref<128xi32, #tpu.memory_space<vmem>>, vector<16xi32>,
      %mul3A_1142 = arith.constant 128 : i32
      %mul3A_1143 = arith.muli %select_n3A_1092, %mul3A_1142 : i32
      %add3A_1144 = arith.constant 80 : i32
      %add3A_1145 = arith.addi %mul3A_1143, %add3A_1144 : i32
      %add3A_1146 = vector.broadcast %add3A_1145 : i32 to vector<16xi32>
      %add3A_1147 = arith.addi %add3A_1146, %iota3A : vector<16xi32>
      %gather3A_1148 = tpu.vector_load_idx %arg5[%add3A_1147, %broadcast_in_dim3A_1096] : memref<512x20xi32, #tpu.memory_space<vmem>>[vector<16xi32>, vector<16xi32>], vector<16xi32>,
      %swap3A_1149 = arith.constant 80 : index
      %swap3A_1150 = tpu.vector_load %arg9[%swap3A_1149] {strides = array<i32>} : memref<128xi32, #tpu.memory_space<vmem>>, vector<16xi32>,
      tpu.vector_store %arg9[%swap3A_1149], %gather3A_1148 {strides = array<i32>} : memref<128xi32, #tpu.memory_space<vmem>>, vector<16xi32>,
      %mul3A_1151 = arith.constant 128 : i32
      %mul3A_1152 = arith.muli %select_n3A_1092, %mul3A_1151 : i32
      %add3A_1153 = arith.constant 96 : i32
      %add3A_1154 = arith.addi %mul3A_1152, %add3A_1153 : i32
      %add3A_1155 = vector.broadcast %add3A_1154 : i32 to vector<16xi32>
      %add3A_1156 = arith.addi %add3A_1155, %iota3A : vector<16xi32>
      %gather3A_1157 = tpu.vector_load_idx %arg5[%add3A_1156, %broadcast_in_dim3A_1096] : memref<512x20xi32, #tpu.memory_space<vmem>>[vector<16xi32>, vector<16xi32>], vector<16xi32>,
      %swap3A_1158 = arith.constant 96 : index
      %swap3A_1159 = tpu.vector_load %arg9[%swap3A_1158] {strides = array<i32>} : memref<128xi32, #tpu.memory_space<vmem>>, vector<16xi32>,
      tpu.vector_store %arg9[%swap3A_1158], %gather3A_1157 {strides = array<i32>} : memref<128xi32, #tpu.memory_space<vmem>>, vector<16xi32>,
      %mul3A_1160 = arith.constant 128 : i32
      %mul3A_1161 = arith.muli %select_n3A_1092, %mul3A_1160 : i32
      %add3A_1162 = arith.constant 112 : i32
      %add3A_1163 = arith.addi %mul3A_1161, %add3A_1162 : i32
      %add3A_1164 = vector.broadcast %add3A_1163 : i32 to vector<16xi32>
      %add3A_1165 = arith.addi %add3A_1164, %iota3A : vector<16xi32>
      %gather3A_1166 = tpu.vector_load_idx %arg5[%add3A_1165, %broadcast_in_dim3A_1096] : memref<512x20xi32, #tpu.memory_space<vmem>>[vector<16xi32>, vector<16xi32>], vector<16xi32>,
      %swap3A_1167 = arith.constant 112 : index
      %swap3A_1168 = tpu.vector_load %arg9[%swap3A_1167] {strides = array<i32>} : memref<128xi32, #tpu.memory_space<vmem>>, vector<16xi32>,
      tpu.vector_store %arg9[%swap3A_1167], %gather3A_1166 {strides = array<i32>} : memref<128xi32, #tpu.memory_space<vmem>>, vector<16xi32>,
      %dma_start3A_1169 = arith.constant 0 : i32
      %dma_start3A_1170 = arith.constant 0 : i32
      %dma_start3A_1171 = tpu.memref_slice %arg3[%dma_start3A_1169, %dma_start3A_1170] : memref<1000000x128xf32, #tpu.memory_space<hbm>> -> memref<1000000x128xf32, #tpu.memory_space<hbm>>
      tpu.enqueue_indirect_dma source(%dma_start3A_1171 : memref<1000000x128xf32, #tpu.memory_space<hbm>>) target(%arg15 : memref<128x128xf32, #tpu.memory_space<vmem>>) offsets(%arg9 : memref<128xi32, #tpu.memory_space<vmem>>) semaphore(%arg21 : memref<!tpu.dma_semaphore, #tpu.memory_space<semaphore_mem>>)
      %mul3A_1172 = arith.constant 6 : i32
      %mul3A_1173 = arith.muli %scan3A_435, %mul3A_1172 : i32
      %add3A_1174 = arith.constant 4 : i32
      %add3A_1175 = arith.addi %mul3A_1173, %add3A_1174 : i32
      %dma_wait3A_1176 = arith.constant 0 : i32
      %dma_wait3A_1177 = arith.constant 0 : i32
      %dma_wait3A_1178 = tpu.memref_slice %arg3[%dma_wait3A_1176, %dma_wait3A_1177] : memref<1000000x128xf32, #tpu.memory_space<hbm>> -> memref<1000000x128xf32, #tpu.memory_space<hbm>>
      tpu.wait_indirect_dma semaphore(%arg22 : memref<!tpu.dma_semaphore, #tpu.memory_space<semaphore_mem>>) src(%dma_wait3A_1178 : memref<1000000x128xf32, #tpu.memory_space<hbm>>) dst(%arg16 : memref<128x128xf32, #tpu.memory_space<vmem>>)
      %jit3A_1179 = arith.constant 20 : i32
      %div3A_1180 = arith.divsi %add3A_1175, %jit3A_1179 : i32
      %sign3A_1181 = arith.constant 0 : i32
      %sign3A_1182 = arith.cmpi sgt, %add3A_1175, %sign3A_1181 : i32
      %sign3A_1183 = arith.extui %sign3A_1182 : i1 to i32
      %sign3A_1184 = arith.constant 0 : i32
      %sign3A_1185 = arith.cmpi slt, %add3A_1175, %sign3A_1184 : i32
      %sign3A_1186 = arith.extui %sign3A_1185 : i1 to i32
      %sign3A_1187 = arith.subi %sign3A_1183, %sign3A_1186 : i32
      %sign3A_1188 = arith.constant 0 : i32
      %sign3A_1189 = arith.cmpi sgt, %jit3A_1179, %sign3A_1188 : i32
      %sign3A_1190 = arith.extui %sign3A_1189 : i1 to i32
      %sign3A_1191 = arith.constant 0 : i32
      %sign3A_1192 = arith.cmpi slt, %jit3A_1179, %sign3A_1191 : i32
      %sign3A_1193 = arith.extui %sign3A_1192 : i1 to i32
      %sign3A_1194 = arith.subi %sign3A_1190, %sign3A_1193 : i32
      %ne3A_1195 = arith.cmpi ne, %sign3A_1187, %sign3A_1194 : i32
      %rem3A_1196 = arith.remsi %add3A_1175, %jit3A_1179 : i32
      %ne3A_1197 = arith.constant 0 : i32
      %ne3A_1198 = arith.cmpi ne, %rem3A_1196, %ne3A_1197 : i32
      %and3A_1199 = arith.andi %ne3A_1195, %ne3A_1198 : i1
      %sub3A_1200 = arith.constant 1 : i32
      %sub3A_1201 = arith.subi %div3A_1180, %sub3A_1200 : i32
      %select_n3A_1202 = arith.select %and3A_1199, %sub3A_1201, %div3A_1180 : i32
      %mul3A_1203 = arith.constant 20 : i32
      %mul3A_1204 = arith.muli %select_n3A_1202, %mul3A_1203 : i32
      %sub3A_1205 = arith.subi %add3A_1175, %mul3A_1204 : i32
      %mul3A_1206 = arith.constant 16384 : i32
      %mul3A_1207 = arith.muli %sub3A_1205, %mul3A_1206 : i32
      %add3A_1208 = arith.addi %mul3A_1207, %mul3A_2 : i32
      %mul3A_1209 = arith.constant 128 : i32
      %mul3A_1210 = arith.muli %select_n3A_1202, %mul3A_1209 : i32
      %add3A_1211 = arith.addi %add3A_1208, %mul3A_1210 : i32
      %dma_start3A_1212 = arith.constant 0 : i32
      %dma_start3A_1213 = tpu.memref_slice %arg4[%add3A_1211, %dma_start3A_1212] : memref<327680x128xf32, #tpu.memory_space<hbm>> -> memref<128x128xf32, #tpu.memory_space<hbm>>
      %dma_start3A_1214 = arith.constant 0 : i32
      %dma_start3A_1215 = tpu.memref_slice %arg4[%add3A_1211, %dma_start3A_1214] : memref<327680x128xf32, #tpu.memory_space<hbm>> -> memref<128x128xf32, #tpu.memory_space<hbm>>
      tpu.enqueue_dma source(%arg16 : memref<128x128xf32, #tpu.memory_space<vmem>>) target(%dma_start3A_1215 : memref<128x128xf32, #tpu.memory_space<hbm>>) target_semaphore(%arg28 : memref<!tpu.dma_semaphore, #tpu.memory_space<semaphore_mem>>)
      %jit3A_1216 = arith.constant 20 : i32
      %div3A_1217 = arith.divsi %add3A_1175, %jit3A_1216 : i32
      %sign3A_1218 = arith.constant 0 : i32
      %sign3A_1219 = arith.cmpi sgt, %add3A_1175, %sign3A_1218 : i32
      %sign3A_1220 = arith.extui %sign3A_1219 : i1 to i32
      %sign3A_1221 = arith.constant 0 : i32
      %sign3A_1222 = arith.cmpi slt, %add3A_1175, %sign3A_1221 : i32
      %sign3A_1223 = arith.extui %sign3A_1222 : i1 to i32
      %sign3A_1224 = arith.subi %sign3A_1220, %sign3A_1223 : i32
      %sign3A_1225 = arith.constant 0 : i32
      %sign3A_1226 = arith.cmpi sgt, %jit3A_1216, %sign3A_1225 : i32
      %sign3A_1227 = arith.extui %sign3A_1226 : i1 to i32
      %sign3A_1228 = arith.constant 0 : i32
      %sign3A_1229 = arith.cmpi slt, %jit3A_1216, %sign3A_1228 : i32
      %sign3A_1230 = arith.extui %sign3A_1229 : i1 to i32
      %sign3A_1231 = arith.subi %sign3A_1227, %sign3A_1230 : i32
      %ne3A_1232 = arith.cmpi ne, %sign3A_1224, %sign3A_1231 : i32
      %rem3A_1233 = arith.remsi %add3A_1175, %jit3A_1216 : i32
      %ne3A_1234 = arith.constant 0 : i32
      %ne3A_1235 = arith.cmpi ne, %rem3A_1233, %ne3A_1234 : i32
      %and3A_1236 = arith.andi %ne3A_1232, %ne3A_1235 : i1
      %sub3A_1237 = arith.constant 1 : i32
      %sub3A_1238 = arith.subi %div3A_1217, %sub3A_1237 : i32
      %select_n3A_1239 = arith.select %and3A_1236, %sub3A_1238, %div3A_1217 : i32
      %mul3A_1240 = arith.constant 20 : i32
      %mul3A_1241 = arith.muli %select_n3A_1239, %mul3A_1240 : i32
      %sub3A_1242 = arith.subi %add3A_1175, %mul3A_1241 : i32
      %mul3A_1243 = arith.constant 16384 : i32
      %mul3A_1244 = arith.muli %sub3A_1242, %mul3A_1243 : i32
      %add3A_1245 = arith.addi %mul3A_1244, %mul3A_2 : i32
      %mul3A_1246 = arith.constant 128 : i32
      %mul3A_1247 = arith.muli %select_n3A_1239, %mul3A_1246 : i32
      %add3A_1248 = arith.addi %add3A_1245, %mul3A_1247 : i32
      %dma_wait3A_1249 = arith.constant 0 : i32
      %dma_wait3A_1250 = tpu.memref_slice %arg4[%add3A_1248, %dma_wait3A_1249] : memref<327680x128xf32, #tpu.memory_space<hbm>> -> memref<128x128xf32, #tpu.memory_space<hbm>>
      %dma_wait3A_1251 = arith.constant 0 : i32
      %dma_wait3A_1252 = tpu.memref_slice %arg4[%add3A_1248, %dma_wait3A_1251] : memref<327680x128xf32, #tpu.memory_space<hbm>> -> memref<128x128xf32, #tpu.memory_space<hbm>>
      tpu.wait_dma2 semaphore(%arg28 : memref<!tpu.dma_semaphore, #tpu.memory_space<semaphore_mem>>) src(%arg16 : memref<128x128xf32, #tpu.memory_space<vmem>>) dst(%dma_wait3A_1252 : memref<128x128xf32, #tpu.memory_space<hbm>>)
      %add3A_1253 = arith.constant 6 : i32
      %add3A_1254 = arith.addi %add3A_1175, %add3A_1253 : i32
      %jit3A_1255 = arith.constant 20 : i32
      %div3A_1256 = arith.divsi %add3A_1254, %jit3A_1255 : i32
      %sign3A_1257 = arith.constant 0 : i32
      %sign3A_1258 = arith.cmpi sgt, %add3A_1254, %sign3A_1257 : i32
      %sign3A_1259 = arith.extui %sign3A_1258 : i1 to i32
      %sign3A_1260 = arith.constant 0 : i32
      %sign3A_1261 = arith.cmpi slt, %add3A_1254, %sign3A_1260 : i32
      %sign3A_1262 = arith.extui %sign3A_1261 : i1 to i32
      %sign3A_1263 = arith.subi %sign3A_1259, %sign3A_1262 : i32
      %sign3A_1264 = arith.constant 0 : i32
      %sign3A_1265 = arith.cmpi sgt, %jit3A_1255, %sign3A_1264 : i32
      %sign3A_1266 = arith.extui %sign3A_1265 : i1 to i32
      %sign3A_1267 = arith.constant 0 : i32
      %sign3A_1268 = arith.cmpi slt, %jit3A_1255, %sign3A_1267 : i32
      %sign3A_1269 = arith.extui %sign3A_1268 : i1 to i32
      %sign3A_1270 = arith.subi %sign3A_1266, %sign3A_1269 : i32
      %ne3A_1271 = arith.cmpi ne, %sign3A_1263, %sign3A_1270 : i32
      %rem3A_1272 = arith.remsi %add3A_1254, %jit3A_1255 : i32
      %ne3A_1273 = arith.constant 0 : i32
      %ne3A_1274 = arith.cmpi ne, %rem3A_1272, %ne3A_1273 : i32
      %and3A_1275 = arith.andi %ne3A_1271, %ne3A_1274 : i1
      %sub3A_1276 = arith.constant 1 : i32
      %sub3A_1277 = arith.subi %div3A_1256, %sub3A_1276 : i32
      %select_n3A_1278 = arith.select %and3A_1275, %sub3A_1277, %div3A_1256 : i32
      %mul3A_1279 = arith.constant 20 : i32
      %mul3A_1280 = arith.muli %select_n3A_1278, %mul3A_1279 : i32
      %sub3A_1281 = arith.subi %add3A_1254, %mul3A_1280 : i32
      %broadcast_in_dim3A_1282 = vector.broadcast %sub3A_1281 : i32 to vector<16xi32>
      %mul3A_1283 = arith.constant 128 : i32
      %mul3A_1284 = arith.muli %select_n3A_1278, %mul3A_1283 : i32
      %add3A_1285 = arith.constant 0 : i32
      %add3A_1286 = arith.addi %mul3A_1284, %add3A_1285 : i32
      %add3A_1287 = vector.broadcast %add3A_1286 : i32 to vector<16xi32>
      %add3A_1288 = arith.addi %add3A_1287, %iota3A : vector<16xi32>
      %gather3A_1289 = tpu.vector_load_idx %arg5[%add3A_1288, %broadcast_in_dim3A_1282] : memref<512x20xi32, #tpu.memory_space<vmem>>[vector<16xi32>, vector<16xi32>], vector<16xi32>,
      %swap3A_1290 = arith.constant 0 : index
      %swap3A_1291 = tpu.vector_load %arg10[%swap3A_1290] {strides = array<i32>} : memref<128xi32, #tpu.memory_space<vmem>>, vector<16xi32>,
      tpu.vector_store %arg10[%swap3A_1290], %gather3A_1289 {strides = array<i32>} : memref<128xi32, #tpu.memory_space<vmem>>, vector<16xi32>,
      %mul3A_1292 = arith.constant 128 : i32
      %mul3A_1293 = arith.muli %select_n3A_1278, %mul3A_1292 : i32
      %add3A_1294 = arith.constant 16 : i32
      %add3A_1295 = arith.addi %mul3A_1293, %add3A_1294 : i32
      %add3A_1296 = vector.broadcast %add3A_1295 : i32 to vector<16xi32>
      %add3A_1297 = arith.addi %add3A_1296, %iota3A : vector<16xi32>
      %gather3A_1298 = tpu.vector_load_idx %arg5[%add3A_1297, %broadcast_in_dim3A_1282] : memref<512x20xi32, #tpu.memory_space<vmem>>[vector<16xi32>, vector<16xi32>], vector<16xi32>,
      %swap3A_1299 = arith.constant 16 : index
      %swap3A_1300 = tpu.vector_load %arg10[%swap3A_1299] {strides = array<i32>} : memref<128xi32, #tpu.memory_space<vmem>>, vector<16xi32>,
      tpu.vector_store %arg10[%swap3A_1299], %gather3A_1298 {strides = array<i32>} : memref<128xi32, #tpu.memory_space<vmem>>, vector<16xi32>,
      %mul3A_1301 = arith.constant 128 : i32
      %mul3A_1302 = arith.muli %select_n3A_1278, %mul3A_1301 : i32
      %add3A_1303 = arith.constant 32 : i32
      %add3A_1304 = arith.addi %mul3A_1302, %add3A_1303 : i32
      %add3A_1305 = vector.broadcast %add3A_1304 : i32 to vector<16xi32>
      %add3A_1306 = arith.addi %add3A_1305, %iota3A : vector<16xi32>
      %gather3A_1307 = tpu.vector_load_idx %arg5[%add3A_1306, %broadcast_in_dim3A_1282] : memref<512x20xi32, #tpu.memory_space<vmem>>[vector<16xi32>, vector<16xi32>], vector<16xi32>,
      %swap3A_1308 = arith.constant 32 : index
      %swap3A_1309 = tpu.vector_load %arg10[%swap3A_1308] {strides = array<i32>} : memref<128xi32, #tpu.memory_space<vmem>>, vector<16xi32>,
      tpu.vector_store %arg10[%swap3A_1308], %gather3A_1307 {strides = array<i32>} : memref<128xi32, #tpu.memory_space<vmem>>, vector<16xi32>,
      %mul3A_1310 = arith.constant 128 : i32
      %mul3A_1311 = arith.muli %select_n3A_1278, %mul3A_1310 : i32
      %add3A_1312 = arith.constant 48 : i32
      %add3A_1313 = arith.addi %mul3A_1311, %add3A_1312 : i32
      %add3A_1314 = vector.broadcast %add3A_1313 : i32 to vector<16xi32>
      %add3A_1315 = arith.addi %add3A_1314, %iota3A : vector<16xi32>
      %gather3A_1316 = tpu.vector_load_idx %arg5[%add3A_1315, %broadcast_in_dim3A_1282] : memref<512x20xi32, #tpu.memory_space<vmem>>[vector<16xi32>, vector<16xi32>], vector<16xi32>,
      %swap3A_1317 = arith.constant 48 : index
      %swap3A_1318 = tpu.vector_load %arg10[%swap3A_1317] {strides = array<i32>} : memref<128xi32, #tpu.memory_space<vmem>>, vector<16xi32>,
      tpu.vector_store %arg10[%swap3A_1317], %gather3A_1316 {strides = array<i32>} : memref<128xi32, #tpu.memory_space<vmem>>, vector<16xi32>,
      %mul3A_1319 = arith.constant 128 : i32
      %mul3A_1320 = arith.muli %select_n3A_1278, %mul3A_1319 : i32
      %add3A_1321 = arith.constant 64 : i32
      %add3A_1322 = arith.addi %mul3A_1320, %add3A_1321 : i32
      %add3A_1323 = vector.broadcast %add3A_1322 : i32 to vector<16xi32>
      %add3A_1324 = arith.addi %add3A_1323, %iota3A : vector<16xi32>
      %gather3A_1325 = tpu.vector_load_idx %arg5[%add3A_1324, %broadcast_in_dim3A_1282] : memref<512x20xi32, #tpu.memory_space<vmem>>[vector<16xi32>, vector<16xi32>], vector<16xi32>,
      %swap3A_1326 = arith.constant 64 : index
      %swap3A_1327 = tpu.vector_load %arg10[%swap3A_1326] {strides = array<i32>} : memref<128xi32, #tpu.memory_space<vmem>>, vector<16xi32>,
      tpu.vector_store %arg10[%swap3A_1326], %gather3A_1325 {strides = array<i32>} : memref<128xi32, #tpu.memory_space<vmem>>, vector<16xi32>,
      %mul3A_1328 = arith.constant 128 : i32
      %mul3A_1329 = arith.muli %select_n3A_1278, %mul3A_1328 : i32
      %add3A_1330 = arith.constant 80 : i32
      %add3A_1331 = arith.addi %mul3A_1329, %add3A_1330 : i32
      %add3A_1332 = vector.broadcast %add3A_1331 : i32 to vector<16xi32>
      %add3A_1333 = arith.addi %add3A_1332, %iota3A : vector<16xi32>
      %gather3A_1334 = tpu.vector_load_idx %arg5[%add3A_1333, %broadcast_in_dim3A_1282] : memref<512x20xi32, #tpu.memory_space<vmem>>[vector<16xi32>, vector<16xi32>], vector<16xi32>,
      %swap3A_1335 = arith.constant 80 : index
      %swap3A_1336 = tpu.vector_load %arg10[%swap3A_1335] {strides = array<i32>} : memref<128xi32, #tpu.memory_space<vmem>>, vector<16xi32>,
      tpu.vector_store %arg10[%swap3A_1335], %gather3A_1334 {strides = array<i32>} : memref<128xi32, #tpu.memory_space<vmem>>, vector<16xi32>,
      %mul3A_1337 = arith.constant 128 : i32
      %mul3A_1338 = arith.muli %select_n3A_1278, %mul3A_1337 : i32
      %add3A_1339 = arith.constant 96 : i32
      %add3A_1340 = arith.addi %mul3A_1338, %add3A_1339 : i32
      %add3A_1341 = vector.broadcast %add3A_1340 : i32 to vector<16xi32>
      %add3A_1342 = arith.addi %add3A_1341, %iota3A : vector<16xi32>
      %gather3A_1343 = tpu.vector_load_idx %arg5[%add3A_1342, %broadcast_in_dim3A_1282] : memref<512x20xi32, #tpu.memory_space<vmem>>[vector<16xi32>, vector<16xi32>], vector<16xi32>,
      %swap3A_1344 = arith.constant 96 : index
      %swap3A_1345 = tpu.vector_load %arg10[%swap3A_1344] {strides = array<i32>} : memref<128xi32, #tpu.memory_space<vmem>>, vector<16xi32>,
      tpu.vector_store %arg10[%swap3A_1344], %gather3A_1343 {strides = array<i32>} : memref<128xi32, #tpu.memory_space<vmem>>, vector<16xi32>,
      %mul3A_1346 = arith.constant 128 : i32
      %mul3A_1347 = arith.muli %select_n3A_1278, %mul3A_1346 : i32
      %add3A_1348 = arith.constant 112 : i32
      %add3A_1349 = arith.addi %mul3A_1347, %add3A_1348 : i32
      %add3A_1350 = vector.broadcast %add3A_1349 : i32 to vector<16xi32>
      %add3A_1351 = arith.addi %add3A_1350, %iota3A : vector<16xi32>
      %gather3A_1352 = tpu.vector_load_idx %arg5[%add3A_1351, %broadcast_in_dim3A_1282] : memref<512x20xi32, #tpu.memory_space<vmem>>[vector<16xi32>, vector<16xi32>], vector<16xi32>,
      %swap3A_1353 = arith.constant 112 : index
      %swap3A_1354 = tpu.vector_load %arg10[%swap3A_1353] {strides = array<i32>} : memref<128xi32, #tpu.memory_space<vmem>>, vector<16xi32>,
      tpu.vector_store %arg10[%swap3A_1353], %gather3A_1352 {strides = array<i32>} : memref<128xi32, #tpu.memory_space<vmem>>, vector<16xi32>,
      %dma_start3A_1355 = arith.constant 0 : i32
      %dma_start3A_1356 = arith.constant 0 : i32
      %dma_start3A_1357 = tpu.memref_slice %arg3[%dma_start3A_1355, %dma_start3A_1356] : memref<1000000x128xf32, #tpu.memory_space<hbm>> -> memref<1000000x128xf32, #tpu.memory_space<hbm>>
      tpu.enqueue_indirect_dma source(%dma_start3A_1357 : memref<1000000x128xf32, #tpu.memory_space<hbm>>) target(%arg16 : memref<128x128xf32, #tpu.memory_space<vmem>>) offsets(%arg10 : memref<128xi32, #tpu.memory_space<vmem>>) semaphore(%arg22 : memref<!tpu.dma_semaphore, #tpu.memory_space<semaphore_mem>>)
      %mul3A_1358 = arith.constant 6 : i32
      %mul3A_1359 = arith.muli %scan3A_435, %mul3A_1358 : i32
      %add3A_1360 = arith.constant 5 : i32
      %add3A_1361 = arith.addi %mul3A_1359, %add3A_1360 : i32
      %dma_wait3A_1362 = arith.constant 0 : i32
      %dma_wait3A_1363 = arith.constant 0 : i32
      %dma_wait3A_1364 = tpu.memref_slice %arg3[%dma_wait3A_1362, %dma_wait3A_1363] : memref<1000000x128xf32, #tpu.memory_space<hbm>> -> memref<1000000x128xf32, #tpu.memory_space<hbm>>
      tpu.wait_indirect_dma semaphore(%arg23 : memref<!tpu.dma_semaphore, #tpu.memory_space<semaphore_mem>>) src(%dma_wait3A_1364 : memref<1000000x128xf32, #tpu.memory_space<hbm>>) dst(%arg17 : memref<128x128xf32, #tpu.memory_space<vmem>>)
      %jit3A_1365 = arith.constant 20 : i32
      %div3A_1366 = arith.divsi %add3A_1361, %jit3A_1365 : i32
      %sign3A_1367 = arith.constant 0 : i32
      %sign3A_1368 = arith.cmpi sgt, %add3A_1361, %sign3A_1367 : i32
      %sign3A_1369 = arith.extui %sign3A_1368 : i1 to i32
      %sign3A_1370 = arith.constant 0 : i32
      %sign3A_1371 = arith.cmpi slt, %add3A_1361, %sign3A_1370 : i32
      %sign3A_1372 = arith.extui %sign3A_1371 : i1 to i32
      %sign3A_1373 = arith.subi %sign3A_1369, %sign3A_1372 : i32
      %sign3A_1374 = arith.constant 0 : i32
      %sign3A_1375 = arith.cmpi sgt, %jit3A_1365, %sign3A_1374 : i32
      %sign3A_1376 = arith.extui %sign3A_1375 : i1 to i32
      %sign3A_1377 = arith.constant 0 : i32
      %sign3A_1378 = arith.cmpi slt, %jit3A_1365, %sign3A_1377 : i32
      %sign3A_1379 = arith.extui %sign3A_1378 : i1 to i32
      %sign3A_1380 = arith.subi %sign3A_1376, %sign3A_1379 : i32
      %ne3A_1381 = arith.cmpi ne, %sign3A_1373, %sign3A_1380 : i32
      %rem3A_1382 = arith.remsi %add3A_1361, %jit3A_1365 : i32
      %ne3A_1383 = arith.constant 0 : i32
      %ne3A_1384 = arith.cmpi ne, %rem3A_1382, %ne3A_1383 : i32
      %and3A_1385 = arith.andi %ne3A_1381, %ne3A_1384 : i1
      %sub3A_1386 = arith.constant 1 : i32
      %sub3A_1387 = arith.subi %div3A_1366, %sub3A_1386 : i32
      %select_n3A_1388 = arith.select %and3A_1385, %sub3A_1387, %div3A_1366 : i32
      %mul3A_1389 = arith.constant 20 : i32
      %mul3A_1390 = arith.muli %select_n3A_1388, %mul3A_1389 : i32
      %sub3A_1391 = arith.subi %add3A_1361, %mul3A_1390 : i32
      %mul3A_1392 = arith.constant 16384 : i32
      %mul3A_1393 = arith.muli %sub3A_1391, %mul3A_1392 : i32
      %add3A_1394 = arith.addi %mul3A_1393, %mul3A_2 : i32
      %mul3A_1395 = arith.constant 128 : i32
      %mul3A_1396 = arith.muli %select_n3A_1388, %mul3A_1395 : i32
      %add3A_1397 = arith.addi %add3A_1394, %mul3A_1396 : i32
      %dma_start3A_1398 = arith.constant 0 : i32
      %dma_start3A_1399 = tpu.memref_slice %arg4[%add3A_1397, %dma_start3A_1398] : memref<327680x128xf32, #tpu.memory_space<hbm>> -> memref<128x128xf32, #tpu.memory_space<hbm>>
      %dma_start3A_1400 = arith.constant 0 : i32
      %dma_start3A_1401 = tpu.memref_slice %arg4[%add3A_1397, %dma_start3A_1400] : memref<327680x128xf32, #tpu.memory_space<hbm>> -> memref<128x128xf32, #tpu.memory_space<hbm>>
      tpu.enqueue_dma source(%arg17 : memref<128x128xf32, #tpu.memory_space<vmem>>) target(%dma_start3A_1401 : memref<128x128xf32, #tpu.memory_space<hbm>>) target_semaphore(%arg29 : memref<!tpu.dma_semaphore, #tpu.memory_space<semaphore_mem>>)
      %jit3A_1402 = arith.constant 20 : i32
      %div3A_1403 = arith.divsi %add3A_1361, %jit3A_1402 : i32
      %sign3A_1404 = arith.constant 0 : i32
      %sign3A_1405 = arith.cmpi sgt, %add3A_1361, %sign3A_1404 : i32
      %sign3A_1406 = arith.extui %sign3A_1405 : i1 to i32
      %sign3A_1407 = arith.constant 0 : i32
      %sign3A_1408 = arith.cmpi slt, %add3A_1361, %sign3A_1407 : i32
      %sign3A_1409 = arith.extui %sign3A_1408 : i1 to i32
      %sign3A_1410 = arith.subi %sign3A_1406, %sign3A_1409 : i32
      %sign3A_1411 = arith.constant 0 : i32
      %sign3A_1412 = arith.cmpi sgt, %jit3A_1402, %sign3A_1411 : i32
      %sign3A_1413 = arith.extui %sign3A_1412 : i1 to i32
      %sign3A_1414 = arith.constant 0 : i32
      %sign3A_1415 = arith.cmpi slt, %jit3A_1402, %sign3A_1414 : i32
      %sign3A_1416 = arith.extui %sign3A_1415 : i1 to i32
      %sign3A_1417 = arith.subi %sign3A_1413, %sign3A_1416 : i32
      %ne3A_1418 = arith.cmpi ne, %sign3A_1410, %sign3A_1417 : i32
      %rem3A_1419 = arith.remsi %add3A_1361, %jit3A_1402 : i32
      %ne3A_1420 = arith.constant 0 : i32
      %ne3A_1421 = arith.cmpi ne, %rem3A_1419, %ne3A_1420 : i32
      %and3A_1422 = arith.andi %ne3A_1418, %ne3A_1421 : i1
      %sub3A_1423 = arith.constant 1 : i32
      %sub3A_1424 = arith.subi %div3A_1403, %sub3A_1423 : i32
      %select_n3A_1425 = arith.select %and3A_1422, %sub3A_1424, %div3A_1403 : i32
      %mul3A_1426 = arith.constant 20 : i32
      %mul3A_1427 = arith.muli %select_n3A_1425, %mul3A_1426 : i32
      %sub3A_1428 = arith.subi %add3A_1361, %mul3A_1427 : i32
      %mul3A_1429 = arith.constant 16384 : i32
      %mul3A_1430 = arith.muli %sub3A_1428, %mul3A_1429 : i32
      %add3A_1431 = arith.addi %mul3A_1430, %mul3A_2 : i32
      %mul3A_1432 = arith.constant 128 : i32
      %mul3A_1433 = arith.muli %select_n3A_1425, %mul3A_1432 : i32
      %add3A_1434 = arith.addi %add3A_1431, %mul3A_1433 : i32
      %dma_wait3A_1435 = arith.constant 0 : i32
      %dma_wait3A_1436 = tpu.memref_slice %arg4[%add3A_1434, %dma_wait3A_1435] : memref<327680x128xf32, #tpu.memory_space<hbm>> -> memref<128x128xf32, #tpu.memory_space<hbm>>
      %dma_wait3A_1437 = arith.constant 0 : i32
      %dma_wait3A_1438 = tpu.memref_slice %arg4[%add3A_1434, %dma_wait3A_1437] : memref<327680x128xf32, #tpu.memory_space<hbm>> -> memref<128x128xf32, #tpu.memory_space<hbm>>
      tpu.wait_dma2 semaphore(%arg29 : memref<!tpu.dma_semaphore, #tpu.memory_space<semaphore_mem>>) src(%arg17 : memref<128x128xf32, #tpu.memory_space<vmem>>) dst(%dma_wait3A_1438 : memref<128x128xf32, #tpu.memory_space<hbm>>)
      %add3A_1439 = arith.constant 6 : i32
      %add3A_1440 = arith.addi %add3A_1361, %add3A_1439 : i32
      %jit3A_1441 = arith.constant 20 : i32
      %div3A_1442 = arith.divsi %add3A_1440, %jit3A_1441 : i32
      %sign3A_1443 = arith.constant 0 : i32
      %sign3A_1444 = arith.cmpi sgt, %add3A_1440, %sign3A_1443 : i32
      %sign3A_1445 = arith.extui %sign3A_1444 : i1 to i32
      %sign3A_1446 = arith.constant 0 : i32
      %sign3A_1447 = arith.cmpi slt, %add3A_1440, %sign3A_1446 : i32
      %sign3A_1448 = arith.extui %sign3A_1447 : i1 to i32
      %sign3A_1449 = arith.subi %sign3A_1445, %sign3A_1448 : i32
      %sign3A_1450 = arith.constant 0 : i32
      %sign3A_1451 = arith.cmpi sgt, %jit3A_1441, %sign3A_1450 : i32
      %sign3A_1452 = arith.extui %sign3A_1451 : i1 to i32
      %sign3A_1453 = arith.constant 0 : i32
      %sign3A_1454 = arith.cmpi slt, %jit3A_1441, %sign3A_1453 : i32
      %sign3A_1455 = arith.extui %sign3A_1454 : i1 to i32
      %sign3A_1456 = arith.subi %sign3A_1452, %sign3A_1455 : i32
      %ne3A_1457 = arith.cmpi ne, %sign3A_1449, %sign3A_1456 : i32
      %rem3A_1458 = arith.remsi %add3A_1440, %jit3A_1441 : i32
      %ne3A_1459 = arith.constant 0 : i32
      %ne3A_1460 = arith.cmpi ne, %rem3A_1458, %ne3A_1459 : i32
      %and3A_1461 = arith.andi %ne3A_1457, %ne3A_1460 : i1
      %sub3A_1462 = arith.constant 1 : i32
      %sub3A_1463 = arith.subi %div3A_1442, %sub3A_1462 : i32
      %select_n3A_1464 = arith.select %and3A_1461, %sub3A_1463, %div3A_1442 : i32
      %mul3A_1465 = arith.constant 20 : i32
      %mul3A_1466 = arith.muli %select_n3A_1464, %mul3A_1465 : i32
      %sub3A_1467 = arith.subi %add3A_1440, %mul3A_1466 : i32
      %broadcast_in_dim3A_1468 = vector.broadcast %sub3A_1467 : i32 to vector<16xi32>
      %mul3A_1469 = arith.constant 128 : i32
      %mul3A_1470 = arith.muli %select_n3A_1464, %mul3A_1469 : i32
      %add3A_1471 = arith.constant 0 : i32
      %add3A_1472 = arith.addi %mul3A_1470, %add3A_1471 : i32
      %add3A_1473 = vector.broadcast %add3A_1472 : i32 to vector<16xi32>
      %add3A_1474 = arith.addi %add3A_1473, %iota3A : vector<16xi32>
      %gather3A_1475 = tpu.vector_load_idx %arg5[%add3A_1474, %broadcast_in_dim3A_1468] : memref<512x20xi32, #tpu.memory_space<vmem>>[vector<16xi32>, vector<16xi32>], vector<16xi32>,
      %swap3A_1476 = arith.constant 0 : index
      %swap3A_1477 = tpu.vector_load %arg11[%swap3A_1476] {strides = array<i32>} : memref<128xi32, #tpu.memory_space<vmem>>, vector<16xi32>,
      tpu.vector_store %arg11[%swap3A_1476], %gather3A_1475 {strides = array<i32>} : memref<128xi32, #tpu.memory_space<vmem>>, vector<16xi32>,
      %mul3A_1478 = arith.constant 128 : i32
      %mul3A_1479 = arith.muli %select_n3A_1464, %mul3A_1478 : i32
      %add3A_1480 = arith.constant 16 : i32
      %add3A_1481 = arith.addi %mul3A_1479, %add3A_1480 : i32
      %add3A_1482 = vector.broadcast %add3A_1481 : i32 to vector<16xi32>
      %add3A_1483 = arith.addi %add3A_1482, %iota3A : vector<16xi32>
      %gather3A_1484 = tpu.vector_load_idx %arg5[%add3A_1483, %broadcast_in_dim3A_1468] : memref<512x20xi32, #tpu.memory_space<vmem>>[vector<16xi32>, vector<16xi32>], vector<16xi32>,
      %swap3A_1485 = arith.constant 16 : index
      %swap3A_1486 = tpu.vector_load %arg11[%swap3A_1485] {strides = array<i32>} : memref<128xi32, #tpu.memory_space<vmem>>, vector<16xi32>,
      tpu.vector_store %arg11[%swap3A_1485], %gather3A_1484 {strides = array<i32>} : memref<128xi32, #tpu.memory_space<vmem>>, vector<16xi32>,
      %mul3A_1487 = arith.constant 128 : i32
      %mul3A_1488 = arith.muli %select_n3A_1464, %mul3A_1487 : i32
      %add3A_1489 = arith.constant 32 : i32
      %add3A_1490 = arith.addi %mul3A_1488, %add3A_1489 : i32
      %add3A_1491 = vector.broadcast %add3A_1490 : i32 to vector<16xi32>
      %add3A_1492 = arith.addi %add3A_1491, %iota3A : vector<16xi32>
      %gather3A_1493 = tpu.vector_load_idx %arg5[%add3A_1492, %broadcast_in_dim3A_1468] : memref<512x20xi32, #tpu.memory_space<vmem>>[vector<16xi32>, vector<16xi32>], vector<16xi32>,
      %swap3A_1494 = arith.constant 32 : index
      %swap3A_1495 = tpu.vector_load %arg11[%swap3A_1494] {strides = array<i32>} : memref<128xi32, #tpu.memory_space<vmem>>, vector<16xi32>,
      tpu.vector_store %arg11[%swap3A_1494], %gather3A_1493 {strides = array<i32>} : memref<128xi32, #tpu.memory_space<vmem>>, vector<16xi32>,
      %mul3A_1496 = arith.constant 128 : i32
      %mul3A_1497 = arith.muli %select_n3A_1464, %mul3A_1496 : i32
      %add3A_1498 = arith.constant 48 : i32
      %add3A_1499 = arith.addi %mul3A_1497, %add3A_1498 : i32
      %add3A_1500 = vector.broadcast %add3A_1499 : i32 to vector<16xi32>
      %add3A_1501 = arith.addi %add3A_1500, %iota3A : vector<16xi32>
      %gather3A_1502 = tpu.vector_load_idx %arg5[%add3A_1501, %broadcast_in_dim3A_1468] : memref<512x20xi32, #tpu.memory_space<vmem>>[vector<16xi32>, vector<16xi32>], vector<16xi32>,
      %swap3A_1503 = arith.constant 48 : index
      %swap3A_1504 = tpu.vector_load %arg11[%swap3A_1503] {strides = array<i32>} : memref<128xi32, #tpu.memory_space<vmem>>, vector<16xi32>,
      tpu.vector_store %arg11[%swap3A_1503], %gather3A_1502 {strides = array<i32>} : memref<128xi32, #tpu.memory_space<vmem>>, vector<16xi32>,
      %mul3A_1505 = arith.constant 128 : i32
      %mul3A_1506 = arith.muli %select_n3A_1464, %mul3A_1505 : i32
      %add3A_1507 = arith.constant 64 : i32
      %add3A_1508 = arith.addi %mul3A_1506, %add3A_1507 : i32
      %add3A_1509 = vector.broadcast %add3A_1508 : i32 to vector<16xi32>
      %add3A_1510 = arith.addi %add3A_1509, %iota3A : vector<16xi32>
      %gather3A_1511 = tpu.vector_load_idx %arg5[%add3A_1510, %broadcast_in_dim3A_1468] : memref<512x20xi32, #tpu.memory_space<vmem>>[vector<16xi32>, vector<16xi32>], vector<16xi32>,
      %swap3A_1512 = arith.constant 64 : index
      %swap3A_1513 = tpu.vector_load %arg11[%swap3A_1512] {strides = array<i32>} : memref<128xi32, #tpu.memory_space<vmem>>, vector<16xi32>,
      tpu.vector_store %arg11[%swap3A_1512], %gather3A_1511 {strides = array<i32>} : memref<128xi32, #tpu.memory_space<vmem>>, vector<16xi32>,
      %mul3A_1514 = arith.constant 128 : i32
      %mul3A_1515 = arith.muli %select_n3A_1464, %mul3A_1514 : i32
      %add3A_1516 = arith.constant 80 : i32
      %add3A_1517 = arith.addi %mul3A_1515, %add3A_1516 : i32
      %add3A_1518 = vector.broadcast %add3A_1517 : i32 to vector<16xi32>
      %add3A_1519 = arith.addi %add3A_1518, %iota3A : vector<16xi32>
      %gather3A_1520 = tpu.vector_load_idx %arg5[%add3A_1519, %broadcast_in_dim3A_1468] : memref<512x20xi32, #tpu.memory_space<vmem>>[vector<16xi32>, vector<16xi32>], vector<16xi32>,
      %swap3A_1521 = arith.constant 80 : index
      %swap3A_1522 = tpu.vector_load %arg11[%swap3A_1521] {strides = array<i32>} : memref<128xi32, #tpu.memory_space<vmem>>, vector<16xi32>,
      tpu.vector_store %arg11[%swap3A_1521], %gather3A_1520 {strides = array<i32>} : memref<128xi32, #tpu.memory_space<vmem>>, vector<16xi32>,
      %mul3A_1523 = arith.constant 128 : i32
      %mul3A_1524 = arith.muli %select_n3A_1464, %mul3A_1523 : i32
      %add3A_1525 = arith.constant 96 : i32
      %add3A_1526 = arith.addi %mul3A_1524, %add3A_1525 : i32
      %add3A_1527 = vector.broadcast %add3A_1526 : i32 to vector<16xi32>
      %add3A_1528 = arith.addi %add3A_1527, %iota3A : vector<16xi32>
      %gather3A_1529 = tpu.vector_load_idx %arg5[%add3A_1528, %broadcast_in_dim3A_1468] : memref<512x20xi32, #tpu.memory_space<vmem>>[vector<16xi32>, vector<16xi32>], vector<16xi32>,
      %swap3A_1530 = arith.constant 96 : index
      %swap3A_1531 = tpu.vector_load %arg11[%swap3A_1530] {strides = array<i32>} : memref<128xi32, #tpu.memory_space<vmem>>, vector<16xi32>,
      tpu.vector_store %arg11[%swap3A_1530], %gather3A_1529 {strides = array<i32>} : memref<128xi32, #tpu.memory_space<vmem>>, vector<16xi32>,
      %mul3A_1532 = arith.constant 128 : i32
      %mul3A_1533 = arith.muli %select_n3A_1464, %mul3A_1532 : i32
      %add3A_1534 = arith.constant 112 : i32
      %add3A_1535 = arith.addi %mul3A_1533, %add3A_1534 : i32
      %add3A_1536 = vector.broadcast %add3A_1535 : i32 to vector<16xi32>
      %add3A_1537 = arith.addi %add3A_1536, %iota3A : vector<16xi32>
      %gather3A_1538 = tpu.vector_load_idx %arg5[%add3A_1537, %broadcast_in_dim3A_1468] : memref<512x20xi32, #tpu.memory_space<vmem>>[vector<16xi32>, vector<16xi32>], vector<16xi32>,
      %swap3A_1539 = arith.constant 112 : index
      %swap3A_1540 = tpu.vector_load %arg11[%swap3A_1539] {strides = array<i32>} : memref<128xi32, #tpu.memory_space<vmem>>, vector<16xi32>,
      tpu.vector_store %arg11[%swap3A_1539], %gather3A_1538 {strides = array<i32>} : memref<128xi32, #tpu.memory_space<vmem>>, vector<16xi32>,
      %dma_start3A_1541 = arith.constant 0 : i32
      %dma_start3A_1542 = arith.constant 0 : i32
      %dma_start3A_1543 = tpu.memref_slice %arg3[%dma_start3A_1541, %dma_start3A_1542] : memref<1000000x128xf32, #tpu.memory_space<hbm>> -> memref<1000000x128xf32, #tpu.memory_space<hbm>>
      tpu.enqueue_indirect_dma source(%dma_start3A_1543 : memref<1000000x128xf32, #tpu.memory_space<hbm>>) target(%arg17 : memref<128x128xf32, #tpu.memory_space<vmem>>) offsets(%arg11 : memref<128xi32, #tpu.memory_space<vmem>>) semaphore(%arg23 : memref<!tpu.dma_semaphore, #tpu.memory_space<semaphore_mem>>)
    }
    %scan3A_321 = arith.constant 12 : i32
    %dma_wait3A = arith.constant 0 : i32
    %dma_wait3A_322 = arith.constant 0 : i32
    %dma_wait3A_323 = tpu.memref_slice %arg3[%dma_wait3A, %dma_wait3A_322] : memref<1000000x128xf32, #tpu.memory_space<hbm>> -> memref<1000000x128xf32, #tpu.memory_space<hbm>>
    tpu.wait_indirect_dma semaphore(%arg18 : memref<!tpu.dma_semaphore, #tpu.memory_space<semaphore_mem>>) src(%dma_wait3A_323 : memref<1000000x128xf32, #tpu.memory_space<hbm>>) dst(%arg12 : memref<128x128xf32, #tpu.memory_space<vmem>>)
    %add3A_324 = arith.constant 229376 : i32
    %add3A_325 = arith.addi %add3A_324, %mul3A_2 : i32
    %add3A_326 = arith.constant 384 : i32
    %add3A_327 = arith.addi %add3A_325, %add3A_326 : i32
    %dma_start3A_328 = arith.constant 0 : i32
    %dma_start3A_329 = tpu.memref_slice %arg4[%add3A_327, %dma_start3A_328] : memref<327680x128xf32, #tpu.memory_space<hbm>> -> memref<128x128xf32, #tpu.memory_space<hbm>>
    %dma_start3A_330 = arith.constant 0 : i32
    %dma_start3A_331 = tpu.memref_slice %arg4[%add3A_327, %dma_start3A_330] : memref<327680x128xf32, #tpu.memory_space<hbm>> -> memref<128x128xf32, #tpu.memory_space<hbm>>
    tpu.enqueue_dma source(%arg12 : memref<128x128xf32, #tpu.memory_space<vmem>>) target(%dma_start3A_331 : memref<128x128xf32, #tpu.memory_space<hbm>>) target_semaphore(%arg24 : memref<!tpu.dma_semaphore, #tpu.memory_space<semaphore_mem>>)
    %add3A_332 = arith.constant 229376 : i32
    %add3A_333 = arith.addi %add3A_332, %mul3A_2 : i32
    %add3A_334 = arith.constant 384 : i32
    %add3A_335 = arith.addi %add3A_333, %add3A_334 : i32
    %dma_wait3A_336 = arith.constant 0 : i32
    %dma_wait3A_337 = tpu.memref_slice %arg4[%add3A_335, %dma_wait3A_336] : memref<327680x128xf32, #tpu.memory_space<hbm>> -> memref<128x128xf32, #tpu.memory_space<hbm>>
    %dma_wait3A_338 = arith.constant 0 : i32
    %dma_wait3A_339 = tpu.memref_slice %arg4[%add3A_335, %dma_wait3A_338] : memref<327680x128xf32, #tpu.memory_space<hbm>> -> memref<128x128xf32, #tpu.memory_space<hbm>>
    tpu.wait_dma2 semaphore(%arg24 : memref<!tpu.dma_semaphore, #tpu.memory_space<semaphore_mem>>) src(%arg12 : memref<128x128xf32, #tpu.memory_space<vmem>>) dst(%dma_wait3A_339 : memref<128x128xf32, #tpu.memory_space<hbm>>)
    %dma_wait3A_340 = arith.constant 0 : i32
    %dma_wait3A_341 = arith.constant 0 : i32
    %dma_wait3A_342 = tpu.memref_slice %arg3[%dma_wait3A_340, %dma_wait3A_341] : memref<1000000x128xf32, #tpu.memory_space<hbm>> -> memref<1000000x128xf32, #tpu.memory_space<hbm>>
    tpu.wait_indirect_dma semaphore(%arg19 : memref<!tpu.dma_semaphore, #tpu.memory_space<semaphore_mem>>) src(%dma_wait3A_342 : memref<1000000x128xf32, #tpu.memory_space<hbm>>) dst(%arg13 : memref<128x128xf32, #tpu.memory_space<vmem>>)
    %add3A_343 = arith.constant 245760 : i32
    %add3A_344 = arith.addi %add3A_343, %mul3A_2 : i32
    %add3A_345 = arith.constant 384 : i32
    %add3A_346 = arith.addi %add3A_344, %add3A_345 : i32
    %dma_start3A_347 = arith.constant 0 : i32
    %dma_start3A_348 = tpu.memref_slice %arg4[%add3A_346, %dma_start3A_347] : memref<327680x128xf32, #tpu.memory_space<hbm>> -> memref<128x128xf32, #tpu.memory_space<hbm>>
    %dma_start3A_349 = arith.constant 0 : i32
    %dma_start3A_350 = tpu.memref_slice %arg4[%add3A_346, %dma_start3A_349] : memref<327680x128xf32, #tpu.memory_space<hbm>> -> memref<128x128xf32, #tpu.memory_space<hbm>>
    tpu.enqueue_dma source(%arg13 : memref<128x128xf32, #tpu.memory_space<vmem>>) target(%dma_start3A_350 : memref<128x128xf32, #tpu.memory_space<hbm>>) target_semaphore(%arg25 : memref<!tpu.dma_semaphore, #tpu.memory_space<semaphore_mem>>)
    %add3A_351 = arith.constant 245760 : i32
    %add3A_352 = arith.addi %add3A_351, %mul3A_2 : i32
    %add3A_353 = arith.constant 384 : i32
    %add3A_354 = arith.addi %add3A_352, %add3A_353 : i32
    %dma_wait3A_355 = arith.constant 0 : i32
    %dma_wait3A_356 = tpu.memref_slice %arg4[%add3A_354, %dma_wait3A_355] : memref<327680x128xf32, #tpu.memory_space<hbm>> -> memref<128x128xf32, #tpu.memory_space<hbm>>
    %dma_wait3A_357 = arith.constant 0 : i32
    %dma_wait3A_358 = tpu.memref_slice %arg4[%add3A_354, %dma_wait3A_357] : memref<327680x128xf32, #tpu.memory_space<hbm>> -> memref<128x128xf32, #tpu.memory_space<hbm>>
    tpu.wait_dma2 semaphore(%arg25 : memref<!tpu.dma_semaphore, #tpu.memory_space<semaphore_mem>>) src(%arg13 : memref<128x128xf32, #tpu.memory_space<vmem>>) dst(%dma_wait3A_358 : memref<128x128xf32, #tpu.memory_space<hbm>>)
    %dma_wait3A_359 = arith.constant 0 : i32
    %dma_wait3A_360 = arith.constant 0 : i32
    %dma_wait3A_361 = tpu.memref_slice %arg3[%dma_wait3A_359, %dma_wait3A_360] : memref<1000000x128xf32, #tpu.memory_space<hbm>> -> memref<1000000x128xf32, #tpu.memory_space<hbm>>
    tpu.wait_indirect_dma semaphore(%arg20 : memref<!tpu.dma_semaphore, #tpu.memory_space<semaphore_mem>>) src(%dma_wait3A_361 : memref<1000000x128xf32, #tpu.memory_space<hbm>>) dst(%arg14 : memref<128x128xf32, #tpu.memory_space<vmem>>)
    %add3A_362 = arith.constant 262144 : i32
    %add3A_363 = arith.addi %add3A_362, %mul3A_2 : i32
    %add3A_364 = arith.constant 384 : i32
    %add3A_365 = arith.addi %add3A_363, %add3A_364 : i32
    %dma_start3A_366 = arith.constant 0 : i32
    %dma_start3A_367 = tpu.memref_slice %arg4[%add3A_365, %dma_start3A_366] : memref<327680x128xf32, #tpu.memory_space<hbm>> -> memref<128x128xf32, #tpu.memory_space<hbm>>
    %dma_start3A_368 = arith.constant 0 : i32
    %dma_start3A_369 = tpu.memref_slice %arg4[%add3A_365, %dma_start3A_368] : memref<327680x128xf32, #tpu.memory_space<hbm>> -> memref<128x128xf32, #tpu.memory_space<hbm>>
    tpu.enqueue_dma source(%arg14 : memref<128x128xf32, #tpu.memory_space<vmem>>) target(%dma_start3A_369 : memref<128x128xf32, #tpu.memory_space<hbm>>) target_semaphore(%arg26 : memref<!tpu.dma_semaphore, #tpu.memory_space<semaphore_mem>>)
    %add3A_370 = arith.constant 262144 : i32
    %add3A_371 = arith.addi %add3A_370, %mul3A_2 : i32
    %add3A_372 = arith.constant 384 : i32
    %add3A_373 = arith.addi %add3A_371, %add3A_372 : i32
    %dma_wait3A_374 = arith.constant 0 : i32
    %dma_wait3A_375 = tpu.memref_slice %arg4[%add3A_373, %dma_wait3A_374] : memref<327680x128xf32, #tpu.memory_space<hbm>> -> memref<128x128xf32, #tpu.memory_space<hbm>>
    %dma_wait3A_376 = arith.constant 0 : i32
    %dma_wait3A_377 = tpu.memref_slice %arg4[%add3A_373, %dma_wait3A_376] : memref<327680x128xf32, #tpu.memory_space<hbm>> -> memref<128x128xf32, #tpu.memory_space<hbm>>
    tpu.wait_dma2 semaphore(%arg26 : memref<!tpu.dma_semaphore, #tpu.memory_space<semaphore_mem>>) src(%arg14 : memref<128x128xf32, #tpu.memory_space<vmem>>) dst(%dma_wait3A_377 : memref<128x128xf32, #tpu.memory_space<hbm>>)
    %dma_wait3A_378 = arith.constant 0 : i32
    %dma_wait3A_379 = arith.constant 0 : i32
    %dma_wait3A_380 = tpu.memref_slice %arg3[%dma_wait3A_378, %dma_wait3A_379] : memref<1000000x128xf32, #tpu.memory_space<hbm>> -> memref<1000000x128xf32, #tpu.memory_space<hbm>>
    tpu.wait_indirect_dma semaphore(%arg21 : memref<!tpu.dma_semaphore, #tpu.memory_space<semaphore_mem>>) src(%dma_wait3A_380 : memref<1000000x128xf32, #tpu.memory_space<hbm>>) dst(%arg15 : memref<128x128xf32, #tpu.memory_space<vmem>>)
    %add3A_381 = arith.constant 278528 : i32
    %add3A_382 = arith.addi %add3A_381, %mul3A_2 : i32
    %add3A_383 = arith.constant 384 : i32
    %add3A_384 = arith.addi %add3A_382, %add3A_383 : i32
    %dma_start3A_385 = arith.constant 0 : i32
    %dma_start3A_386 = tpu.memref_slice %arg4[%add3A_384, %dma_start3A_385] : memref<327680x128xf32, #tpu.memory_space<hbm>> -> memref<128x128xf32, #tpu.memory_space<hbm>>
    %dma_start3A_387 = arith.constant 0 : i32
    %dma_start3A_388 = tpu.memref_slice %arg4[%add3A_384, %dma_start3A_387] : memref<327680x128xf32, #tpu.memory_space<hbm>> -> memref<128x128xf32, #tpu.memory_space<hbm>>
    tpu.enqueue_dma source(%arg15 : memref<128x128xf32, #tpu.memory_space<vmem>>) target(%dma_start3A_388 : memref<128x128xf32, #tpu.memory_space<hbm>>) target_semaphore(%arg27 : memref<!tpu.dma_semaphore, #tpu.memory_space<semaphore_mem>>)
    %add3A_389 = arith.constant 278528 : i32
    %add3A_390 = arith.addi %add3A_389, %mul3A_2 : i32
    %add3A_391 = arith.constant 384 : i32
    %add3A_392 = arith.addi %add3A_390, %add3A_391 : i32
    %dma_wait3A_393 = arith.constant 0 : i32
    %dma_wait3A_394 = tpu.memref_slice %arg4[%add3A_392, %dma_wait3A_393] : memref<327680x128xf32, #tpu.memory_space<hbm>> -> memref<128x128xf32, #tpu.memory_space<hbm>>
    %dma_wait3A_395 = arith.constant 0 : i32
    %dma_wait3A_396 = tpu.memref_slice %arg4[%add3A_392, %dma_wait3A_395] : memref<327680x128xf32, #tpu.memory_space<hbm>> -> memref<128x128xf32, #tpu.memory_space<hbm>>
    tpu.wait_dma2 semaphore(%arg27 : memref<!tpu.dma_semaphore, #tpu.memory_space<semaphore_mem>>) src(%arg15 : memref<128x128xf32, #tpu.memory_space<vmem>>) dst(%dma_wait3A_396 : memref<128x128xf32, #tpu.memory_space<hbm>>)
    %dma_wait3A_397 = arith.constant 0 : i32
    %dma_wait3A_398 = arith.constant 0 : i32
    %dma_wait3A_399 = tpu.memref_slice %arg3[%dma_wait3A_397, %dma_wait3A_398] : memref<1000000x128xf32, #tpu.memory_space<hbm>> -> memref<1000000x128xf32, #tpu.memory_space<hbm>>
    tpu.wait_indirect_dma semaphore(%arg22 : memref<!tpu.dma_semaphore, #tpu.memory_space<semaphore_mem>>) src(%dma_wait3A_399 : memref<1000000x128xf32, #tpu.memory_space<hbm>>) dst(%arg16 : memref<128x128xf32, #tpu.memory_space<vmem>>)
    %add3A_400 = arith.constant 294912 : i32
    %add3A_401 = arith.addi %add3A_400, %mul3A_2 : i32
    %add3A_402 = arith.constant 384 : i32
    %add3A_403 = arith.addi %add3A_401, %add3A_402 : i32
    %dma_start3A_404 = arith.constant 0 : i32
    %dma_start3A_405 = tpu.memref_slice %arg4[%add3A_403, %dma_start3A_404] : memref<327680x128xf32, #tpu.memory_space<hbm>> -> memref<128x128xf32, #tpu.memory_space<hbm>>
    %dma_start3A_406 = arith.constant 0 : i32
    %dma_start3A_407 = tpu.memref_slice %arg4[%add3A_403, %dma_start3A_406] : memref<327680x128xf32, #tpu.memory_space<hbm>> -> memref<128x128xf32, #tpu.memory_space<hbm>>
    tpu.enqueue_dma source(%arg16 : memref<128x128xf32, #tpu.memory_space<vmem>>) target(%dma_start3A_407 : memref<128x128xf32, #tpu.memory_space<hbm>>) target_semaphore(%arg28 : memref<!tpu.dma_semaphore, #tpu.memory_space<semaphore_mem>>)
    %add3A_408 = arith.constant 294912 : i32
    %add3A_409 = arith.addi %add3A_408, %mul3A_2 : i32
    %add3A_410 = arith.constant 384 : i32
    %add3A_411 = arith.addi %add3A_409, %add3A_410 : i32
    %dma_wait3A_412 = arith.constant 0 : i32
    %dma_wait3A_413 = tpu.memref_slice %arg4[%add3A_411, %dma_wait3A_412] : memref<327680x128xf32, #tpu.memory_space<hbm>> -> memref<128x128xf32, #tpu.memory_space<hbm>>
    %dma_wait3A_414 = arith.constant 0 : i32
    %dma_wait3A_415 = tpu.memref_slice %arg4[%add3A_411, %dma_wait3A_414] : memref<327680x128xf32, #tpu.memory_space<hbm>> -> memref<128x128xf32, #tpu.memory_space<hbm>>
    tpu.wait_dma2 semaphore(%arg28 : memref<!tpu.dma_semaphore, #tpu.memory_space<semaphore_mem>>) src(%arg16 : memref<128x128xf32, #tpu.memory_space<vmem>>) dst(%dma_wait3A_415 : memref<128x128xf32, #tpu.memory_space<hbm>>)
    %dma_wait3A_416 = arith.constant 0 : i32
    %dma_wait3A_417 = arith.constant 0 : i32
    %dma_wait3A_418 = tpu.memref_slice %arg3[%dma_wait3A_416, %dma_wait3A_417] : memref<1000000x128xf32, #tpu.memory_space<hbm>> -> memref<1000000x128xf32, #tpu.memory_space<hbm>>
    tpu.wait_indirect_dma semaphore(%arg23 : memref<!tpu.dma_semaphore, #tpu.memory_space<semaphore_mem>>) src(%dma_wait3A_418 : memref<1000000x128xf32, #tpu.memory_space<hbm>>) dst(%arg17 : memref<128x128xf32, #tpu.memory_space<vmem>>)
    %add3A_419 = arith.constant 311296 : i32
    %add3A_420 = arith.addi %add3A_419, %mul3A_2 : i32
    %add3A_421 = arith.constant 384 : i32
    %add3A_422 = arith.addi %add3A_420, %add3A_421 : i32
    %dma_start3A_423 = arith.constant 0 : i32
    %dma_start3A_424 = tpu.memref_slice %arg4[%add3A_422, %dma_start3A_423] : memref<327680x128xf32, #tpu.memory_space<hbm>> -> memref<128x128xf32, #tpu.memory_space<hbm>>
    %dma_start3A_425 = arith.constant 0 : i32
    %dma_start3A_426 = tpu.memref_slice %arg4[%add3A_422, %dma_start3A_425] : memref<327680x128xf32, #tpu.memory_space<hbm>> -> memref<128x128xf32, #tpu.memory_space<hbm>>
    tpu.enqueue_dma source(%arg17 : memref<128x128xf32, #tpu.memory_space<vmem>>) target(%dma_start3A_426 : memref<128x128xf32, #tpu.memory_space<hbm>>) target_semaphore(%arg29 : memref<!tpu.dma_semaphore, #tpu.memory_space<semaphore_mem>>)
    %add3A_427 = arith.constant 311296 : i32
    %add3A_428 = arith.addi %add3A_427, %mul3A_2 : i32
    %add3A_429 = arith.constant 384 : i32
    %add3A_430 = arith.addi %add3A_428, %add3A_429 : i32
    %dma_wait3A_431 = arith.constant 0 : i32
    %dma_wait3A_432 = tpu.memref_slice %arg4[%add3A_430, %dma_wait3A_431] : memref<327680x128xf32, #tpu.memory_space<hbm>> -> memref<128x128xf32, #tpu.memory_space<hbm>>
    %dma_wait3A_433 = arith.constant 0 : i32
    %dma_wait3A_434 = tpu.memref_slice %arg4[%add3A_430, %dma_wait3A_433] : memref<327680x128xf32, #tpu.memory_space<hbm>> -> memref<128x128xf32, #tpu.memory_space<hbm>>
    tpu.wait_dma2 semaphore(%arg29 : memref<!tpu.dma_semaphore, #tpu.memory_space<semaphore_mem>>) src(%arg17 : memref<128x128xf32, #tpu.memory_space<vmem>>) dst(%dma_wait3A_434 : memref<128x128xf32, #tpu.memory_space<hbm>>)
    return
  }
}

</mosaic_0001>

<sc_bundles>
// kernel: kernel.3.cloned.1.call-start
scs
__scs_entry_jumppad:
0x0: {  	(pc) =	sbr.rel $0x88, $3  }
0x1: {  	(tag) =	ssettag $0x0;
	lr =	simm.s32 $0x1  }
0x2: {  	[smem:$0x3F9F] =	sst lr;
	_ =	strace $0xD0000000  }
0x3: {  	_ = 	snop  }
0x4: {  	_ = 	snop  }
0x5: {  	_ = 	snop  }
0x6: {  	_ = 	snop  }
0x7: {  	_ = 	snop  }
__scs_overlays_trampoline_lowered:
0x8: {  	[smem:$0x3FAE] =	sst s0  }
0x9: {  	[smem:$0x3FAF] =	sst s1  }
0xa: {  	[smem:$0x3FB0] =	sst s2  }
0xb: {  	[smem:$0x3FB1] =	sst s3  }
0xc: {  	[smem:$0x3FB2] =	sst s4  }
0xd: {  	[smem:$0x3FB3] =	sst s5  }
0xe: {  	[smem:$0x3FB4] =	sst s6  }
0xf: {  	[smem:$0x3FB5] =	sst s7  }
0x10: {  	[smem:$0x3FB6] =	sst s8  }
0x11: {  	[smem:$0x3FB7] =	sst s9;
	s0 =	simm.s32 @!p0 $0x0  }
0x12: {  	s1 =	sld [smem:$0x3F9D];
	s0 =	simm.s32 @p0 $0x1  }
0x13: {  	[smem:$0x3FB8] =	sst s0;
	s0 =	simm.s32 @!p1 $0x0  }
0x14: {  	s2 =	sld [smem:$0x3F9C];
	s0 =	simm.s32 @p1 $0x1  }
0x15: {  	[smem:$0x3FB9] =	sst s0;
	s0 =	simm.s32 @!p2 $0x0  }
0x16: {  	s3 =	sld [smem:$0x3FDB];
	s0 =	simm.s32 @p2 $0x1  }
0x17: {  	s4 =	simm.s32 $0x1BF5;
	[smem:$0x3FBB] =	sst s0  }
0x18: {  	s0 =	sld [smem:$0x3F9E];
	_ =	swait.ge [sflag:s4], $0x0  }
0x19: {  	s7 =	sld [smem:$0x3F9F]  }
0x1a: {  	s8 =	sadd.s32 $0xFFFFE003, lr  }
0x1b: {  	s9 =	sadd.s32 $0xFFFFFEF7, lr;
	s5 =	simm.s32 $0xFFFFFFFF;
	p2 =	slt.u32 s8, $0xFFFFF086  }
0x1c: {  	p1 =	slt.u32 s9, $0xF7A;
	s5 =	simm.s32 @!p2 $0x0  }
0x1d: {  	s5 =	simm.s32 @p1 $0x1;
	p0 =	seq.s32 s7, s2  }
0x1e: {  	s7 =	smul.u32 @!p0 $0xF7A, s2;
	p2 =	seq.s32 @!p0 s5, $0x0  }
0x1f: {  	s9 =	smul.u32 $0xF7A, s1;
	s8 =	simm.s32 @!p0 $0x1BF5;
	p2 =	por !p2, p0  }
0x20: {  	[sflag:s8] =	ssyncset.s32 @!p0 $0xFFFFF086;
	s6 =	sadd.s32 @!p0 s3, s7;
	s7 =	simm.s32 @!p0 $0x108  }
0x21: {  	s3 =	sadd.s32 s3, s9;
	s6 =	sadd.s32 @!p0 $0x88, s6;
	s7 =	simm.s32 @p2 $0x1082  }
0x22: {  	[simem:s7], [sflag:s8] =	dma.local @!p0 [hbm:s6], $0xF7A  }
0x23: {  	s9 =	sor.u32 $0xD0000000, s2;
	s6 =	simm.s32 $0x108;
	_ =	swait.ge @!p0 [sflag:s8], $0x0  }
0x24: {  	s3 =	sadd.s32 $0x88, s3;
	s6 =	simm.s32 @!p1 $0x1082;
	[sflag:s4] =	ssyncset.s32 $0xFFFFF086  }
0x25: {  	[simem:s6], [sflag:s4] =	dma.local [hbm:s3], $0xF7A  }
0x26: {  	[smem:$0x3F9F] =	sst s1;
	(tag) =	ssettag s2;
	_ =	strace s9  }
0x27: {  	s1 =	sld [smem:$0x3FAF]  }
0x28: {  	s2 =	sld [smem:$0x3FB0]  }
0x29: {  	s4 =	sld [smem:$0x3FB2]  }
0x2a: {  	p0 =	seq.s32 s5, $0x0;
	s5 =	sld [smem:$0x3FB3]  }
0x2b: {  	s6 =	sld [smem:$0x3FB4]  }
0x2c: {  	s7 =	sld [smem:$0x3FB5]  }
0x2d: {  	s3 =	simm.s32 $0x108;
	s8 =	sld [smem:$0x3FB6]  }
0x2e: {  	s3 =	simm.s32 @!p0 $0x1082;
	s9 =	sld [smem:$0x3FB7]  }
0x2f: {  	lr =	sadd.s32 s0, s3;
	s0 =	sld [smem:$0x3FAE]  }
0x30: {  	s3 =	sld [smem:$0x3FB1]  }
0x31: {  	[smem:$0x3FBA] =	sst s10  }
0x32: {  	s10 =	sld [smem:$0x3FB8];
	_ =	sdelay $0x3  }
0x33: {  	p0 =	seq.s32 s10, $0x1;
	s10 =	sld [smem:$0x3FBA];
	_ =	sdelay $0x3  }
0x34: {  	[smem:$0x3FBA] =	sst s10  }
0x35: {  	s10 =	sld [smem:$0x3FB9];
	_ =	sdelay $0x3  }
0x36: {  	p1 =	seq.s32 s10, $0x1;
	s10 =	sld [smem:$0x3FBA];
	_ =	sdelay $0x3  }
0x37: {  	[smem:$0x3FBA] =	sst s10  }
0x38: {  	s10 =	sld [smem:$0x3FBB]  }
0x39: {  	_ = 	snop;
	(pc) =	sbr.ind lr, $3  }
0x3a: {  	_ = 	snop  }
0x3b: {  	_ = 	snop  }
0x3c: {  	p2 =	seq.s32 s10, $0x1;
	s10 =	sld [smem:$0x3FBA]  }
0x3d: {  	_ =	shalt  }
0x3e: {  	_ =	shalt  }
0x3f: {  	_ =	shalt  }
0x40: {  	_ =	shalt  }
0x41: {  	_ =	shalt  }
0x42: {  	_ =	shalt  }
0x43: {  	_ =	shalt  }
0x44: {  	_ =	shalt  }
0x45: {  	_ =	shalt  }
0x46: {  	_ =	shalt  }
0x47: {  	_ =	shalt  }
0x48: {  	_ =	shalt  }
0x49: {  	_ =	shalt  }
0x4a: {  	_ =	shalt  }
0x4b: {  	_ =	shalt  }
0x4c: {  	_ =	shalt  }
0x4d: {  	_ =	shalt  }
0x4e: {  	_ =	shalt  }
0x4f: {  	_ =	shalt  }
0x50: {  	_ =	shalt  }
0x51: {  	_ =	shalt  }
0x52: {  	_ =	shalt  }
0x53: {  	_ =	shalt  }
0x54: {  	_ =	shalt  }
0x55: {  	_ =	shalt  }
0x56: {  	_ =	shalt  }
0x57: {  	_ =	shalt  }
0x58: {  	_ =	shalt  }
0x59: {  	_ =	shalt  }
0x5a: {  	_ =	shalt  }
0x5b: {  	_ =	shalt  }
0x5c: {  	_ =	shalt  }
0x5d: {  	_ =	shalt  }
0x5e: {  	_ =	shalt  }
0x5f: {  	_ =	shalt  }
0x60: {  	_ =	shalt  }
0x61: {  	_ =	shalt  }
0x62: {  	_ =	shalt  }
0x63: {  	_ =	shalt  }
0x64: {  	_ =	shalt  }
0x65: {  	_ =	shalt  }
0x66: {  	_ =	shalt  }
0x67: {  	_ =	shalt  }
0x68: {  	_ =	shalt  }
0x69: {  	_ =	shalt  }
0x6a: {  	_ =	shalt  }
0x6b: {  	_ =	shalt  }
0x6c: {  	_ =	shalt  }
0x6d: {  	_ =	shalt  }
0x6e: {  	_ =	shalt  }
0x6f: {  	_ =	shalt  }
0x70: {  	_ =	shalt  }
0x71: {  	_ =	shalt  }
0x72: {  	_ =	shalt  }
0x73: {  	_ =	shalt  }
0x74: {  	_ =	shalt  }
0x75: {  	_ =	shalt  }
0x76: {  	_ =	shalt  }
0x77: {  	_ =	shalt  }
0x78: {  	_ =	shalt  }
0x79: {  	_ =	shalt  }
0x7a: {  	_ =	shalt  }
0x7b: {  	_ =	shalt  }
0x7c: {  	_ =	shalt  }
0x7d: {  	_ =	shalt  }
0x7e: {  	_ =	shalt  }
0x7f: {  	_ =	shalt  }
0x80: {  	_ =	shalt  }
0x81: {  	_ =	shalt  }
0x82: {  	_ =	shalt  }
0x83: {  	_ =	shalt  }
0x84: {  	_ =	shalt  }
0x85: {  	_ =	shalt  }
0x86: {  	_ =	shalt  }
0x87: {  	_ =	shalt  }
.Lfunc_end0:
.L_simem_size_0:
called_computation.1_lowered:
.L_overlay_start_0:
0x88: {  	s2 =	sld [smem:$0x3FD9]  }
0x89: {  	s3 =	sld [smem:$0x3FFE];
	_ =	sdelay $0x1  }
0x8a: {  	s1 =	srdreg.scid  }
0x8b: {  	s0 =	sand.u32 $0x1, s1  }
0x8c: {  	s17 =	sshll.u32 s0, $0xA;
	s2 =	sadd.s32 s3, s2  }
0x8d: {  	s2 =	sadd.s32 s2, s17  }
0x8e: {  	[smem:$0x3FC6] =	sst s2  }
0x8f: {  	_ = 	snop  }
0x90: {  	s2 =	sld [smem:$0x3FD0];
	(tm) =	ssettm $0x1  }
0x91: {  	s18 =	sld [smem:$0x3FFB];
	_ =	sdelay $0x3  }
0x92: {  	_ =	strace s18  }
0x93: {  	s3 =	sld [smem:$0x3FFC];
	_ =	sdelay $0x3  }
0x94: {  	_ =	strace s3  }
0x95: {  	s3 =	sld [smem:$0x3FFD];
	_ =	sdelay $0x3  }
0x96: {  	_ =	strace s3  }
0x97: {  	_ =	strace $0x8FFFFFFF  }
0x98: {  	s19 =	sld [smem:$0x3FDB];
	_ =	sdelay $0x1  }
0x99: {  	s4 =	simm.s32 $_scs_section_size  }
0x9a: {  	s5 =	simm.s32 $_size__tile_overlayer_lowered;
	s6 =	simm.s32 $_tile_overlayer_lowered  }
0x9b: {  	s22 =	simm.s32 $0x1BFF;
	s21 =	sshll.u32 s6, $0x1;
	s3 =	sadd.s32 s4, s19  }
0x9c: {  	s7 =	simm.s32 $0x0;
	s20 =	sshll.u32 s5, $0x1;
	s5 =	sadd.s32 s21, s3  }
0x9d: {  	[timem:s7], [sflag:s22] =	dma.local [hbm:s5], s20  }
0x9e: {  	_ =	swait.ge [sflag:s22], s20  }
0x9f: {  	s4 =	ssub.s32 $0x0, s20;
	[sflag:s22] =	ssyncset.done $0x0  }
0xa0: {  	[sflag:s22] =	ssyncadd.s32 s4;
	_ =	sdelay $0x1  }
0xa1: {  	s23 =	simm.s32 $0x1B8B  }
0xa2: {  	_ =	swait.ge [sflag:s23], $0x1  }
0xa3: {  	[sflag:s23] =	ssyncset.done $0x0  }
0xa4: {  	s25 =	simm.s32 $0x1B8E;
	s24 =	sld [smem:$0x3FFE];
	[sflag:s23] =	ssyncadd.s32 $0xFFFFFFFF  }
0xa5: {  	s26 =	simm.s32 $execute0_lowered;
	[smem:$0x3FD2] =	sst s25  }
0xa6: {  	s5 =	sshll.u32 s26, $0x1;
	_ =	strace $0x80000046;
	[dreg:$0x1] =	wrdreg $0xFFFFFFFF  }
0xa7: {  	s28 =	simm.s32 $_size_execute0_lowered;
	s3 =	sadd.s32 s3, s5;
	[dreg:$0x0] =	wrdreg $0x0  }
0xa8: {  	s5 =	sshll.u32 s28, $0x1;
	[dreg:$0x2] =	wrdreg s3  }
0xa9: {  	[dreg:$0x3] =	wrdreg s5  }
0xaa: {  	[dreg:$0x4] =	wrdreg $0xC0  }
0xab: {  	_ =	task [dreg:s7], $0x5FFFF  }
0xac: {  	[dreg:$0x1] =	wrdreg $0xFFFFFFFF  }
0xad: {  	[dreg:$0x0] =	wrdreg $0x60  }
0xae: {  	[dreg:$0x2] =	wrdreg s2  }
0xaf: {  	[dreg:$0x3] =	wrdreg s24  }
0xb0: {  	[dreg:$0x4] =	wrdreg $0x9  }
0xb1: {  	_ =	task.clear_ibuf [dreg:s7], $0x5FFFF;
	_ =	strace $0x90000046  }
0xb2: {  	s29 =	simm.s32 $0x9;
	_ =	strace $0x80000048  }
0xb3: {  	_ =	swait.ge [sflag:s29], $0x1  }
0xb4: {  	[sflag:s29] =	ssyncadd.s32 $0xFFFFFFFF  }
0xb5: {  	_ =	strace $0x90000048  }
0xb6: {  	_ =	sfence  }
0xb7: {  	s30 =	sld [smem:$0x0];
	_ =	sdelay $0x2  }
0xb8: {  	s31 =	sshll.u32 s1, $0xD;
	s1 =	sshrl.u32 s1, $0x2  }
0xb9: {  	s3 =	sand.u32 $0x4000, s31;
	s1 =	sadd.s32 s1, s30  }
0xba: {  	s0 =	sor.u32 s3, s0;
	s1 =	sshll.u32 s1, $0x11  }
0xbb: {  	s0 =	sor.u32 s1, s0  }
0xbc: {  	s0 =	sadd.s32 $0x8F2B, s0  }
0xbd: {  	[sflag:s0] =	ssyncadd.remote.s32 $0x1  }
0xbe: {  	_ =	sfence.sel $0xFFFF  }
0xbf: {  	[dreg:$0x0] =	wrdreg $0xFFFFFFFF;
	(pc) =	sbr.abs _section_cstart, $3  }
0xc0: {  	[dreg:$0x1] =	wrdreg $0xFFFFFFFF  }
0xc1: {  	_ =	task.clear_ibuf [dreg:s7], $0x2FFFF;
	_ =	strace $0x9FFFFFFF  }
0xc2: {  	(tm) =	ssettm $0x7FFFFFFF  }
0xc3: {  	_ =	shalt  }
tec
execute0_lowered:
.L_overlay_start_1:
0x0: {  	(tag) =	ssettag $0x1  }
0x1: {  	s0 =	rddreg [dreg:$0x0];
	v0 =	vlaneseq.u32  }
0x2: {  	s1 =	rddreg [dreg:$0x1];
	v0 =	vmul.u32 $0x18, v0  }
0x3: {  	s2 =	srdreg.scid;
	s9 =	stileid.u32;
	s15 =	simm.s32 $0x80  }
0x4: {  	s13 =	simm.s32 $0x3000;
	s31 =	simm.s32 $0x3300;
	s30 =	simm.s32 $0xF300;
	v1 =	vadd.s32 $0x180, v0;
	v2 =	vadd.s32 $0x300, v0  }
0x5: {  	s5 =	sand.u32 $0x1, s2;
	s2 =	simm.s32 $0x0;
	s3 =	sshll.u32 s9, $0xA;
	v3 =	vadd.s32 $0x480, v0;
	v4 =	vor.u32 $0x600, v0;
	v5 =	vadd.s32 $0x780, v0  }
0x6: {  	s4 =	sshll.u32 s5, $0x9;
	[smem:$0x7FF] =	sst s2;
	s21 =	ssub.s32 $0x2, s5;
	v6 =	vadd.s32 $0x900, v0;
	v7 =	vadd.s32 $0xA80, v0;
	v8 =	vor.u32 $0x1, v0  }
0x7: {  	s6 =	sor.u32 s4, s3;
	s3 =	sadd.s32 $0xA00, s1;
	s23 =	sshrl.u32 s21, $0x1;
	v9 =	vadd.s32 $0x181, v0;
	v10 =	vadd.s32 $0x301, v0;
	v11 =	vadd.s32 $0x481, v0  }
0x8: {  	s4 =	sadd.s32 $0xF42E00, s1;
	v12 =	vor.u32 $0x601, v0;
	v13 =	vadd.s32 $0x781, v0;
	v14 =	vadd.s32 $0x901, v0;
	s7 =	sshll.u32 s6, $0x4;
	s1 =	ssub.s32 s21, s23  }
0x9: {  	_ =	strace $0x80000047;
	v15 =	vadd.s32 $0xA81, v0;
	v16 =	vor.u32 $0x2, v0;
	v17 =	vadd.s32 $0x182, v0;
	s7 =	sadd.s32 s7, s3;
	s1 =	smax.u32 s1, $0x1  }
0xa: {  	s29 =	simm.s32 $0x13300;
	v18 =	vadd.s32 $0x302, v0;
	v19 =	vadd.s32 $0x482, v0;
	v20 =	vor.u32 $0x602, v0;
	s8 =	sadd.s32 $0x381800, s7;
	[dreg:$0xa] =	wrdreg s1  }
0xb: {  	v21 =	vadd.s32 $0x782, v0;
	v22 =	vadd.s32 $0x902, v0;
	v23 =	vadd.s32 $0xA82, v0;
	s6 =	smul.u32 $0x3, s6;
	s22 =	sadd.s32 $0x3C1800, s7;
	[dreg:$0x3] =	wrdreg s8  }
0xc: {  	s26 =	sshll.u32 s9, $0x11;
	v24 =	vor.u32 $0x3, v0;
	v25 =	vadd.s32 $0x183, v0;
	v26 =	vadd.s32 $0x303, v0;
	s10 =	sadd.s32 $0x401800, s7;
	[dreg:$0x4] =	wrdreg s22  }
0xd: {  	s9 =	simm.s32 $0x3280;
	v27 =	vadd.s32 $0x483, v0;
	v28 =	vor.u32 $0x603, v0;
	v29 =	vadd.s32 $0x783, v0;
	s0 =	sadd.s32 s0, s6;
	[dreg:$0x5] =	wrdreg s10  }
0xe: {  	s5 =	sshll.u32 s5, $0x10;
	v30 =	vadd.s32 $0x903, v0;
	v31 =	vadd.s32 $0xA83, v0;
	v32 =	vor.u32 $0x4, v0;
	s24 =	sadd.s32 $0x441800, s7;
	[dreg:$0x6] =	wrdreg s0  }
0xf: {  	v33 =	vadd.s32 $0x184, v0;
	v34 =	vadd.s32 $0x304, v0;
	v35 =	vadd.s32 $0x484, v0;
	s23 =	simm.s32 $0x17300;
	s25 =	sadd.s32 $0x481800, s7;
	[dreg:$0x7] =	wrdreg s24  }
0x10: {  	v36 =	vor.u32 $0x604, v0;
	v37 =	vadd.s32 $0x784, v0;
	v38 =	vadd.s32 $0x904, v0;
	s28 =	sadd.s32 $0x4C1800, s7;
	s1 =	simm.s32 $0x7300;
	[dreg:$0x8] =	wrdreg s25  }
0x11: {  	v39 =	vadd.s32 $0xA84, v0;
	v40 =	vor.u32 $0x5, v0;
	v41 =	vadd.s32 $0x185, v0;
	s6 =	simm.s32 $0xB300;
	s7 =	simm.s32 $0x3180;
	[dreg:$0x9] =	wrdreg s28  }
0x12: {  	v42 =	vadd.s32 $0x305, v0;
	v43 =	vadd.s32 $0x485, v0;
	v44 =	vor.u32 $0x605, v0;
	s0 =	sor.u32 s5, s26;
	s5 =	simm.s32 $0x3100;
	s8 =	simm.s32 $0x3200  }
0x13: {  	v45 =	vadd.s32 $0x785, v0;
	v46 =	vadd.s32 $0x905, v0;
	v47 =	vadd.s32 $0xA85, v0;
	s10 =	simm.s32 $0x0;
	[dreg:$0xb] =	wrdreg s0;
	s0 =	simm.s32 $0x3080  }
.LBB2_1:
0x14: {  	[dreg:$0xc] =	wrdreg s10  }
0x15: {  	s12 =	rddreg [dreg:$0x6];
	s28 =	simm.s32 $0xD  }
0x16: {  	[tilespmem:s2], [sflag:$0xD] =	stream.linear.gather [hbm4b:s12+s2], $0x3000, $0x38;
	[tilespmem:$0x1B300] =	vst v63  }
0x17: {  	_ =	swait.ge [sflag:s28], $0x3000  }
0x18: {  	[sflag:s28] =	ssyncset.done $0x0  }
0x19: {  	[sflag:s28] =	ssyncadd.s32 $0xFFFFD000  }
0x1a: {  	v48 =	vld.idx.msk [tilespmem:v0+s2+$0x0], $0xffff;
	_ =	sdelay $0x4  }
0x1b: {  	[tilespmem:$0x3000] =	vst v48  }
0x1c: {  	v48 =	vld.idx.msk [tilespmem:v1+s2+$0x0], $0xffff;
	_ =	sdelay $0x4  }
0x1d: {  	[tilespmem:$0x3010] =	vst v48  }
0x1e: {  	v48 =	vld.idx.msk [tilespmem:v2+s2+$0x0], $0xffff;
	_ =	sdelay $0x4  }
0x1f: {  	[tilespmem:$0x3020] =	vst v48  }
0x20: {  	v48 =	vld.idx.msk [tilespmem:v3+s2+$0x0], $0xffff;
	_ =	sdelay $0x4  }
0x21: {  	[tilespmem:$0x3030] =	vst v48  }
0x22: {  	v48 =	vld.idx.msk [tilespmem:v4+s2+$0x0], $0xffff;
	_ =	sdelay $0x4  }
0x23: {  	[tilespmem:$0x3040] =	vst v48  }
0x24: {  	v48 =	vld.idx.msk [tilespmem:v5+s2+$0x0], $0xffff;
	_ =	sdelay $0x4  }
0x25: {  	[tilespmem:$0x3050] =	vst v48  }
0x26: {  	v48 =	vld.idx.msk [tilespmem:v6+s2+$0x0], $0xffff;
	_ =	sdelay $0x4  }
0x27: {  	[tilespmem:$0x3060] =	vst v48  }
0x28: {  	v48 =	vld.idx.msk [tilespmem:v7+s2+$0x0], $0xffff;
	_ =	sdelay $0x4  }
0x29: {  	[tilespmem:$0x3070] =	vst v48  }
0x2a: {  	[tilespmem:s31], [sflag:$0x1] =	stream.indirect.gather [hbm4b:s4+s15], $0x80, s13, s15, $0xb8;
	[tilespmem:$0x1B300] =	vst v63  }
0x2b: {  	v48 =	vld.idx.msk [tilespmem:v8+s2+$0x0], $0xffff;
	_ =	sdelay $0x4  }
0x2c: {  	[tilespmem:$0x3080] =	vst v48  }
0x2d: {  	v48 =	vld.idx.msk [tilespmem:v9+s2+$0x0], $0xffff;
	_ =	sdelay $0x4  }
0x2e: {  	[tilespmem:$0x3090] =	vst v48  }
0x2f: {  	v48 =	vld.idx.msk [tilespmem:v10+s2+$0x0], $0xffff;
	_ =	sdelay $0x4  }
0x30: {  	[tilespmem:$0x30A0] =	vst v48  }
0x31: {  	v48 =	vld.idx.msk [tilespmem:v11+s2+$0x0], $0xffff;
	_ =	sdelay $0x4  }
0x32: {  	[tilespmem:$0x30B0] =	vst v48  }
0x33: {  	v48 =	vld.idx.msk [tilespmem:v12+s2+$0x0], $0xffff;
	_ =	sdelay $0x4  }
0x34: {  	[tilespmem:$0x30C0] =	vst v48  }
0x35: {  	v48 =	vld.idx.msk [tilespmem:v13+s2+$0x0], $0xffff;
	_ =	sdelay $0x4  }
0x36: {  	[tilespmem:$0x30D0] =	vst v48  }
0x37: {  	v48 =	vld.idx.msk [tilespmem:v14+s2+$0x0], $0xffff;
	_ =	sdelay $0x4  }
0x38: {  	[tilespmem:$0x30E0] =	vst v48  }
0x39: {  	v48 =	vld.idx.msk [tilespmem:v15+s2+$0x0], $0xffff;
	_ =	sdelay $0x4  }
0x3a: {  	[tilespmem:$0x30F0] =	vst v48  }
0x3b: {  	[tilespmem:s1], [sflag:$0x2] =	stream.indirect.gather [hbm4b:s4+s15], $0x80, s0, s15, $0xb8;
	[tilespmem:$0x1B300] =	vst v63  }
0x3c: {  	v48 =	vld.idx.msk [tilespmem:v16+s2+$0x0], $0xffff;
	_ =	sdelay $0x4  }
0x3d: {  	[tilespmem:$0x3100] =	vst v48  }
0x3e: {  	v48 =	vld.idx.msk [tilespmem:v17+s2+$0x0], $0xffff;
	_ =	sdelay $0x4  }
0x3f: {  	[tilespmem:$0x3110] =	vst v48  }
0x40: {  	v48 =	vld.idx.msk [tilespmem:v18+s2+$0x0], $0xffff;
	_ =	sdelay $0x4  }
0x41: {  	[tilespmem:$0x3120] =	vst v48  }
0x42: {  	v48 =	vld.idx.msk [tilespmem:v19+s2+$0x0], $0xffff;
	_ =	sdelay $0x4  }
0x43: {  	[tilespmem:$0x3130] =	vst v48  }
0x44: {  	v48 =	vld.idx.msk [tilespmem:v20+s2+$0x0], $0xffff;
	_ =	sdelay $0x4  }
0x45: {  	[tilespmem:$0x3140] =	vst v48  }
0x46: {  	v48 =	vld.idx.msk [tilespmem:v21+s2+$0x0], $0xffff;
	_ =	sdelay $0x4  }
0x47: {  	[tilespmem:$0x3150] =	vst v48  }
0x48: {  	v48 =	vld.idx.msk [tilespmem:v22+s2+$0x0], $0xffff;
	_ =	sdelay $0x4  }
0x49: {  	[tilespmem:$0x3160] =	vst v48  }
0x4a: {  	v48 =	vld.idx.msk [tilespmem:v23+s2+$0x0], $0xffff;
	_ =	sdelay $0x4  }
0x4b: {  	[tilespmem:$0x3170] =	vst v48  }
0x4c: {  	[tilespmem:s6], [sflag:$0x3] =	stream.indirect.gather [hbm4b:s4+s15], $0x80, s5, s15, $0xb8;
	[tilespmem:$0x1B300] =	vst v63  }
0x4d: {  	v48 =	vld.idx.msk [tilespmem:v24+s2+$0x0], $0xffff;
	_ =	sdelay $0x4  }
0x4e: {  	[tilespmem:$0x3180] =	vst v48  }
0x4f: {  	v48 =	vld.idx.msk [tilespmem:v25+s2+$0x0], $0xffff;
	_ =	sdelay $0x4  }
0x50: {  	[tilespmem:$0x3190] =	vst v48  }
0x51: {  	v48 =	vld.idx.msk [tilespmem:v26+s2+$0x0], $0xffff;
	_ =	sdelay $0x4  }
0x52: {  	[tilespmem:$0x31A0] =	vst v48  }
0x53: {  	v48 =	vld.idx.msk [tilespmem:v27+s2+$0x0], $0xffff;
	_ =	sdelay $0x4  }
0x54: {  	[tilespmem:$0x31B0] =	vst v48  }
0x55: {  	v48 =	vld.idx.msk [tilespmem:v28+s2+$0x0], $0xffff;
	_ =	sdelay $0x4  }
0x56: {  	[tilespmem:$0x31C0] =	vst v48  }
0x57: {  	v48 =	vld.idx.msk [tilespmem:v29+s2+$0x0], $0xffff;
	_ =	sdelay $0x4  }
0x58: {  	[tilespmem:$0x31D0] =	vst v48  }
0x59: {  	v48 =	vld.idx.msk [tilespmem:v30+s2+$0x0], $0xffff;
	_ =	sdelay $0x4  }
0x5a: {  	[tilespmem:$0x31E0] =	vst v48  }
0x5b: {  	v48 =	vld.idx.msk [tilespmem:v31+s2+$0x0], $0xffff;
	_ =	sdelay $0x4  }
0x5c: {  	[tilespmem:$0x31F0] =	vst v48  }
0x5d: {  	[tilespmem:s30], [sflag:$0x4] =	stream.indirect.gather [hbm4b:s4+s15], $0x80, s7, s15, $0xb8;
	[tilespmem:$0x1B300] =	vst v63  }
0x5e: {  	v48 =	vld.idx.msk [tilespmem:v32+s2+$0x0], $0xffff;
	_ =	sdelay $0x4  }
0x5f: {  	[tilespmem:$0x3200] =	vst v48  }
0x60: {  	v48 =	vld.idx.msk [tilespmem:v33+s2+$0x0], $0xffff;
	_ =	sdelay $0x4  }
0x61: {  	[tilespmem:$0x3210] =	vst v48  }
0x62: {  	v48 =	vld.idx.msk [tilespmem:v34+s2+$0x0], $0xffff;
	_ =	sdelay $0x4  }
0x63: {  	[tilespmem:$0x3220] =	vst v48  }
0x64: {  	v48 =	vld.idx.msk [tilespmem:v35+s2+$0x0], $0xffff;
	_ =	sdelay $0x4  }
0x65: {  	[tilespmem:$0x3230] =	vst v48  }
0x66: {  	v48 =	vld.idx.msk [tilespmem:v36+s2+$0x0], $0xffff;
	_ =	sdelay $0x4  }
0x67: {  	[tilespmem:$0x3240] =	vst v48  }
0x68: {  	v48 =	vld.idx.msk [tilespmem:v37+s2+$0x0], $0xffff;
	_ =	sdelay $0x4  }
0x69: {  	[tilespmem:$0x3250] =	vst v48  }
0x6a: {  	v48 =	vld.idx.msk [tilespmem:v38+s2+$0x0], $0xffff;
	_ =	sdelay $0x4  }
0x6b: {  	[tilespmem:$0x3260] =	vst v48  }
0x6c: {  	v48 =	vld.idx.msk [tilespmem:v39+s2+$0x0], $0xffff;
	_ =	sdelay $0x4  }
0x6d: {  	[tilespmem:$0x3270] =	vst v48  }
0x6e: {  	[tilespmem:s29], [sflag:$0x5] =	stream.indirect.gather [hbm4b:s4+s15], $0x80, s8, s15, $0xb8;
	[tilespmem:$0x1B300] =	vst v63  }
0x6f: {  	v48 =	vld.idx.msk [tilespmem:v40+s2+$0x0], $0xffff;
	_ =	sdelay $0x4  }
0x70: {  	[tilespmem:$0x3280] =	vst v48  }
0x71: {  	v48 =	vld.idx.msk [tilespmem:v41+s2+$0x0], $0xffff;
	_ =	sdelay $0x4  }
0x72: {  	[tilespmem:$0x3290] =	vst v48  }
0x73: {  	v48 =	vld.idx.msk [tilespmem:v42+s2+$0x0], $0xffff;
	_ =	sdelay $0x4  }
0x74: {  	[tilespmem:$0x32A0] =	vst v48  }
0x75: {  	v48 =	vld.idx.msk [tilespmem:v43+s2+$0x0], $0xffff;
	_ =	sdelay $0x4  }
0x76: {  	[tilespmem:$0x32B0] =	vst v48  }
0x77: {  	v48 =	vld.idx.msk [tilespmem:v44+s2+$0x0], $0xffff;
	_ =	sdelay $0x4  }
0x78: {  	[tilespmem:$0x32C0] =	vst v48  }
0x79: {  	v48 =	vld.idx.msk [tilespmem:v45+s2+$0x0], $0xffff;
	_ =	sdelay $0x4  }
0x7a: {  	[tilespmem:$0x32D0] =	vst v48  }
0x7b: {  	v48 =	vld.idx.msk [tilespmem:v46+s2+$0x0], $0xffff;
	_ =	sdelay $0x4  }
0x7c: {  	[tilespmem:$0x32E0] =	vst v48  }
0x7d: {  	v48 =	vld.idx.msk [tilespmem:v47+s2+$0x0], $0xffff  }
0x7e: {  	s10 =	simm.s32 $0x1  }
0x7f: {  	s14 =	simm.s32 $0x7;
	s16 =	simm.s32 $0x8;
	s18 =	simm.s32 $0x3  }
0x80: {  	s20 =	simm.s32 $0x9;
	s22 =	simm.s32 $0x4;
	s24 =	simm.s32 $0xA  }
0x81: {  	s26 =	simm.s32 $0x5;
	s17 =	simm.s32 $0xB;
	s21 =	simm.s32 $0x0  }
0x82: {  	s12 =	simm.s32 $0x2;
	s19 =	rddreg [dreg:$0xb];
	s13 =	simm.s32 $0x6;
	[tilespmem:$0x32F0] =	vst v48  }
0x83: {  	[tilespmem:s23], [sflag:$0x6] =	stream.indirect.gather [hbm4b:s4+s15], $0x80, s9, s15, $0xb8;
	[tilespmem:$0x1B300] =	vst v63  }
.LBB2_2:
0x84: {  	s25 =	smulhi.u32 $0xCCCCCCCD, s13  }
0x85: {  	s23 =	smul.u32 $0xCD, s21  }
0x86: {  	s25 =	sshrl.u32 s25, $0x4  }
0x87: {  	s28 =	sadd.s32 $0x4CE, s23;
	s25 =	smul.u32 $0x14, s25  }
0x88: {  	s28 =	sshrl.u32 s28, $0x5  }
0x89: {  	s28 =	sand.u32 $0x780, s28;
	s25 =	ssub.s32 s21, s25  }
0x8a: {  	s29 =	smulhi.u32 $0xCCCCCCCD, s21;
	v48 =	vmov s28;
	s25 =	sadd.s32 $0x6, s25  }
0x8b: {  	v48 =	vmul.u32 $0x18, v48;
	v49 =	vmov s25  }
0x8c: {  	s7 =	sshrl.u32 s29, $0x4;
	v50 =	vand.u32 $0xFFFFFFF8, v49  }
0x8d: {  	s25 =	smul.u32 $0x27FC000, s7;
	v48 =	vadd.s32 v50, v48  }
0x8e: {  	v48 =	vbroadcast v48, $0x0  }
0x8f: {  	_ =	swait.ge [sflag:s10], $0x4000;
	s29 =	sor.u32 $0x10, s28;
	v49 =	vand.u32 $0x6, v49;
	s25 =	ssub.s32 s19, s25  }
0x90: {  	s0 =	simm.s32 $0x3300;
	[sflag:s10] =	ssyncset.done $0x0;
	v51 =	vmov s29;
	s29 =	sshrl.u32 s25, $0x3;
	v48 =	vor.u32 v49, v48  }
0x91: {  	s1 =	simm.s32 $0x7;
	[sflag:s10] =	ssyncadd.s32 $0xFFFFC000;
	v51 =	vmul.u32 $0x18, v51;
	s29 =	sadd.s32 s3, s29;
	v48 =	vadd.s32 v0, v48  }
0x92: {  	[hbm4b:s29+s2] =	stream.linear.scatter [tilespmem:s0], [sflag:$0x7], $0x4000, $0x38;
	[tilespmem:$0x1B300] =	vst v63  }
0x93: {  	v51 =	vadd.s32 v50, v51;
	_ =	swait.ge [sflag:s1], $0x4000  }
0x94: {  	v51 =	vbroadcast v51, $0x0;
	[sflag:s1] =	ssyncset.done $0x0  }
0x95: {  	s29 =	sor.u32 $0x20, s28;
	[sflag:s1] =	ssyncadd.s32 $0xFFFFC000  }
0x96: {  	v51 =	vor.u32 v49, v51;
	v52 =	vmov s29;
	v48 =	vld.idx.msk [tilespmem:v48+s2+$0x0], $0xffff  }
0x97: {  	v51 =	vadd.s32 v0, v51;
	v52 =	vmul.u32 $0x18, v52;
	_ =	sdelay $0x1  }
0x98: {  	v52 =	vadd.s32 v50, v52  }
0x99: {  	v52 =	vbroadcast v52, $0x0  }
0x9a: {  	s29 =	sor.u32 $0x30, s28;
	[tilespmem:$0x3000] =	vst v48  }
0x9b: {  	v63 =	vmov s29;
	v62 =	vor.u32 v49, v52;
	v48 =	vld.idx.msk [tilespmem:v51+s2+$0x0], $0xffff  }
0x9c: {  	v52 =	vmul.u32 $0x18, v63;
	v51 =	vadd.s32 v0, v62;
	_ =	sdelay $0x1  }
0x9d: {  	v52 =	vadd.s32 v50, v52  }
0x9e: {  	v52 =	vbroadcast v52, $0x0  }
0x9f: {  	s29 =	sor.u32 $0x40, s28;
	[tilespmem:$0x3010] =	vst v48  }
0xa0: {  	v57 =	vmov s29;
	v56 =	vor.u32 v49, v52;
	v48 =	vld.idx.msk [tilespmem:v51+s2+$0x0], $0xffff  }
0xa1: {  	v52 =	vmul.u32 $0x18, v57;
	v51 =	vadd.s32 v0, v56;
	_ =	sdelay $0x1  }
0xa2: {  	v52 =	vadd.s32 v50, v52  }
0xa3: {  	v52 =	vbroadcast v52, $0x0  }
0xa4: {  	s29 =	sor.u32 $0x50, s28;
	[tilespmem:$0x3020] =	vst v48  }
0xa5: {  	v59 =	vmov s29;
	v58 =	vor.u32 v49, v52;
	v48 =	vld.idx.msk [tilespmem:v51+s2+$0x0], $0xffff  }
0xa6: {  	v52 =	vmul.u32 $0x18, v59;
	v51 =	vadd.s32 v0, v58;
	_ =	sdelay $0x1  }
0xa7: {  	v52 =	vadd.s32 v50, v52  }
0xa8: {  	v52 =	vbroadcast v52, $0x0  }
0xa9: {  	s29 =	sor.u32 $0x60, s28;
	[tilespmem:$0x3030] =	vst v48  }
0xaa: {  	v61 =	vmov s29;
	v60 =	vor.u32 v49, v52;
	v48 =	vld.idx.msk [tilespmem:v51+s2+$0x0], $0xffff  }
0xab: {  	v52 =	vmul.u32 $0x18, v61;
	v51 =	vadd.s32 v0, v60;
	_ =	sdelay $0x1  }
0xac: {  	v52 =	vadd.s32 v50, v52  }
0xad: {  	v52 =	vbroadcast v52, $0x0  }
0xae: {  	s28 =	sor.u32 $0x70, s28;
	[tilespmem:$0x3040] =	vst v48  }
0xaf: {  	v63 =	vmov s28;
	v62 =	vor.u32 v49, v52;
	v48 =	vld.idx.msk [tilespmem:v51+s2+$0x0], $0xffff  }
0xb0: {  	v52 =	vmul.u32 $0x18, v63;
	v51 =	vadd.s32 v0, v62;
	_ =	sdelay $0x1  }
0xb1: {  	v50 =	vadd.s32 v50, v52  }
0xb2: {  	v50 =	vbroadcast v50, $0x0  }
0xb3: {  	[tilespmem:$0x3050] =	vst v48  }
0xb4: {  	v49 =	vor.u32 v49, v50;
	v48 =	vld.idx.msk [tilespmem:v51+s2+$0x0], $0xffff  }
0xb5: {  	v49 =	vadd.s32 v0, v49;
	_ =	sdelay $0x1  }
0xb6: {  	s8 =	smulhi.u32 $0xCCCCCCCD, s14;
	_ =	sdelay $0x1  }
0xb7: {  	s28 =	sshrl.u32 s8, $0x4;
	[tilespmem:$0x3060] =	vst v48  }
0xb8: {  	s29 =	sadd.s32 $0x59B, s23;
	s28 =	smul.u32 $0x14, s28;
	v48 =	vld.idx.msk [tilespmem:v49+s2+$0x0], $0xffff  }
0xb9: {  	s29 =	sshrl.u32 s29, $0x5  }
0xba: {  	s30 =	ssub.s32 s21, s28;
	s28 =	sand.u32 $0x780, s29  }
0xbb: {  	s29 =	sadd.s32 $0x7, s30;
	v53 =	vmov s28  }
0xbc: {  	v54 =	vmov s29;
	v49 =	vmul.u32 $0x18, v53  }
0xbd: {  	s9 =	simm.s32 $0x3000;
	s11 =	simm.s32 $0x2;
	v51 =	vand.u32 $0xFFFFFFF8, v54;
	[tilespmem:$0x3070] =	vst v48  }
0xbe: {  	v55 =	vadd.s32 v51, v49;
	[tilespmem:s0], [sflag:$0x1] =	stream.indirect.gather [hbm4b:s4+s15], $0x80, s9, s15, $0xb8;
	[tilespmem:$0x1B300] =	vst v63  }
0xbf: {  	s25 =	sadd.s32 $0x200000, s25;
	v48 =	vbroadcast v55, $0x0;
	_ =	swait.ge [sflag:s11], $0x4000  }
0xc0: {  	s25 =	sshrl.u32 s25, $0x3;
	s29 =	sor.u32 $0x10, s28;
	v49 =	vand.u32 $0x7, v54;
	[sflag:s11] =	ssyncset.done $0x0  }
0xc1: {  	s5 =	simm.s32 $0x7300;
	s25 =	sadd.s32 s3, s25;
	v56 =	vmov s29;
	v48 =	vor.u32 v49, v48;
	[sflag:s11] =	ssyncadd.s32 $0xFFFFC000  }
0xc2: {  	v50 =	vmul.u32 $0x18, v56;
	v48 =	vadd.s32 v0, v48;
	[hbm4b:s25+s2] =	stream.linear.scatter [tilespmem:s5], [sflag:$0x8], $0x4000, $0x38;
	[tilespmem:$0x1B300] =	vst v63  }
0xc3: {  	s25 =	simm.s32 $0x8  }
0xc4: {  	v50 =	vadd.s32 v51, v50;
	_ =	swait.ge [sflag:s25], $0x4000  }
0xc5: {  	v50 =	vbroadcast v50, $0x0;
	[sflag:s25] =	ssyncset.done $0x0  }
0xc6: {  	s6 =	sor.u32 $0x20, s28;
	[sflag:s25] =	ssyncadd.s32 $0xFFFFC000  }
0xc7: {  	v57 =	vmov s6;
	v50 =	vor.u32 v49, v50;
	v48 =	vld.idx.msk [tilespmem:v48+s2+$0x0], $0xffff  }
0xc8: {  	v52 =	vmul.u32 $0x18, v57;
	v50 =	vadd.s32 v0, v50;
	_ =	sdelay $0x1  }
0xc9: {  	v52 =	vadd.s32 v51, v52  }
0xca: {  	v52 =	vbroadcast v52, $0x0  }
0xcb: {  	s7 =	sor.u32 $0x30, s28;
	[tilespmem:$0x3080] =	vst v48  }
0xcc: {  	v59 =	vmov s7;
	v58 =	vor.u32 v49, v52;
	v48 =	vld.idx.msk [tilespmem:v50+s2+$0x0], $0xffff  }
0xcd: {  	v52 =	vmul.u32 $0x18, v59;
	v50 =	vadd.s32 v0, v58;
	_ =	sdelay $0x1  }
0xce: {  	v52 =	vadd.s32 v51, v52  }
0xcf: {  	v52 =	vbroadcast v52, $0x0  }
0xd0: {  	s8 =	sor.u32 $0x40, s28;
	[tilespmem:$0x3090] =	vst v48  }
0xd1: {  	v61 =	vmov s8;
	v60 =	vor.u32 v49, v52;
	v48 =	vld.idx.msk [tilespmem:v50+s2+$0x0], $0xffff  }
0xd2: {  	v52 =	vmul.u32 $0x18, v61;
	v50 =	vadd.s32 v0, v60;
	_ =	sdelay $0x1  }
0xd3: {  	v52 =	vadd.s32 v51, v52  }
0xd4: {  	v52 =	vbroadcast v52, $0x0  }
0xd5: {  	s9 =	sor.u32 $0x50, s28;
	[tilespmem:$0x30A0] =	vst v48  }
0xd6: {  	v63 =	vmov s9;
	v62 =	vor.u32 v49, v52;
	v48 =	vld.idx.msk [tilespmem:v50+s2+$0x0], $0xffff  }
0xd7: {  	v52 =	vmul.u32 $0x18, v63;
	v50 =	vadd.s32 v0, v62;
	_ =	sdelay $0x1  }
0xd8: {  	v52 =	vadd.s32 v51, v52  }
0xd9: {  	v52 =	vbroadcast v52, $0x0  }
0xda: {  	s11 =	sor.u32 $0x60, s28;
	[tilespmem:$0x30B0] =	vst v48  }
0xdb: {  	v57 =	vmov s11;
	v56 =	vor.u32 v49, v52;
	v48 =	vld.idx.msk [tilespmem:v50+s2+$0x0], $0xffff  }
0xdc: {  	v52 =	vmul.u32 $0x18, v57;
	v50 =	vadd.s32 v0, v56;
	_ =	sdelay $0x1  }
0xdd: {  	v52 =	vadd.s32 v51, v52  }
0xde: {  	v52 =	vbroadcast v52, $0x0  }
0xdf: {  	s28 =	sor.u32 $0x70, s28;
	[tilespmem:$0x30C0] =	vst v48  }
0xe0: {  	v59 =	vmov s28;
	v58 =	vor.u32 v49, v52;
	v48 =	vld.idx.msk [tilespmem:v50+s2+$0x0], $0xffff  }
0xe1: {  	v52 =	vmul.u32 $0x18, v59;
	v50 =	vadd.s32 v0, v58;
	_ =	sdelay $0x1  }
0xe2: {  	v51 =	vadd.s32 v51, v52  }
0xe3: {  	v51 =	vbroadcast v51, $0x0  }
0xe4: {  	[tilespmem:$0x30D0] =	vst v48  }
0xe5: {  	v49 =	vor.u32 v49, v51;
	v48 =	vld.idx.msk [tilespmem:v50+s2+$0x0], $0xffff  }
0xe6: {  	v49 =	vadd.s32 v0, v49;
	_ =	sdelay $0x1  }
0xe7: {  	s1 =	smulhi.u32 $0xCCCCCCCD, s16;
	_ =	sdelay $0x1  }
0xe8: {  	s25 =	sshrl.u32 s1, $0x4;
	[tilespmem:$0x30E0] =	vst v48  }
0xe9: {  	s6 =	sadd.s32 $0x668, s23;
	s25 =	smul.u32 $0x14, s25;
	v48 =	vld.idx.msk [tilespmem:v49+s2+$0x0], $0xffff  }
0xea: {  	s29 =	smulhi.u32 $0xCCCCCCCD, s12;
	s28 =	sshrl.u32 s6, $0x5  }
0xeb: {  	s30 =	ssub.s32 s21, s25;
	s25 =	sand.u32 $0x780, s28  }
0xec: {  	s29 =	sshrl.u32 s29, $0x4;
	s7 =	sadd.s32 $0x8, s30;
	v60 =	vmov s25  }
0xed: {  	s8 =	smul.u32 $0xFD804000, s29;
	v61 =	vmov s7;
	v49 =	vmul.u32 $0x18, v60  }
0xee: {  	[tilespmem:$0x30F0] =	vst v48;
	v48 =	vand.u32 $0xFFFFFFF8, v61  }
0xef: {  	s0 =	simm.s32 $0x3080;
	s6 =	simm.s32 $0x3;
	s28 =	sadd.s32 s8, s19;
	v49 =	vadd.s32 v48, v49  }
0xf0: {  	[tilespmem:s5], [sflag:$0x2] =	stream.indirect.gather [hbm4b:s4+s15], $0x80, s0, s15, $0xb8;
	v49 =	vbroadcast v49, $0x0;
	[tilespmem:$0x1B300] =	vst v63  }
0xf1: {  	s28 =	sadd.s32 $0x400000, s28;
	s29 =	sor.u32 $0x10, s25;
	v50 =	vand.u32 $0x6, v61;
	_ =	swait.ge [sflag:s6], $0x4000  }
0xf2: {  	s9 =	simm.s32 $0x9;
	s28 =	sshrl.u32 s28, $0x3;
	v62 =	vmov s29;
	[sflag:s6] =	ssyncset.done $0x0;
	v49 =	vor.u32 v50, v49  }
0xf3: {  	s7 =	simm.s32 $0xB300;
	s28 =	sadd.s32 s3, s28;
	v51 =	vmul.u32 $0x18, v62;
	[sflag:s6] =	ssyncadd.s32 $0xFFFFC000;
	v49 =	vadd.s32 v0, v49  }
0xf4: {  	[hbm4b:s28+s2] =	stream.linear.scatter [tilespmem:s7], [sflag:$0x9], $0x4000, $0x38;
	[tilespmem:$0x1B300] =	vst v63  }
0xf5: {  	v51 =	vadd.s32 v48, v51;
	_ =	swait.ge [sflag:s9], $0x4000  }
0xf6: {  	v51 =	vbroadcast v51, $0x0;
	[sflag:s9] =	ssyncset.done $0x0  }
0xf7: {  	s11 =	sor.u32 $0x20, s25;
	[sflag:s9] =	ssyncadd.s32 $0xFFFFC000  }
0xf8: {  	v63 =	vmov s11;
	v51 =	vor.u32 v50, v51;
	v49 =	vld.idx.msk [tilespmem:v49+s2+$0x0], $0xffff  }
0xf9: {  	v52 =	vmul.u32 $0x18, v63;
	v51 =	vadd.s32 v0, v51;
	_ =	sdelay $0x1  }
0xfa: {  	v52 =	vadd.s32 v48, v52  }
0xfb: {  	v52 =	vbroadcast v52, $0x0  }
0xfc: {  	s6 =	sor.u32 $0x30, s25;
	[tilespmem:$0x3100] =	vst v49  }
0xfd: {  	v56 =	vor.u32 v50, v52;
	v57 =	vmov s6;
	v49 =	vld.idx.msk [tilespmem:v51+s2+$0x0], $0xffff  }
0xfe: {  	v52 =	vmul.u32 $0x18, v57;
	v51 =	vadd.s32 v0, v56;
	_ =	sdelay $0x1  }
0xff: {  	v52 =	vadd.s32 v48, v52  }
0x100: {  	v52 =	vbroadcast v52, $0x0  }
0x101: {  	s8 =	sor.u32 $0x40, s25;
	[tilespmem:$0x3110] =	vst v49  }
0x102: {  	v59 =	vmov s8;
	v58 =	vor.u32 v50, v52;
	v49 =	vld.idx.msk [tilespmem:v51+s2+$0x0], $0xffff  }
0x103: {  	v52 =	vmul.u32 $0x18, v59;
	v51 =	vadd.s32 v0, v58;
	_ =	sdelay $0x1  }
0x104: {  	v52 =	vadd.s32 v48, v52  }
0x105: {  	v52 =	vbroadcast v52, $0x0  }
0x106: {  	s9 =	sor.u32 $0x50, s25;
	[tilespmem:$0x3120] =	vst v49  }
0x107: {  	v61 =	vmov s9;
	v60 =	vor.u32 v50, v52;
	v49 =	vld.idx.msk [tilespmem:v51+s2+$0x0], $0xffff  }
0x108: {  	v52 =	vmul.u32 $0x18, v61;
	v51 =	vadd.s32 v0, v60;
	_ =	sdelay $0x1  }
0x109: {  	v52 =	vadd.s32 v48, v52  }
0x10a: {  	v52 =	vbroadcast v52, $0x0  }
0x10b: {  	s11 =	sor.u32 $0x60, s25;
	[tilespmem:$0x3130] =	vst v49  }
0x10c: {  	v63 =	vmov s11;
	v62 =	vor.u32 v50, v52;
	v49 =	vld.idx.msk [tilespmem:v51+s2+$0x0], $0xffff  }
0x10d: {  	v52 =	vmul.u32 $0x18, v63;
	v51 =	vadd.s32 v0, v62;
	_ =	sdelay $0x1  }
0x10e: {  	v52 =	vadd.s32 v48, v52  }
0x10f: {  	v52 =	vbroadcast v52, $0x0  }
0x110: {  	s25 =	sor.u32 $0x70, s25;
	[tilespmem:$0x3140] =	vst v49  }
0x111: {  	v57 =	vmov s25;
	v56 =	vor.u32 v50, v52;
	v49 =	vld.idx.msk [tilespmem:v51+s2+$0x0], $0xffff  }
0x112: {  	v52 =	vmul.u32 $0x18, v57;
	v51 =	vadd.s32 v0, v56;
	_ =	sdelay $0x1  }
0x113: {  	v48 =	vadd.s32 v48, v52  }
0x114: {  	v48 =	vbroadcast v48, $0x0  }
0x115: {  	[tilespmem:$0x3150] =	vst v49  }
0x116: {  	v48 =	vor.u32 v50, v48;
	v49 =	vld.idx.msk [tilespmem:v51+s2+$0x0], $0xffff  }
0x117: {  	v48 =	vadd.s32 v0, v48;
	_ =	sdelay $0x1  }
0x118: {  	s28 =	smulhi.u32 $0xCCCCCCCD, s20;
	_ =	sdelay $0x1  }
0x119: {  	s25 =	sshrl.u32 s28, $0x4;
	[tilespmem:$0x3160] =	vst v49  }
0x11a: {  	s6 =	sadd.s32 $0x735, s23;
	s25 =	smul.u32 $0x14, s25;
	v48 =	vld.idx.msk [tilespmem:v48+s2+$0x0], $0xffff  }
0x11b: {  	s29 =	smulhi.u32 $0xCCCCCCCD, s18;
	s28 =	sshrl.u32 s6, $0x5  }
0x11c: {  	s30 =	ssub.s32 s21, s25;
	s25 =	sand.u32 $0x780, s28  }
0x11d: {  	s29 =	sshrl.u32 s29, $0x4;
	s8 =	sadd.s32 $0x9, s30;
	v58 =	vmov s25  }
0x11e: {  	s9 =	smul.u32 $0xFD804000, s29;
	v59 =	vmov s8;
	v49 =	vmul.u32 $0x18, v58  }
0x11f: {  	[tilespmem:$0x3170] =	vst v48;
	v48 =	vand.u32 $0xFFFFFFF8, v59  }
0x120: {  	s5 =	simm.s32 $0x3100;
	s28 =	sadd.s32 s9, s19;
	s8 =	simm.s32 $0x4;
	v49 =	vadd.s32 v48, v49  }
0x121: {  	[tilespmem:s7], [sflag:$0x3] =	stream.indirect.gather [hbm4b:s4+s15], $0x80, s5, s15, $0xb8;
	v49 =	vbroadcast v49, $0x0;
	[tilespmem:$0x1B300] =	vst v63  }
0x122: {  	s28 =	sadd.s32 $0x600000, s28;
	s29 =	sor.u32 $0x10, s25;
	v50 =	vand.u32 $0x7, v59;
	_ =	swait.ge [sflag:s8], $0x4000  }
0x123: {  	s9 =	simm.s32 $0xA;
	s28 =	sshrl.u32 s28, $0x3;
	v60 =	vmov s29;
	[sflag:s8] =	ssyncset.done $0x0;
	v49 =	vor.u32 v50, v49  }
0x124: {  	s28 =	sadd.s32 s3, s28;
	v51 =	vmul.u32 $0x18, v60;
	[sflag:s8] =	ssyncadd.s32 $0xFFFFC000;
	s8 =	simm.s32 $0xF300;
	v49 =	vadd.s32 v0, v49  }
0x125: {  	[hbm4b:s28+s2] =	stream.linear.scatter [tilespmem:s8], [sflag:$0xA], $0x4000, $0x38;
	[tilespmem:$0x1B300] =	vst v63  }
0x126: {  	v51 =	vadd.s32 v48, v51;
	_ =	swait.ge [sflag:s9], $0x4000  }
0x127: {  	v51 =	vbroadcast v51, $0x0;
	[sflag:s9] =	ssyncset.done $0x0  }
0x128: {  	s11 =	sor.u32 $0x20, s25;
	[sflag:s9] =	ssyncadd.s32 $0xFFFFC000  }
0x129: {  	v61 =	vmov s11;
	v51 =	vor.u32 v50, v51;
	v49 =	vld.idx.msk [tilespmem:v49+s2+$0x0], $0xffff  }
0x12a: {  	v52 =	vmul.u32 $0x18, v61;
	v51 =	vadd.s32 v0, v51;
	_ =	sdelay $0x1  }
0x12b: {  	v52 =	vadd.s32 v48, v52  }
0x12c: {  	v52 =	vbroadcast v52, $0x0  }
0x12d: {  	s9 =	sor.u32 $0x30, s25;
	[tilespmem:$0x3180] =	vst v49  }
0x12e: {  	v62 =	vor.u32 v50, v52;
	v63 =	vmov s9;
	v49 =	vld.idx.msk [tilespmem:v51+s2+$0x0], $0xffff  }
0x12f: {  	v52 =	vmul.u32 $0x18, v63;
	v51 =	vadd.s32 v0, v62;
	_ =	sdelay $0x1  }
0x130: {  	v52 =	vadd.s32 v48, v52  }
0x131: {  	v52 =	vbroadcast v52, $0x0  }
0x132: {  	s11 =	sor.u32 $0x40, s25;
	[tilespmem:$0x3190] =	vst v49  }
0x133: {  	v57 =	vmov s11;
	v56 =	vor.u32 v50, v52;
	v49 =	vld.idx.msk [tilespmem:v51+s2+$0x0], $0xffff  }
0x134: {  	v52 =	vmul.u32 $0x18, v57;
	v51 =	vadd.s32 v0, v56;
	_ =	sdelay $0x1  }
0x135: {  	v52 =	vadd.s32 v48, v52  }
0x136: {  	v52 =	vbroadcast v52, $0x0  }
0x137: {  	s9 =	sor.u32 $0x50, s25;
	[tilespmem:$0x31A0] =	vst v49  }
0x138: {  	v59 =	vmov s9;
	v58 =	vor.u32 v50, v52;
	v49 =	vld.idx.msk [tilespmem:v51+s2+$0x0], $0xffff  }
0x139: {  	v52 =	vmul.u32 $0x18, v59;
	v51 =	vadd.s32 v0, v58;
	_ =	sdelay $0x1  }
0x13a: {  	v52 =	vadd.s32 v48, v52  }
0x13b: {  	v52 =	vbroadcast v52, $0x0  }
0x13c: {  	s11 =	sor.u32 $0x60, s25;
	[tilespmem:$0x31B0] =	vst v49  }
0x13d: {  	v61 =	vmov s11;
	v60 =	vor.u32 v50, v52;
	v49 =	vld.idx.msk [tilespmem:v51+s2+$0x0], $0xffff  }
0x13e: {  	v52 =	vmul.u32 $0x18, v61;
	v51 =	vadd.s32 v0, v60;
	_ =	sdelay $0x1  }
0x13f: {  	v52 =	vadd.s32 v48, v52  }
0x140: {  	v52 =	vbroadcast v52, $0x0  }
0x141: {  	s25 =	sor.u32 $0x70, s25;
	[tilespmem:$0x31C0] =	vst v49  }
0x142: {  	v63 =	vmov s25;
	v62 =	vor.u32 v50, v52;
	v49 =	vld.idx.msk [tilespmem:v51+s2+$0x0], $0xffff  }
0x143: {  	v52 =	vmul.u32 $0x18, v63;
	v51 =	vadd.s32 v0, v62;
	_ =	sdelay $0x1  }
0x144: {  	v48 =	vadd.s32 v48, v52  }
0x145: {  	v48 =	vbroadcast v48, $0x0  }
0x146: {  	[tilespmem:$0x31D0] =	vst v49  }
0x147: {  	v48 =	vor.u32 v50, v48;
	v49 =	vld.idx.msk [tilespmem:v51+s2+$0x0], $0xffff  }
0x148: {  	v48 =	vadd.s32 v0, v48;
	_ =	sdelay $0x1  }
0x149: {  	s28 =	smulhi.u32 $0xCCCCCCCD, s24;
	_ =	sdelay $0x1  }
0x14a: {  	s25 =	sshrl.u32 s28, $0x4;
	[tilespmem:$0x31E0] =	vst v49  }
0x14b: {  	s9 =	sadd.s32 $0x802, s23;
	s25 =	smul.u32 $0x14, s25;
	v48 =	vld.idx.msk [tilespmem:v48+s2+$0x0], $0xffff  }
0x14c: {  	s29 =	smulhi.u32 $0xCCCCCCCD, s22;
	s28 =	sshrl.u32 s9, $0x5  }
0x14d: {  	s30 =	ssub.s32 s21, s25;
	s25 =	sand.u32 $0x780, s28  }
0x14e: {  	s29 =	sshrl.u32 s29, $0x4;
	s11 =	sadd.s32 $0xA, s30;
	v54 =	vmov s25  }
0x14f: {  	s9 =	smul.u32 $0xFD804000, s29;
	v55 =	vmov s11;
	v49 =	vmul.u32 $0x18, v54  }
0x150: {  	[tilespmem:$0x31F0] =	vst v48;
	v48 =	vand.u32 $0xFFFFFFF8, v55  }
0x151: {  	s7 =	simm.s32 $0x3180;
	s28 =	sadd.s32 s9, s19;
	s11 =	simm.s32 $0x5;
	v49 =	vadd.s32 v48, v49  }
0x152: {  	[tilespmem:s8], [sflag:$0x4] =	stream.indirect.gather [hbm4b:s4+s15], $0x80, s7, s15, $0xb8;
	v49 =	vbroadcast v49, $0x0;
	[tilespmem:$0x1B300] =	vst v63  }
0x153: {  	s28 =	sadd.s32 $0x800000, s28;
	s29 =	sor.u32 $0x10, s25;
	v50 =	vand.u32 $0x6, v55;
	_ =	swait.ge [sflag:s11], $0x4000  }
0x154: {  	s9 =	simm.s32 $0x13300;
	s28 =	sshrl.u32 s28, $0x3;
	v56 =	vmov s29;
	[sflag:s11] =	ssyncset.done $0x0;
	v49 =	vor.u32 v50, v49  }
0x155: {  	s28 =	sadd.s32 s3, s28;
	v51 =	vmul.u32 $0x18, v56;
	[sflag:s11] =	ssyncadd.s32 $0xFFFFC000;
	s11 =	simm.s32 $0xB;
	v49 =	vadd.s32 v0, v49  }
0x156: {  	[hbm4b:s28+s2] =	stream.linear.scatter [tilespmem:s9], [sflag:$0xB], $0x4000, $0x38;
	[tilespmem:$0x1B300] =	vst v63  }
0x157: {  	v51 =	vadd.s32 v48, v51;
	_ =	swait.ge [sflag:s11], $0x4000  }
0x158: {  	v51 =	vbroadcast v51, $0x0;
	[sflag:s11] =	ssyncset.done $0x0  }
0x159: {  	[sflag:s11] =	ssyncadd.s32 $0xFFFFC000;
	s11 =	sor.u32 $0x20, s25  }
0x15a: {  	v51 =	vor.u32 v50, v51;
	v57 =	vmov s11;
	v49 =	vld.idx.msk [tilespmem:v49+s2+$0x0], $0xffff  }
0x15b: {  	v51 =	vadd.s32 v0, v51;
	v52 =	vmul.u32 $0x18, v57;
	_ =	sdelay $0x1  }
0x15c: {  	v52 =	vadd.s32 v48, v52  }
0x15d: {  	v52 =	vbroadcast v52, $0x0  }
0x15e: {  	s11 =	sor.u32 $0x30, s25;
	[tilespmem:$0x3200] =	vst v49  }
0x15f: {  	v59 =	vmov s11;
	v58 =	vor.u32 v50, v52;
	v49 =	vld.idx.msk [tilespmem:v51+s2+$0x0], $0xffff  }
0x160: {  	v52 =	vmul.u32 $0x18, v59;
	v51 =	vadd.s32 v0, v58;
	_ =	sdelay $0x1  }
0x161: {  	v52 =	vadd.s32 v48, v52  }
0x162: {  	v52 =	vbroadcast v52, $0x0  }
0x163: {  	s11 =	sor.u32 $0x40, s25;
	[tilespmem:$0x3210] =	vst v49  }
0x164: {  	v61 =	vmov s11;
	v60 =	vor.u32 v50, v52;
	v49 =	vld.idx.msk [tilespmem:v51+s2+$0x0], $0xffff  }
0x165: {  	v52 =	vmul.u32 $0x18, v61;
	v51 =	vadd.s32 v0, v60;
	_ =	sdelay $0x1  }
0x166: {  	v52 =	vadd.s32 v48, v52  }
0x167: {  	v52 =	vbroadcast v52, $0x0  }
0x168: {  	s11 =	sor.u32 $0x50, s25;
	[tilespmem:$0x3220] =	vst v49  }
0x169: {  	v63 =	vmov s11;
	v62 =	vor.u32 v50, v52;
	v49 =	vld.idx.msk [tilespmem:v51+s2+$0x0], $0xffff  }
0x16a: {  	v52 =	vmul.u32 $0x18, v63;
	v51 =	vadd.s32 v0, v62;
	_ =	sdelay $0x1  }
0x16b: {  	v52 =	vadd.s32 v48, v52  }
0x16c: {  	v52 =	vbroadcast v52, $0x0  }
0x16d: {  	s11 =	sor.u32 $0x60, s25;
	[tilespmem:$0x3230] =	vst v49  }
0x16e: {  	v57 =	vmov s11;
	v56 =	vor.u32 v50, v52;
	v49 =	vld.idx.msk [tilespmem:v51+s2+$0x0], $0xffff  }
0x16f: {  	v52 =	vmul.u32 $0x18, v57;
	v51 =	vadd.s32 v0, v56;
	_ =	sdelay $0x1  }
0x170: {  	v52 =	vadd.s32 v48, v52  }
0x171: {  	v52 =	vbroadcast v52, $0x0  }
0x172: {  	s25 =	sor.u32 $0x70, s25;
	[tilespmem:$0x3240] =	vst v49  }
0x173: {  	v59 =	vmov s25;
	v58 =	vor.u32 v50, v52;
	v49 =	vld.idx.msk [tilespmem:v51+s2+$0x0], $0xffff  }
0x174: {  	v52 =	vmul.u32 $0x18, v59;
	v51 =	vadd.s32 v0, v58;
	_ =	sdelay $0x1  }
0x175: {  	v48 =	vadd.s32 v48, v52  }
0x176: {  	v48 =	vbroadcast v48, $0x0  }
0x177: {  	[tilespmem:$0x3250] =	vst v49  }
0x178: {  	v48 =	vor.u32 v50, v48;
	v49 =	vld.idx.msk [tilespmem:v51+s2+$0x0], $0xffff  }
0x179: {  	v48 =	vadd.s32 v0, v48;
	_ =	sdelay $0x1  }
0x17a: {  	s28 =	smulhi.u32 $0xCCCCCCCD, s17;
	_ =	sdelay $0x1  }
0x17b: {  	s11 =	smulhi.u32 $0xCCCCCCCD, s26;
	s25 =	sshrl.u32 s28, $0x4;
	[tilespmem:$0x3260] =	vst v49  }
0x17c: {  	s23 =	sadd.s32 $0x8CF, s23;
	s25 =	smul.u32 $0x14, s25;
	v48 =	vld.idx.msk [tilespmem:v48+s2+$0x0], $0xffff  }
0x17d: {  	s23 =	sshrl.u32 s23, $0x5  }
0x17e: {  	s23 =	sand.u32 $0x780, s23;
	s28 =	sshrl.u32 s11, $0x4;
	s25 =	ssub.s32 s21, s25  }
0x17f: {  	s28 =	smul.u32 $0xFD804000, s28;
	s25 =	sadd.s32 $0xB, s25;
	v60 =	vmov s23  }
0x180: {  	v61 =	vmov s25;
	v49 =	vmul.u32 $0x18, v60  }
0x181: {  	s25 =	sadd.s32 s28, s19;
	[tilespmem:$0x3270] =	vst v48;
	v48 =	vand.u32 $0xFFFFFFF8, v61  }
0x182: {  	s8 =	simm.s32 $0x3200;
	s11 =	simm.s32 $0x6;
	s25 =	sadd.s32 $0xA00000, s25;
	v49 =	vadd.s32 v48, v49  }
0x183: {  	[tilespmem:s9], [sflag:$0x5] =	stream.indirect.gather [hbm4b:s4+s15], $0x80, s8, s15, $0xb8;
	v49 =	vbroadcast v49, $0x0;
	[tilespmem:$0x1B300] =	vst v63  }
0x184: {  	s28 =	sor.u32 $0x10, s23;
	s25 =	sshrl.u32 s25, $0x3;
	v50 =	vand.u32 $0x7, v61;
	_ =	swait.ge [sflag:s11], $0x4000  }
0x185: {  	s25 =	sadd.s32 s3, s25;
	v62 =	vmov s28;
	[sflag:s11] =	ssyncset.done $0x0;
	v49 =	vor.u32 v50, v49  }
0x186: {  	s28 =	simm.s32 $0x17300;
	v51 =	vmul.u32 $0x18, v62;
	[sflag:s11] =	ssyncadd.s32 $0xFFFFC000;
	s11 =	simm.s32 $0xC;
	v49 =	vadd.s32 v0, v49  }
0x187: {  	[hbm4b:s25+s2] =	stream.linear.scatter [tilespmem:s28], [sflag:$0xC], $0x4000, $0x38;
	[tilespmem:$0x1B300] =	vst v63  }
0x188: {  	v51 =	vadd.s32 v48, v51;
	_ =	swait.ge [sflag:s11], $0x4000  }
0x189: {  	v51 =	vbroadcast v51, $0x0;
	[sflag:s11] =	ssyncset.done $0x0  }
0x18a: {  	[sflag:s11] =	ssyncadd.s32 $0xFFFFC000;
	s11 =	sor.u32 $0x20, s23  }
0x18b: {  	v51 =	vor.u32 v50, v51;
	v63 =	vmov s11;
	v49 =	vld.idx.msk [tilespmem:v49+s2+$0x0], $0xffff  }
0x18c: {  	v51 =	vadd.s32 v0, v51;
	v52 =	vmul.u32 $0x18, v63;
	_ =	sdelay $0x1  }
0x18d: {  	v52 =	vadd.s32 v48, v52  }
0x18e: {  	v52 =	vbroadcast v52, $0x0  }
0x18f: {  	s11 =	sor.u32 $0x30, s23;
	[tilespmem:$0x3280] =	vst v49  }
0x190: {  	v57 =	vmov s11;
	v56 =	vor.u32 v50, v52;
	v49 =	vld.idx.msk [tilespmem:v51+s2+$0x0], $0xffff  }
0x191: {  	v52 =	vmul.u32 $0x18, v57;
	v51 =	vadd.s32 v0, v56;
	_ =	sdelay $0x1  }
0x192: {  	v52 =	vadd.s32 v48, v52  }
0x193: {  	v52 =	vbroadcast v52, $0x0  }
0x194: {  	s11 =	sor.u32 $0x40, s23;
	[tilespmem:$0x3290] =	vst v49  }
0x195: {  	v59 =	vmov s11;
	v58 =	vor.u32 v50, v52;
	v49 =	vld.idx.msk [tilespmem:v51+s2+$0x0], $0xffff  }
0x196: {  	v52 =	vmul.u32 $0x18, v59;
	v51 =	vadd.s32 v0, v58;
	_ =	sdelay $0x1  }
0x197: {  	v52 =	vadd.s32 v48, v52  }
0x198: {  	v52 =	vbroadcast v52, $0x0  }
0x199: {  	s11 =	sor.u32 $0x50, s23;
	[tilespmem:$0x32A0] =	vst v49  }
0x19a: {  	v61 =	vmov s11;
	v60 =	vor.u32 v50, v52;
	v49 =	vld.idx.msk [tilespmem:v51+s2+$0x0], $0xffff  }
0x19b: {  	v52 =	vmul.u32 $0x18, v61;
	v51 =	vadd.s32 v0, v60;
	_ =	sdelay $0x1  }
0x19c: {  	v52 =	vadd.s32 v48, v52  }
0x19d: {  	v52 =	vbroadcast v52, $0x0  }
0x19e: {  	s11 =	sor.u32 $0x60, s23;
	[tilespmem:$0x32B0] =	vst v49  }
0x19f: {  	v62 =	vmov s11;
	v52 =	vor.u32 v50, v52;
	v51 =	vld.idx.msk [tilespmem:v51+s2+$0x0], $0xffff  }
0x1a0: {  	v52 =	vadd.s32 v0, v52;
	v49 =	vmul.u32 $0x18, v62;
	_ =	sdelay $0x1  }
0x1a1: {  	v49 =	vadd.s32 v48, v49  }
0x1a2: {  	v49 =	vbroadcast v49, $0x0  }
0x1a3: {  	s23 =	sor.u32 $0x70, s23;
	[tilespmem:$0x32C0] =	vst v51  }
0x1a4: {  	v63 =	vmov s23;
	v49 =	vor.u32 v50, v49;
	v52 =	vld.idx.msk [tilespmem:v52+s2+$0x0], $0xffff  }
0x1a5: {  	v49 =	vadd.s32 v0, v49;
	v51 =	vmul.u32 $0x18, v63;
	_ =	sdelay $0x1  }
0x1a6: {  	v48 =	vadd.s32 v48, v51  }
0x1a7: {  	v48 =	vbroadcast v48, $0x0  }
0x1a8: {  	[tilespmem:$0x32D0] =	vst v52  }
0x1a9: {  	v48 =	vor.u32 v50, v48;
	v49 =	vld.idx.msk [tilespmem:v49+s2+$0x0], $0xffff  }
0x1aa: {  	v48 =	vadd.s32 v0, v48;
	_ =	sdelay $0x3  }
0x1ab: {  	s31 =	simm.s32 $0x3300;
	p0 =	sne.s32 s21, $0x42;
	s14 =	sadd.s32 $0x6, s14;
	[tilespmem:$0x32E0] =	vst v49  }
0x1ac: {  	s13 =	sadd.s32 $0x6, s13;
	s16 =	sadd.s32 $0x6, s16;
	s12 =	sadd.s32 $0x6, s12;
	v48 =	vld.idx.msk [tilespmem:v48+s2+$0x0], $0xffff  }
0x1ad: {  	s1 =	simm.s32 $0x7300;
	s18 =	sadd.s32 $0x6, s18;
	s20 =	sadd.s32 $0x6, s20  }
.Ltmp0:
0x1ae: {  	s6 =	simm.s32 $0xB300;
	s22 =	sadd.s32 $0x6, s22;
	(pc) =	sbr.rel @p0 .LBB2_2-.Ltmp0, $4  }
0x1af: {  	s24 =	sadd.s32 $0x6, s24;
	s30 =	simm.s32 $0xF300;
	s29 =	simm.s32 $0x13300  }
0x1b0: {  	s17 =	sadd.s32 $0x6, s17;
	s26 =	sadd.s32 $0x6, s26;
	s21 =	sadd.s32 $0x6, s21  }
0x1b1: {  	s19 =	sadd.s32 $0xC00000, s19;
	s9 =	simm.s32 $0x3280;
	s23 =	simm.s32 $0x17300;
	[tilespmem:$0x32F0] =	vst v48  }
0x1b2: {  	[tilespmem:s28], [sflag:$0x6] =	stream.indirect.gather [hbm4b:s4+s15], $0x80, s9, s15, $0xb8;
	[tilespmem:$0x1B300] =	vst v63  }
0x1b3: {  	_ =	swait.ge [sflag:s10], $0x4000  }
0x1b4: {  	[sflag:s10] =	ssyncset.done $0x0  }
0x1b5: {  	s26 =	simm.s32 $0x7;
	s12 =	rddreg [dreg:$0x3];
	[sflag:s10] =	ssyncadd.s32 $0xFFFFC000  }
0x1b6: {  	[hbm4b:s12+s2] =	stream.linear.scatter [tilespmem:s31], [sflag:$0x7], $0x4000, $0x38;
	[tilespmem:$0x1B300] =	vst v63  }
0x1b7: {  	_ =	swait.ge [sflag:s26], $0x4000  }
0x1b8: {  	[sflag:s26] =	ssyncset.done $0x0  }
0x1b9: {  	s28 =	simm.s32 $0x2;
	[sflag:s26] =	ssyncadd.s32 $0xFFFFC000  }
0x1ba: {  	_ =	swait.ge [sflag:s28], $0x4000  }
0x1bb: {  	[sflag:s28] =	ssyncset.done $0x0  }
0x1bc: {  	s12 =	simm.s32 $0x8;
	s11 =	rddreg [dreg:$0x4];
	[sflag:s28] =	ssyncadd.s32 $0xFFFFC000  }
0x1bd: {  	[hbm4b:s11+s2] =	stream.linear.scatter [tilespmem:s1], [sflag:$0x8], $0x4000, $0x38;
	[tilespmem:$0x1B300] =	vst v63  }
0x1be: {  	_ =	swait.ge [sflag:s12], $0x4000  }
0x1bf: {  	[sflag:s12] =	ssyncset.done $0x0  }
0x1c0: {  	s13 =	simm.s32 $0x3;
	[sflag:s12] =	ssyncadd.s32 $0xFFFFC000  }
0x1c1: {  	_ =	swait.ge [sflag:s13], $0x4000  }
0x1c2: {  	[sflag:s13] =	ssyncset.done $0x0  }
0x1c3: {  	s16 =	simm.s32 $0x9;
	s14 =	rddreg [dreg:$0x5];
	[sflag:s13] =	ssyncadd.s32 $0xFFFFC000  }
0x1c4: {  	[hbm4b:s14+s2] =	stream.linear.scatter [tilespmem:s6], [sflag:$0x9], $0x4000, $0x38;
	[tilespmem:$0x1B300] =	vst v63  }
0x1c5: {  	_ =	swait.ge [sflag:s16], $0x4000  }
0x1c6: {  	[sflag:s16] =	ssyncset.done $0x0  }
0x1c7: {  	s17 =	simm.s32 $0x4;
	[sflag:s16] =	ssyncadd.s32 $0xFFFFC000  }
0x1c8: {  	_ =	swait.ge [sflag:s17], $0x4000  }
0x1c9: {  	[sflag:s17] =	ssyncset.done $0x0  }
0x1ca: {  	s19 =	simm.s32 $0xA;
	s18 =	rddreg [dreg:$0x7];
	[sflag:s17] =	ssyncadd.s32 $0xFFFFC000  }
0x1cb: {  	[hbm4b:s18+s2] =	stream.linear.scatter [tilespmem:s30], [sflag:$0xA], $0x4000, $0x38;
	[tilespmem:$0x1B300] =	vst v63  }
0x1cc: {  	_ =	swait.ge [sflag:s19], $0x4000  }
0x1cd: {  	[sflag:s19] =	ssyncset.done $0x0  }
0x1ce: {  	s20 =	simm.s32 $0x5;
	[sflag:s19] =	ssyncadd.s32 $0xFFFFC000  }
0x1cf: {  	_ =	swait.ge [sflag:s20], $0x4000  }
0x1d0: {  	[sflag:s20] =	ssyncset.done $0x0  }
0x1d1: {  	s22 =	simm.s32 $0xB;
	s21 =	rddreg [dreg:$0x8];
	[sflag:s20] =	ssyncadd.s32 $0xFFFFC000  }
0x1d2: {  	[hbm4b:s21+s2] =	stream.linear.scatter [tilespmem:s29], [sflag:$0xB], $0x4000, $0x38;
	[tilespmem:$0x1B300] =	vst v63  }
0x1d3: {  	_ =	swait.ge [sflag:s22], $0x4000  }
0x1d4: {  	[sflag:s22] =	ssyncset.done $0x0  }
0x1d5: {  	s24 =	simm.s32 $0x6;
	[sflag:s22] =	ssyncadd.s32 $0xFFFFC000  }
0x1d6: {  	_ =	swait.ge [sflag:s24], $0x4000  }
0x1d7: {  	[sflag:s24] =	ssyncset.done $0x0  }
0x1d8: {  	s11 =	simm.s32 $0xC;
	s25 =	rddreg [dreg:$0x9];
	[sflag:s24] =	ssyncadd.s32 $0xFFFFC000  }
0x1d9: {  	[hbm4b:s25+s2] =	stream.linear.scatter [tilespmem:s23], [sflag:$0xC], $0x4000, $0x38;
	[tilespmem:$0x1B300] =	vst v63  }
0x1da: {  	_ =	swait.ge [sflag:s11], $0x4000  }
0x1db: {  	s26 =	rddreg [dreg:$0xc]  }
0x1dc: {  	s28 =	rddreg [dreg:$0xa];
	s10 =	sadd.s32 $0x1, s26  }
0x1dd: {  	p0 =	sne.s32 s10, s28  }
.Ltmp1:
0x1de: {  	_ = 	snop;
	(pc) =	sbr.rel @p0 .LBB2_1-.Ltmp1, $3  }
0x1df: {  	_ =	sdelay $0x1  }
0x1e0: {  	[sflag:s11] =	ssyncset.done $0x0  }
0x1e1: {  	s13 =	simm.s32 $0x3000;
	[sflag:s11] =	ssyncadd.s32 $0xFFFFC000  }
0x1e2: {  	_ =	sfence.sel $0x180000  }
0x1e3: {  	[bflag:$0x0] =	sbarrier.arrive $0xFFFF  }
0x1e4: {  	_ =	strace $0x90000047  }
0x1e5: {  	s0 =	stileid.u32;
	[bflag:$0x2] =	sbarrier.arrive $0xFFFF  }
0x1e6: {  	p0 =	sne.s32 s0, $0x0;
	s0 =	rddreg [dreg:$0x2]  }
0x1e7: {  	s0 =	sadd.s32 @!p0 $0x100000, s0  }
0x1e8: {  	[sflag:s0] =	ssyncadd.tile.s32 @!p0 $0x1;
	_ =	shalt  }
.Lfunc_end2:
_tile_overlayer_lowered:
.L_overlay_start_2:
0x1e9: {  	(tag) =	ssettag $0x2  }
0x1ea: {  	s0 =	rddreg [dreg:$0x0];
	s2 =	stileid.u32  }
0x1eb: {  	s1 =	rddreg [dreg:$0x1];
	p0 =	sne.s32 s2, $0x0  }
0x1ec: {  	s3 =	rddreg [dreg:$0x2];
	[bflag:$0x3] =	sbarrier.arrive $0xFFFF;
	s2 =	simm.s32 @!p0 $0x1C0D  }
0x1ed: {  	[timem:s3], [sflag:s2] =	dma.local @!p0 [hbm:s0], s1  }
0x1ee: {  	s0 =	simm.s32 @!p0 $0xD  }
0x1ef: {  	_ =	swait.ge @!p0 [sflag:s0], s1  }
0x1f0: {  	s1 =	ssub.s32 @!p0 $0x0, s1;
	[sflag:s0] =	ssyncset.done @!p0 $0x0  }
0x1f1: {  	[sflag:s0] =	ssyncadd.s32 @!p0 s1  }
0x1f2: {  	[bflag:$0x3] =	sbarrier.arrive $0xFFFF  }
0x1f3: {  	_ =	shalt  }

// kernel: sparse-core-data-format-call.cloned.1.call-start
scs
called_computation_lowered:
.L_overlay_start_0:
0x0: {  	s2 =	sld [smem:$0x3FD9]  }
0x1: {  	s3 =	sld [smem:$0x3FFE];
	_ =	sdelay $0x1  }
0x2: {  	s1 =	srdreg.scid  }
0x3: {  	s0 =	sand.u32 $0x1, s1  }
0x4: {  	s18 =	sshll.u32 s0, $0xA;
	s2 =	sadd.s32 s3, s2  }
0x5: {  	s2 =	sadd.s32 s2, s18  }
0x6: {  	[smem:$0x3FC6] =	sst s2  }
0x7: {  	_ = 	snop  }
0x8: {  	s2 =	sld [smem:$0x3FD0];
	(tm) =	ssettm $0x1  }
0x9: {  	s19 =	sld [smem:$0x3FFB];
	_ =	sdelay $0x3  }
0xa: {  	_ =	strace s19  }
0xb: {  	s3 =	sld [smem:$0x3FFC];
	_ =	sdelay $0x3  }
0xc: {  	_ =	strace s3  }
0xd: {  	s3 =	sld [smem:$0x3FFD];
	_ =	sdelay $0x3  }
0xe: {  	_ =	strace s3  }
0xf: {  	_ =	strace $0x8FFFFFFF  }
0x10: {  	s20 =	sld [smem:$0x3FDB];
	_ =	sdelay $0x1  }
0x11: {  	s4 =	simm.s32 $_scs_section_size  }
0x12: {  	s5 =	simm.s32 $_size__tile_overlayer_lowered;
	s6 =	simm.s32 $_tile_overlayer_lowered  }
0x13: {  	s23 =	simm.s32 $0x1BFF;
	s22 =	sshll.u32 s6, $0x1;
	s3 =	sadd.s32 s4, s20  }
0x14: {  	s7 =	simm.s32 $0x0;
	s21 =	sshll.u32 s5, $0x1;
	s5 =	sadd.s32 s22, s3  }
0x15: {  	[timem:s7], [sflag:s23] =	dma.local [hbm:s5], s21  }
0x16: {  	_ =	swait.ge [sflag:s23], s21  }
0x17: {  	s4 =	ssub.s32 $0x0, s21;
	[sflag:s23] =	ssyncset.done $0x0  }
0x18: {  	[sflag:s23] =	ssyncadd.s32 s4;
	_ =	sdelay $0x1  }
0x19: {  	s24 =	simm.s32 $0x1B8B  }
0x1a: {  	_ =	swait.ge [sflag:s24], $0x1  }
0x1b: {  	[sflag:s24] =	ssyncset.done $0x0  }
0x1c: {  	s26 =	simm.s32 $0x1B8E;
	s25 =	sld [smem:$0x3FFE];
	[sflag:s24] =	ssyncadd.s32 $0xFFFFFFFF  }
0x1d: {  	s27 =	simm.s32 $execute0_lowered;
	[smem:$0x3FD2] =	sst s26  }
0x1e: {  	s5 =	sshll.u32 s27, $0x1;
	_ =	strace $0x80000049;
	[dreg:$0x1] =	wrdreg $0xFFFFFFFF  }
0x1f: {  	s28 =	simm.s32 $_size_execute0_lowered;
	s3 =	sadd.s32 s3, s5;
	[dreg:$0x0] =	wrdreg $0x0  }
0x20: {  	s5 =	sshll.u32 s28, $0x1;
	[dreg:$0x2] =	wrdreg s3  }
0x21: {  	[dreg:$0x3] =	wrdreg s5  }
0x22: {  	[dreg:$0x4] =	wrdreg $0xC0  }
0x23: {  	_ =	task [dreg:s7], $0x5FFFF  }
0x24: {  	[dreg:$0x1] =	wrdreg $0xFFFFFFFF  }
0x25: {  	[dreg:$0x0] =	wrdreg $0x60  }
0x26: {  	[dreg:$0x2] =	wrdreg s25  }
0x27: {  	[dreg:$0x3] =	wrdreg s2  }
0x28: {  	[dreg:$0x4] =	wrdreg $0x9  }
0x29: {  	_ =	task.clear_ibuf [dreg:s7], $0x5FFFF;
	_ =	strace $0x90000049  }
0x2a: {  	s29 =	simm.s32 $0x9;
	_ =	strace $0x8000004B  }
0x2b: {  	_ =	swait.ge [sflag:s29], $0x1  }
0x2c: {  	[sflag:s29] =	ssyncadd.s32 $0xFFFFFFFF  }
0x2d: {  	_ =	strace $0x9000004B  }
0x2e: {  	_ =	sfence  }
0x2f: {  	s30 =	sld [smem:$0x0];
	_ =	sdelay $0x2  }
0x30: {  	s31 =	sshll.u32 s1, $0xD;
	s1 =	sshrl.u32 s1, $0x2  }
0x31: {  	s3 =	sand.u32 $0x4000, s31;
	s1 =	sadd.s32 s1, s30  }
0x32: {  	s0 =	sor.u32 s3, s0;
	s1 =	sshll.u32 s1, $0x11  }
0x33: {  	s0 =	sor.u32 s1, s0  }
0x34: {  	s0 =	sadd.s32 $0x8F2B, s0  }
0x35: {  	[sflag:s0] =	ssyncadd.remote.s32 $0x1  }
0x36: {  	_ =	sfence.sel $0xFFFF  }
0x37: {  	[dreg:$0x0] =	wrdreg $0xFFFFFFFF;
	(pc) =	sbr.abs _section_cstart, $3  }
0x38: {  	[dreg:$0x1] =	wrdreg $0xFFFFFFFF  }
0x39: {  	_ =	task.clear_ibuf [dreg:s7], $0x2FFFF;
	_ =	strace $0x9FFFFFFF  }
0x3a: {  	(tm) =	ssettm $0x7FFFFFFF  }
0x3b: {  	_ =	shalt  }
tec
execute0_lowered:
.L_overlay_start_1:
0x0: {  	(tag) =	ssettag $0x1  }
0x1: {  	s0 =	srdreg.scid  }
0x2: {  	s1 =	sshll.u32 s0, $0x4  }
0x3: {  	s0 =	stileid.u32;
	s1 =	sand.u32 $0x10, s1  }
0x4: {  	s7 =	rddreg [dreg:$0x0];
	s1 =	sor.u32 s0, s1  }
0x5: {  	s4 =	simm.s32 $0x1;
	s8 =	simm.s32 $0x2;
	s2 =	sshll.u32 s1, $0x7  }
0x6: {  	s13 =	simm.s32 $0x0;
	s9 =	simm.s32 $0x20000;
	s1 =	ssub.s32 $0x4000, s2  }
0x7: {  	s14 =	simm.s32 $0x0;
	s11 =	simm.s32 $0x0;
	s3 =	sand.u32 $0xF80, s1  }
0x8: {  	s12 =	simm.s32 $0x0;
	s5 =	sshrl.u32 s1, $0xC;
	p0 =	sne.s32 s3, $0x0  }
.Ltmp0:
0x9: {  	s1 =	rddreg [dreg:$0x2];
	s4 =	simm.s32 @!p0 $0x0;
	(pc) =	sbr.rel .LBB1_1-.Ltmp0, $4  }
0xa: {  	s6 =	sadd.s32 $0xA00, s7;
	s3 =	rddreg [dreg:$0x1];
	s5 =	sadd.s32 s4, s5  }
0xb: {  	_ =	strace $0x8000004A;
	s4 =	simm.s32 $0x1;
	s5 =	smul.u32 $0xA, s5  }
0xc: {  	s7 =	sadd.s32 $0x40A00, s7;
	s10 =	smov.u32 s2;
	[sflag:s4] =	ssyncpa.u1 $0x0  }
0xd: {  	p0 =	por $0x0, $0x0;
	[sflag:s8] =	ssyncpa.u1 $0x0;
	s8 =	sor.u32 $0x1, s5  }
.LBB1_7:
0xe: {  	s15 =	sadd.s32 $0x1000, s10  }
0xf: {  	s13 =	sadd.s32 $0x2, s11;
	s17 =	smov.u32 s11;
	p2 =	sgt.s32 s15, $0x3FFF  }
0x10: {  	s17 =	smov.u32 @p2 s13  }
0x11: {  	s15 =	smov.u32 @p2 s2;
	p2 =	sgt.s32 s17, $0x13  }
0x12: {  	s17 =	simm.s32 @p2 $0x0;
	p2 =	sne.s32 s12, s8  }
.Ltmp1:
0x13: {  	p1 =	slt.u32 s12, $0x2;
	(pc) =	sbr.rel @!p2 .LBB1_8-.Ltmp1, $4  }
0x14: {  	s16 =	simm.s32 @!p1 $0x2  }
0x15: {  	s14 =	smov.u32 s11;
	p0 =	por !p0, !p0;
	_ =	swait.ge @!p1 [sflag:s16], $0x4000  }
0x16: {  	s13 =	smov.u32 s10;
	[sflag:s16] =	ssyncset.done @!p1 $0x0;
	s10 =	smov.u32 s15  }
0x17: {  	s12 =	sadd.s32 $0x1, s12;
	[sflag:s16] =	ssyncadd.s32 @!p1 $0xFFFFC000;
	s11 =	smov.u32 s17  }
.LBB1_1:
0x18: {  	p1 =	sge.u32 s12, s5  }
0x19: {  	s15 =	sxor.u32 @!p1 $0xFFFFFFFF, s12;
	s16 =	sshll.u32 @!p1 s11, $0x12  }
0x1a: {  	s17 =	sshll.u32 @!p1 s10, $0x4;
	s19 =	simm.s32 @!p1 $0x40;
	s20 =	simm.s32 @!p1 $0x80  }
0x1b: {  	s15 =	sshll.u32 @!p1 s15, $0xE;
	s17 =	sand.u32 @!p1 $0x3FFF0, s17;
	s18 =	sadd.s32 @!p1 s6, s16  }
0x1c: {  	s16 =	sadd.s32 @!p1 s16, s7;
	s15 =	sand.u32 @!p1 $0x4000, s15;
	s18 =	sadd.s32 @!p1 s17, s18  }
0x1d: {  	[tilespmem:s15], [sflag:$0x1] =	stream.strided.gather @!p1 [hbm4b:s18+s19], $0x2000, s20, s19, $0x38;
	[tilespmem:$0x10100] =	vst v63  }
0x1e: {  	s31 =	sadd.s32 $0xFFFFFFFF, s12;
	s16 =	sadd.s32 @!p1 s17, s16;
	s15 =	sor.u32 @!p1 $0x2000, s15  }
0x1f: {  	[tilespmem:s15], [sflag:$0x1] =	stream.strided.gather @!p1 [hbm4b:s16+s19], $0x2000, s20, s19, $0x38;
	[tilespmem:$0x10100] =	vst v63  }
0x20: {  	p1 =	sge.u32 s31, s5  }
.Ltmp2:
0x21: {  	_ = 	snop;
	(pc) =	sbr.rel @p1 .LBB1_7-.Ltmp2, $1  }
0x22: {  	_ =	sdelay $0x3  }
0x23: {  	s15 =	simm.s32 $0x1;
	s17 =	sand.u32 $0x1, s12  }
0x24: {  	_ =	swait.ge [sflag:s4], $0x4000;
	s15 =	simm.s32 @!p0 $0x0;
	s17 =	smul.u32 $0x10200, s17  }
0x25: {  	p2 =	por $0x1, $0x1;
	[sflag:s4] =	ssyncset.done $0x0;
	s16 =	smul.u32 $0x10200, s15  }
0x26: {  	s18 =	sshll.u32 s15, $0x10;
	[sflag:s4] =	ssyncadd.s32 $0xFFFFC000;
	s30 =	sshrl.u32 s17, $0x2  }
0x27: {  	s31 =	sshrl.u32 s18, $0x2;
	s18 =	simm.s32 $0x0;
	s16 =	sshrl.u32 s16, $0x2  }
0x28: {  	s15 =	sor.u32 $0x8000, s30;
	s17 =	sadd.s32 $0x20, s31;
	s16 =	sor.u32 $0x8000, s16  }
.LBB1_3:
0x29: {  	s19 =	sshll.u32 s18, $0xD  }
0x2a: {  	s19 =	sand.u32 $0x3FFFE000, s19  }
0x2b: {  	s21 =	sadd.s32 s19, s17  }
0x2c: {  	s31 =	smul.u32 $0x8100, s18;
	v3 =	vld [tilespmem:s21+$0x10]  }
0x2d: {  	v1 =	vld [tilespmem:s21+$0xFFFFFFF0]  }
0x2e: {  	s18 =	sshra.s32 s31, $0x2;
	v0 =	vld [tilespmem:s21+$0x0]  }
0x2f: {  	s18 =	sadd.s32 s18, s16;
	v2 =	vld [tilespmem:s21+$0xFFFFFFE0]  }
0x30: {  	s19 =	sadd.s32 $0x0, s18  }
0x31: {  	p1 =	por p2, p2;
	s20 =	simm.s32 $0x4;
	s21 =	sadd.s32 $0x40, s21;
	[tilespmem:s19+$0x1830 ss:$0x81] =	vst.msk $0xffff, v3  }
.LBB1_4:
0x32: {  	v3 =	vld [tilespmem:s21+$0x10];
	p2 =	sne.s32 s20, $0x1FC;
	[tilespmem:s19+$0x810 ss:$0x81] =	vst.msk $0xffff, v1;
	s22 =	smov.u32 s20;
	s20 =	sadd.s32 $0x4, s20  }
.Ltmp3:
0x33: {  	v1 =	vld [tilespmem:s21+$0xFFFFFFF0];
	[tilespmem:s19+$0x1020 ss:$0x81] =	vst.msk $0xffff, v0;
	(pc) =	sbr.rel @p2 .LBB1_4-.Ltmp3, $4  }
0x34: {  	v0 =	vld [tilespmem:s21+$0x0];
	[tilespmem:s19+$0x0 ss:$0x81] =	vst.msk $0xffff, v2  }
0x35: {  	s19 =	sshra.s32 s22, $0x2;
	v2 =	vld [tilespmem:s21+$0xFFFFFFE0]  }
0x36: {  	s19 =	sadd.s32 s19, s18  }
0x37: {  	s21 =	sadd.s32 $0x40, s21;
	[tilespmem:s19+$0x1830 ss:$0x81] =	vst.msk $0xffff, v3  }
.Ltmp4:
0x38: {  	(pc) =	sbr.rel @p1 .LBB1_3-.Ltmp4, $4  }
0x39: {  	_ = 	snop  }
0x3a: {  	[tilespmem:s19+$0x810 ss:$0x81] =	vst.msk $0xffff, v1  }
0x3b: {  	[tilespmem:s19+$0x1020 ss:$0x81] =	vst.msk $0xffff, v0  }
0x3c: {  	s18 =	simm.s32 $0x1;
	p2 =	por $0x0, $0x0;
	[tilespmem:s19+$0x0 ss:$0x81] =	vst.msk $0xffff, v2  }
0x3d: {  	s16 =	sshll.u32 s13, $0x3;
	s17 =	sand.u32 $0x78, s13;
	s14 =	sshll.u32 s14, $0x11  }
.Ltmp5:
0x3e: {  	s30 =	sand.u32 $0x1F800, s13;
	s16 =	sand.u32 $0x3C00, s16;
	(pc) =	sbr.rel .LBB1_7-.Ltmp5, $4  }
0x3f: {  	s31 =	sand.u32 $0x7, s13;
	s14 =	sadd.s32 s3, s14;
	s16 =	sor.u32 s17, s16  }
0x40: {  	s13 =	sshll.u32 s31, $0x12;
	s14 =	sadd.s32 s30, s14;
	s16 =	sshrl.u32 s16, $0x3  }
0x41: {  	s13 =	sor.u32 $0x400, s13;
	s14 =	sadd.s32 s16, s14  }
0x42: {  	[hbm4b:s14+s13] =	stream.strided.scatter [tilespmem:s15], [sflag:$0x2], $0x4000, s9, s13, $0x20;
	[tilespmem:$0x10100] =	vst v63  }
.LBB1_8:
0x43: {  	_ =	sfence.sel $0x180000  }
0x44: {  	s2 =	simm.s32 $0x1;
	[bflag:$0x0] =	sbarrier.arrive $0xFFFF  }
0x45: {  	s31 =	simm.s32 $0x2;
	[sflag:s2] =	ssyncpa.u1 $0x1  }
0x46: {  	[sflag:s31] =	ssyncpa.u1 $0x1  }
0x47: {  	p0 =	sne.s32 s0, $0x0;
	_ =	strace $0x9000004A  }
0x48: {  	s0 =	sadd.s32 @!p0 $0x100000, s1;
	[bflag:$0x2] =	sbarrier.arrive $0xFFFF  }
0x49: {  	[sflag:s0] =	ssyncadd.tile.s32 @!p0 $0x1;
	_ =	shalt  }
.Lfunc_end1:
_tile_overlayer_lowered:
.L_overlay_start_2:
0x4a: {  	(tag) =	ssettag $0x2  }
0x4b: {  	s0 =	rddreg [dreg:$0x0];
	s2 =	stileid.u32  }
0x4c: {  	s1 =	rddreg [dreg:$0x1];
	p0 =	sne.s32 s2, $0x0  }
0x4d: {  	s3 =	rddreg [dreg:$0x2];
	[bflag:$0x3] =	sbarrier.arrive $0xFFFF;
	s2 =	simm.s32 @!p0 $0x1C01  }
0x4e: {  	[timem:s3], [sflag:s2] =	dma.local @!p0 [hbm:s0], s1  }
0x4f: {  	s0 =	simm.s32 @!p0 $0x1  }
0x50: {  	_ =	swait.ge @!p0 [sflag:s0], s1  }
0x51: {  	s1 =	ssub.s32 @!p0 $0x0, s1;
	[sflag:s0] =	ssyncset.done @!p0 $0x0  }
0x52: {  	[sflag:s0] =	ssyncadd.s32 @!p0 s1  }
0x53: {  	[bflag:$0x3] =	sbarrier.arrive $0xFFFF  }
0x54: {  	_ =	shalt  }

</sc_bundles>
